<compile_context>
chip_gen: v7x
topology: tpu7x:2x2x1
jax: 0.10.2.dev20260603
libtpu: 0.0.44.dev20260713+nightly
codegen_flags: <defaults>
</compile_context>

<pallas_src>
import functools

import jax
import jax.numpy as jnp
from jax import lax
from jax.experimental import pallas as pl
from jax.experimental.pallas import tpu as pltpu
from jax.experimental.pallas import tpu_sc as plsc

EMB = 128
NV = 10000
KNN = 11
SIZE = 296
NPIX = SIZE * SIZE
CHUNK = 2744
GRID_ROWS = 32 * CHUNK
HALF = 16 * CHUNK
TRASH0 = NPIX
TRASH1 = NPIX + 8
NQ = 4096
NS = 2048
QBLK = 512
ROWS = 8
NSTRIP = SIZE // ROWS
SPAT = ROWS * SIZE



def _sc_gather_body(emb_hbm, tp8_hbm, vis_hbm, tof_hbm, xyz_hbm,
                    idx_v, emb_v, xyz_v, sem):
    c = lax.axis_index("c")
    s = lax.axis_index("s")
    wid = c * 16 + s
    base = wid * 64
    pltpu.sync_copy(vis_hbm.at[pl.ds(base, 64)], idx_v)
    pltpu.async_copy(emb_hbm.at[idx_v], emb_v, sem).wait()
    pltpu.sync_copy(emb_v, tof_hbm.at[pl.ds(base, 64)])
    pltpu.async_copy(tp8_hbm.at[idx_v], xyz_v, sem).wait()
    pltpu.sync_copy(xyz_v, xyz_hbm.at[pl.ds(base, 64)])


def _sc_gather(emb, tp8, vis):
    mesh = plsc.VectorSubcoreMesh(core_axis_name="c", subcore_axis_name="s")
    kern = functools.partial(
        pl.kernel,
        mesh=mesh,
        compiler_params=pltpu.CompilerParams(use_tc_tiling_on_sc=True),
        out_type=[
            jax.ShapeDtypeStruct((NS, EMB), jnp.float32),
            jax.ShapeDtypeStruct((NS, EMB), jnp.float32),
        ],
        scratch_types=[
            pltpu.VMEM((64,), jnp.int32),
            pltpu.VMEM((64, EMB), jnp.float32),
            pltpu.VMEM((64, EMB), jnp.float32),
            pltpu.SemaphoreType.DMA,
        ],
    )(_sc_gather_body)
    return kern(emb, tp8, vis)


def _sc_scatter_body(interp_hbm, tofp_hbm, fillrow_hbm, fillblk_hbm,
                     aidx0_hbm, aidx1_hbm, pidx0_hbm, pidx1_hbm, grid_hbm,
                     fill_v, idxa_v, rowsa_v, idxp_v, rowsp_v, sem):
    c = lax.axis_index("c")
    s = lax.axis_index("s")
    pltpu.sync_copy(fillblk_hbm, fill_v.at[pl.ds(0, 128)])
    pltpu.sync_copy(fillblk_hbm, fill_v.at[pl.ds(128, 128)])
    fbase = (c * 16 + s) * CHUNK
    copies = []
    for j in range(CHUNK // 256):
        copies.append(pltpu.async_copy(
            fill_v, grid_hbm.at[pl.ds(fbase + j * 256, 256)], sem))
    rem = CHUNK - 256 * (CHUNK // 256)
    copies.append(pltpu.async_copy(
        fill_v.at[pl.ds(0, rem)],
        grid_hbm.at[pl.ds(fbase + 256 * (CHUNK // 256), rem)], sem))
    for cp in copies:
        cp.wait()
    plsc.subcore_barrier()
    abase = s * 256

    @pl.when(c == 0)
    def _():
        for j in range(2):
            pltpu.sync_copy(aidx0_hbm.at[pl.ds(abase + j * 128, 128)],
                            idxa_v.at[j])

    @pl.when(c == 1)
    def _():
        for j in range(2):
            pltpu.sync_copy(aidx1_hbm.at[pl.ds(abase + j * 128, 128)],
                            idxa_v.at[j])

    for j in range(2):
        pltpu.sync_copy(interp_hbm.at[pl.ds(abase + j * 128, 128)],
                        rowsa_v.at[j])
        pltpu.async_copy(rowsa_v.at[j], grid_hbm.at[idxa_v.at[j]], sem).wait()
    plsc.subcore_barrier()
    pbase = s * 128

    @pl.when(c == 0)
    def _():
        pltpu.sync_copy(pidx0_hbm.at[pl.ds(pbase, 128)], idxp_v)

    @pl.when(c == 1)
    def _():
        pltpu.sync_copy(pidx1_hbm.at[pl.ds(pbase, 128)], idxp_v)

    pltpu.sync_copy(tofp_hbm.at[pl.ds(pbase, 128)], rowsp_v)
    pltpu.async_copy(rowsp_v, grid_hbm.at[idxp_v], sem).wait()
    plsc.subcore_barrier()
    @pl.when((c == 0) & (s == 0))
    def _():
        pltpu.sync_copy(fillrow_hbm, grid_hbm.at[pl.ds(0, 1)])


def _sc_scatter(interp, tofp, fillrow, fillblk, aidx0, aidx1, pidx0, pidx1):
    mesh = plsc.VectorSubcoreMesh(core_axis_name="c", subcore_axis_name="s")
    kern = functools.partial(
        pl.kernel,
        mesh=mesh,
        compiler_params=pltpu.CompilerParams(use_tc_tiling_on_sc=True),
        out_type=jax.ShapeDtypeStruct((GRID_ROWS, EMB), jnp.float32),
        scratch_types=[
            pltpu.VMEM((256, EMB), jnp.float32),
            pltpu.VMEM((2, 128), jnp.int32),
            pltpu.VMEM((2, 128, EMB), jnp.float32),
            pltpu.VMEM((128,), jnp.int32),
            pltpu.VMEM((128, EMB), jnp.float32),
            pltpu.SemaphoreType.DMA,
        ],
    )(_sc_scatter_body)
    return kern(interp, tofp, fillrow, fillblk, aidx0, aidx1, pidx0, pidx1)



def _geom_body(xyz_ref, tr_ref, tof0_ref, fill_ref, apm_ref,
               tofp_ref, pcoord_ref, pidx0_ref, pidx1_ref,
               aidx0_ref, aidx1_ref):
    ph = xyz_ref[:, 0:4]
    tr = tr_ref[...]
    cam = lax.dot_general(ph, tr, (((1,), (1,)), ((), ())),
                          preferred_element_type=jnp.float32)
    x = cam[:, 0]
    y = cam[:, 1]
    z = cam[:, 2]
    zs = jnp.where(jnp.abs(z) < 1e-6, 1e-6, z)
    u = 12.0 * x / zs + SIZE / 2.0
    v = 12.0 * y / zs + SIZE / 2.0
    px = jnp.round(u)
    py = jnp.round(v)
    bad = (px < 0.0) | (px > 295.0) | (py < 0.0) | (py > 295.0)
    px = jnp.where(bad, 0.0, px)
    py = jnp.where(bad, 0.0, py)
    tofp_ref[...] = jnp.where(bad[:, None], fill_ref[...][None, :],
                              tof0_ref[...])
    pcoord_ref[0:1, :] = px.reshape(1, NS)
    pcoord_ref[1:2, :] = py.reshape(1, NS)
    pcoord_ref[2:8, :] = jnp.zeros((6, NS), jnp.float32)
    pid = py.astype(jnp.int32) * SIZE + px.astype(jnp.int32)
    pid_row = pid.reshape(1, NS)
    col = lax.broadcasted_iota(jnp.int32, (1, NS), 1)
    loser_parts = []
    for cblk in range(4):
        pc_chunk = pid[cblk * 512:(cblk + 1) * 512]
        row_ids = lax.broadcasted_iota(jnp.int32, (512, 1), 0) + cblk * 512
        eq = (pc_chunk[:, None] == pid_row) & (col > row_ids)
        loser_parts.append(jnp.any(eq, axis=1).astype(jnp.int32))
    loser = jnp.concatenate(loser_parts, axis=0)
    own0 = pid < HALF
    keep = loser == 0
    pidx0_ref[...] = jnp.where(own0 & keep, pid, TRASH0)
    pidx1_ref[...] = jnp.where(jnp.logical_not(own0) & keep, pid, TRASH1)
    apm = apm_ref[...]
    aid = apm[:, 1] * SIZE + apm[:, 0]
    aown0 = aid < HALF
    aidx0_ref[...] = jnp.where(aown0, aid, TRASH0)
    aidx1_ref[...] = jnp.where(jnp.logical_not(aown0), aid, TRASH1)


def _geom(xyz8, transform, tof0, filler, apm):
    return pl.pallas_call(
        _geom_body,
        out_shape=[
            jax.ShapeDtypeStruct((NS, EMB), jnp.float32),
            jax.ShapeDtypeStruct((8, NS), jnp.float32),
            jax.ShapeDtypeStruct((NS,), jnp.int32),
            jax.ShapeDtypeStruct((NS,), jnp.int32),
            jax.ShapeDtypeStruct((NQ,), jnp.int32),
            jax.ShapeDtypeStruct((NQ,), jnp.int32),
        ],
    )(xyz8, transform, tof0, filler, apm)



def _knn_body(apmf_ref, pcoord_ref, tofp_ref, out_ref):
    qx = apmf_ref[:, 0:1]
    qy = apmf_ref[:, 1:2]
    px = pcoord_ref[0:1, :]
    py = pcoord_ref[1:2, :]
    dx = qx - px
    dy = qy - py
    d2 = dx * dx + dy * dy
    col = lax.broadcasted_iota(jnp.int32, (QBLK, NS), 1)
    key = d2.astype(jnp.int32) * NS + col
    big = jnp.int32(2147483647)
    kw = key
    for _ in range(KNN - 1):
        m = jnp.min(kw, axis=1, keepdims=True)
        kw = jnp.where(kw == m, big, kw)
    t11 = jnp.min(kw, axis=1, keepdims=True)
    wt = 1.0 / (jnp.sqrt(d2 + 1e-12) + 1e-8)
    wmat = jnp.where(key <= t11, wt, 0.0)
    wsum = jnp.sum(wmat, axis=1, keepdims=True)
    wmat = wmat / wsum
    out_ref[...] = jnp.dot(wmat, tofp_ref[...],
                           preferred_element_type=jnp.float32)


def _knn(apmf, pcoord, tofp):
    return pl.pallas_call(
        _knn_body,
        grid=(NQ // QBLK,),
        in_specs=[
            pl.BlockSpec((QBLK, 2), lambda i: (i, 0)),
            pl.BlockSpec((8, NS), lambda i: (0, 0)),
            pl.BlockSpec((NS, EMB), lambda i: (0, 0)),
        ],
        out_specs=pl.BlockSpec((QBLK, EMB), lambda i: (i, 0)),
        out_shape=jax.ShapeDtypeStruct((NQ, EMB), jnp.float32),
    )(apmf, pcoord, tofp)



def _strip_hwc(prev, cur, nxt, i, cin):
    top = jnp.where(i == 0, jnp.zeros((1, SIZE, cin), jnp.bfloat16), prev)
    bot = jnp.where(i == NSTRIP - 1, jnp.zeros((1, SIZE, cin), jnp.bfloat16),
                    nxt)
    rows = jnp.concatenate([top, cur, bot], axis=0)
    zc = jnp.zeros((ROWS + 2, 1, cin), jnp.bfloat16)
    return jnp.concatenate([zc, rows, zc], axis=1)


def _conv_taps_hwc(strip, w_ref, acc_ref, cin, cout):
    first = True
    for kw in range(3):
        xs = strip[:, kw:kw + SIZE, :]
        for kh in range(3):
            xt = xs[kh:kh + ROWS].reshape(SPAT, cin)
            d = lax.dot_general(
                xt, w_ref[kh, kw], (((1,), (0,)), ((), ())),
                preferred_element_type=jnp.float32)
            if first:
                acc_ref[...] = d
                first = False
            else:
                acc_ref[...] += d
    return acc_ref[...]


def _make_conv_hwc(cin, cout, relu, out_dtype, in_f32=False):
    def body(prev_ref, cur_ref, nxt_ref, w_ref, a_ref, b_ref, out_ref,
             acc_ref):
        i = pl.program_id(0)
        if in_f32:
            prev = prev_ref[...].astype(jnp.bfloat16)
            cur = cur_ref[...].astype(jnp.bfloat16)
            nxt = nxt_ref[...].astype(jnp.bfloat16)
        else:
            prev, cur, nxt = prev_ref[...], cur_ref[...], nxt_ref[...]
        strip = _strip_hwc(prev, cur, nxt, i, cin)
        acc = _conv_taps_hwc(strip, w_ref, acc_ref, cin, cout)
        y = acc * a_ref[...][None, :] + b_ref[...][None, :]
        if relu:
            y = jnp.maximum(y, 0.0)
        out_ref[...] = y.reshape(ROWS, SIZE, cout).astype(out_dtype)

    def run(x, w, a, b):
        hspec = lambda f: pl.BlockSpec((1, SIZE, cin), f)
        return pl.pallas_call(
            body,
            grid=(NSTRIP,),
            in_specs=[
                hspec(lambda i: (jnp.maximum(i * ROWS - 1, 0), 0, 0)),
                pl.BlockSpec((ROWS, SIZE, cin), lambda i: (i, 0, 0)),
                hspec(lambda i: (jnp.minimum(i * ROWS + ROWS, SIZE - 1), 0, 0)),
                pl.BlockSpec((3, 3, cin, cout), lambda i: (0, 0, 0, 0)),
                pl.BlockSpec((cout,), lambda i: (0,)),
                pl.BlockSpec((cout,), lambda i: (0,)),
            ],
            out_specs=pl.BlockSpec((ROWS, SIZE, cout), lambda i: (i, 0, 0)),
            out_shape=jax.ShapeDtypeStruct((SIZE, SIZE, cout), out_dtype),
            scratch_shapes=[pltpu.VMEM((SPAT, cout), jnp.float32)],
        )(x, x, x, w, a, b)

    return run


def _conv1_body(prev_ref, cur_ref, nxt_ref, w_ref, a_ref, b_ref, out_ref,
                acc_ref):
    i = pl.program_id(0)
    prev = prev_ref[...].astype(jnp.bfloat16)
    cur = cur_ref[...].reshape(ROWS, SIZE, EMB).astype(jnp.bfloat16)
    nxt = nxt_ref[...].astype(jnp.bfloat16)
    top = jnp.where(i == 0, jnp.zeros((1, SIZE, EMB), jnp.bfloat16),
                    prev.reshape(1, SIZE, EMB))
    bot = jnp.where(i == NSTRIP - 1, jnp.zeros((1, SIZE, EMB), jnp.bfloat16),
                    nxt.reshape(1, SIZE, EMB))
    rows = jnp.concatenate([top, cur, bot], axis=0)
    zc = jnp.zeros((ROWS + 2, 1, EMB), jnp.bfloat16)
    strip = jnp.concatenate([zc, rows, zc], axis=1)
    acc = _conv_taps_hwc(strip, w_ref, acc_ref, EMB, 512)
    y = acc * a_ref[...][None, :] + b_ref[...][None, :]
    y = jnp.maximum(y, 0.0)
    out_ref[...] = y.reshape(ROWS, SIZE, 512).astype(jnp.bfloat16)


def _conv1(grid, w, a, b):
    return pl.pallas_call(
        _conv1_body,
        grid=(NSTRIP,),
        in_specs=[
            pl.BlockSpec((SIZE, EMB),
                         lambda i: (jnp.maximum(i - 1, 0) * ROWS + ROWS - 1, 0)),
            pl.BlockSpec((SPAT, EMB), lambda i: (i, 0)),
            pl.BlockSpec((SIZE, EMB),
                         lambda i: (jnp.minimum(i + 1, NSTRIP - 1) * ROWS, 0)),
            pl.BlockSpec((3, 3, EMB, 512), lambda i: (0, 0, 0, 0)),
            pl.BlockSpec((512,), lambda i: (0,)),
            pl.BlockSpec((512,), lambda i: (0,)),
        ],
        out_specs=pl.BlockSpec((ROWS, SIZE, 512), lambda i: (i, 0, 0)),
        out_shape=jax.ShapeDtypeStruct((SIZE, SIZE, 512), jnp.bfloat16),
        scratch_shapes=[pltpu.VMEM((SPAT, 512), jnp.float32)],
    )(grid, grid, grid, w, a, b)


def _conv4_body(prev_ref, cur_ref, nxt_ref, w_ref, a_ref, b_ref, feat_ref,
                out_ref, y_ref, psum_ref, acc_ref):
    i = pl.program_id(0)
    strip = _strip_hwc(prev_ref[...], cur_ref[...], nxt_ref[...], i, 256)
    acc = _conv_taps_hwc(strip, w_ref, acc_ref, 256, 256)
    o = acc * a_ref[...][None, :] + b_ref[...][None, :]
    o = jnp.maximum(o, 0.0)
    o3 = o.reshape(ROWS, SIZE, 256)
    out_ref[...] = o3
    y_ref[...] = o3 + feat_ref[...]

    @pl.when(i == 0)
    def _():
        psum_ref[...] = jnp.zeros((1, 1), jnp.float32)

    psum_ref[...] += jnp.sum(o).reshape(1, 1)


def _conv4(x, w, a, b, feat):
    xspec = lambda f: pl.BlockSpec((ROWS, SIZE, 256), f)
    hspec = lambda f: pl.BlockSpec((1, SIZE, 256), f)
    return pl.pallas_call(
        _conv4_body,
        grid=(NSTRIP,),
        in_specs=[
            hspec(lambda i: (jnp.maximum(i * ROWS - 1, 0), 0, 0)),
            xspec(lambda i: (i, 0, 0)),
            hspec(lambda i: (jnp.minimum(i * ROWS + ROWS, SIZE - 1), 0, 0)),
            pl.BlockSpec((3, 3, 256, 256), lambda i: (0, 0, 0, 0)),
            pl.BlockSpec((256,), lambda i: (0,)),
            pl.BlockSpec((256,), lambda i: (0,)),
            xspec(lambda i: (i, 0, 0)),
        ],
        out_specs=[
            pl.BlockSpec((ROWS, SIZE, 256), lambda i: (i, 0, 0)),
            pl.BlockSpec((ROWS, SIZE, 256), lambda i: (i, 0, 0)),
            pl.BlockSpec((1, 1), lambda i: (0, 0)),
        ],
        out_shape=[
            jax.ShapeDtypeStruct((SIZE, SIZE, 256), jnp.float32),
            jax.ShapeDtypeStruct((SIZE, SIZE, 256), jnp.float32),
            jax.ShapeDtypeStruct((1, 1), jnp.float32),
        ],
        scratch_shapes=[pltpu.VMEM((SPAT, 256), jnp.float32)],
    )(x, x, x, w, a, b, feat)


def _ow4_body(x_ref, w_ref, b_ref, out_ref):
    xt = x_ref[...].reshape(SPAT, 256)
    acc = lax.dot_general(xt, w_ref[...], (((1,), (0,)), ((), ())),
                          preferred_element_type=jnp.float32)
    acc = acc + b_ref[...][None, :]
    out_ref[...] = acc.reshape(ROWS, SIZE, 256)


def _ow4(x, w, b):
    return pl.pallas_call(
        _ow4_body,
        grid=(NSTRIP,),
        in_specs=[
            pl.BlockSpec((ROWS, SIZE, 256), lambda i: (i, 0, 0)),
            pl.BlockSpec((256, 256), lambda i: (0, 0)),
            pl.BlockSpec((256,), lambda i: (0,)),
        ],
        out_specs=pl.BlockSpec((ROWS, SIZE, 256), lambda i: (i, 0, 0)),
        out_shape=jax.ShapeDtypeStruct((SIZE, SIZE, 256), jnp.float32),
    )(x, w, b)


def _prep_w(w):
    return jnp.transpose(w, (2, 3, 1, 0)).astype(jnp.bfloat16)


def kernel(features, target_points, visible_points, transform, all_pts_mask,
           params):
    p = params
    inv_s = 1.0 / jnp.sqrt(jnp.float32(1.0 + 1e-5))
    tp = target_points[0]
    tp8 = jnp.concatenate(
        [tp, jnp.ones((NV, 1), jnp.float32),
         jnp.zeros((NV, EMB - 4), jnp.float32)], axis=1)
    vis = visible_points[0].astype(jnp.int32)
    apm = all_pts_mask[0].astype(jnp.int32)
    filler = p['filler'].astype(jnp.float32)

    tof0, xyz8 = _sc_gather(p['emb'].astype(jnp.float32), tp8, vis)
    tofp, pcoord, pidx0, pidx1, aidx0, aidx1 = _geom(
        xyz8, transform[0], tof0, filler, apm)
    interp = _knn(apm.astype(jnp.float32), pcoord, tofp)

    fillrow = filler.reshape(1, EMB)
    fillblk = jnp.broadcast_to(filler[None, :], (128, EMB))
    grid = _sc_scatter(interp, tofp, fillrow, fillblk,
                       aidx0, aidx1, pidx0, pidx1)

    def ab(g, cb, be):
        a = g * inv_s
        return a, cb * a + be

    a1, b1 = ab(p['g1'], p['cb1'], p['be1'])
    a2, b2 = ab(p['g2'], p['cb2'], p['be2'])
    a3, b3 = ab(p['g3'], p['cb3'], p['be3'])
    a4, b4 = ab(p['g4'], p['cb4'], p['be4'])

    x1 = _conv1(grid, _prep_w(p['cw1']), a1, b1)
    x2 = _make_conv_hwc(512, 512, True, jnp.bfloat16)(
        x1, _prep_w(p['cw2']), a2, b2)
    x3 = _make_conv_hwc(512, 256, True, jnp.bfloat16)(
        x2, _prep_w(p['cw3']), a3, b3)
    feat = jnp.transpose(features[0], (1, 2, 0))
    output, y, psum = _conv4(x3, _prep_w(p['cw4']), a4, b4, feat)

    ones = jnp.ones((256,), jnp.float32)
    z1 = _make_conv_hwc(256, 256, True, jnp.bfloat16, in_f32=True)(
        y, _prep_w(p['ow1']), ones, p['ob1'])
    z2 = _make_conv_hwc(256, 256, True, jnp.bfloat16)(
        z1, _prep_w(p['ow2']), ones, p['ob2'])
    z3 = _make_conv_hwc(256, 256, True, jnp.bfloat16)(
        z2, _prep_w(p['ow3']), ones, p['ob3'])
    processed = _ow4(z3, jnp.transpose(p['ow4'][:, :, 0, 0]).astype(jnp.bfloat16),
                     p['ob4'])

    def tr(o):
        return jnp.transpose(o, (2, 0, 1))[None]

    return (tr(processed), tr(output), tr(y), psum[0, 0])

# --- scband reference (transcript-rebuilt; emitter-appended) ---
"""Pipeline reference for scband-three-dregister-network-82265803587893 (READ-ONLY COPY).

The authoritative reference and input builder live on the scoring server;
editing this copy changes nothing except your own understanding.
"""

import jax, jax.numpy as jnp
import numpy as np

EMB = 128
NV = 10000
K = 11
SIZE = 296

def _conv(x, w, b, pad):
    y = jax.lax.conv_general_dilated(x, w, (1, 1), [(pad, pad), (pad, pad)],
                                     dimension_numbers=('NCHW', 'OIHW', 'NCHW'))
    return y + b[None, :, None, None]

def _bn(x, g, b):
    # eval-mode BatchNorm2d with running_mean=0, running_var=1, eps=1e-5
    return g[None, :, None, None] * x / jnp.sqrt(1.0 + 1e-5) + b[None, :, None, None]

def project_3d_points_to_screen(points, transform, size):
    # pinhole projection with focal=12.0, principal point at image center
    B, N, _ = points.shape
    ph = jnp.concatenate([points, jnp.ones((B, N, 1), points.dtype)], axis=-1)
    cam = jnp.einsum('bij,bnj->bni', transform, ph)
    x, y, z = cam[..., 0], cam[..., 1], cam[..., 2]
    z_safe = jnp.where(jnp.abs(z) < 1e-6, 1e-6, z)
    focal = 12.0
    u = focal * x / z_safe + size / 2.0
    v = focal * y / z_safe + size / 2.0
    return jnp.stack([u, v], axis=-1)

def setup_inputs(seed: int = 0):
    key = jax.random.key(seed)
    ks = jax.random.split(key, 20)
    features = jax.random.normal(ks[0], (1, 256, 296, 296), jnp.float32)
    target_points = jax.random.normal(ks[1], (1, 10000, 3), jnp.float32)
    visible_points = jax.random.randint(ks[2], (1, 2048), 0, 10000)
    transform = jax.random.normal(ks[3], (1, 4, 4), jnp.float32)
    all_pts_mask = jax.random.randint(ks[4], (1, 4096, 2), 0, 296)
    def cinit(k, o, i, kh):
        std = float(np.sqrt(2.0 / (i * kh * kh)))
        return jax.random.normal(k, (o, i, kh, kh), jnp.float32) * std
    params = {
        'emb': jax.random.normal(ks[5], (NV + 1, EMB), jnp.float32) * float(np.sqrt(2.0 / (NV + 1 + EMB))),
        'filler': jax.random.normal(ks[6], (EMB,), jnp.float32),
        'cw1': cinit(ks[7], 512, 128, 3), 'cb1': jnp.zeros(512), 'g1': jnp.ones(512), 'be1': jnp.zeros(512),
        'cw2': cinit(ks[8], 512, 512, 3), 'cb2': jnp.zeros(512), 'g2': jnp.ones(512), 'be2': jnp.zeros(512),
        'cw3': cinit(ks[9], 256, 512, 3), 'cb3': jnp.zeros(256), 'g3': jnp.ones(256), 'be3': jnp.zeros(256),
        'cw4': cinit(ks[10], 256, 256, 3), 'cb4': jnp.zeros(256), 'g4': jnp.ones(256), 'be4': jnp.zeros(256),
        'ow1': cinit(ks[11], 256, 256, 3), 'ob1': jnp.zeros(256),
        'ow2': cinit(ks[12], 256, 256, 3), 'ob2': jnp.zeros(256),
        'ow3': cinit(ks[13], 256, 256, 3), 'ob3': jnp.zeros(256),
        'ow4': cinit(ks[14], 256, 256, 1), 'ob4': jnp.zeros(256),
    }
    return {'features': features, 'target_points': target_points, 'visible_points': visible_points,
            'transform': transform, 'all_pts_mask': all_pts_mask, 'params': params}

def reference(features, target_points, visible_points, transform, all_pts_mask, params):
    B = features.shape[0]
    tp = jnp.concatenate([target_points, jnp.zeros((B, 1, 3), target_points.dtype)], axis=1)
    vexp = jnp.broadcast_to(visible_points[:, :, None], (B, visible_points.shape[1], 3))
    visible_xyz = jnp.take_along_axis(tp, vexp, axis=1)
    proj = project_3d_points_to_screen(visible_xyz, transform, SIZE)
    pc = jnp.round(proj).astype(jnp.int32)
    pc_mask = ((pc < 0) | (pc > 295)).any(axis=2)
    pc = jnp.where(pc_mask[:, :, None], 0, pc)
    ap_cond = ((all_pts_mask < 0) | (all_pts_mask > 295)).any(axis=2)
    apm = jnp.where(ap_cond[:, :, None], 0, all_pts_mask).astype(jnp.int32)
    tof = params['emb'][visible_points]
    zero_mask = (visible_points >= NV)[:, :, None]
    tof = jnp.where(zero_mask, 0.0, tof)
    tof = jnp.where(pc_mask[:, :, None], params['filler'][None, None, :], tof)
    # interpolate_features_chunked (full, unchunked; chunking only affects memory)
    all_f = apm.astype(jnp.float32)
    proj_f = pc.astype(jnp.float32)
    diff = all_f[:, :, None, :] - proj_f[:, None, :, :]
    dist = jnp.sqrt(jnp.sum(diff * diff, axis=-1) + 1e-12)
    in_proj = jnp.all(all_f[:, :, None, :] == proj_f[:, None, :, :], axis=-1).any(axis=-1)
    negd, idx = jax.lax.top_k(-dist, K)
    td = -negd
    gathered = jnp.take_along_axis(tof[:, None, :, :], idx[..., None], axis=2)
    w = 1.0 / (td + 1e-8)
    w = w / jnp.sum(w, axis=-1, keepdims=True)
    interp = jnp.sum(w[..., None] * gathered, axis=2)
    interp = jnp.where(in_proj[:, :, None], 0.0, interp)
    # register grid
    ro = jnp.broadcast_to(params['filler'][None, None, None, :], (B, SIZE, SIZE, EMB)).astype(jnp.float32)
    M = apm.shape[1]
    S = pc.shape[1]
    bi_a = jnp.broadcast_to(jnp.arange(B)[:, None], (B, M))
    ro = ro.at[bi_a, apm[:, :, 1], apm[:, :, 0]].set(interp)
    bi = jnp.broadcast_to(jnp.arange(B)[:, None], (B, S))
    ro = ro.at[bi, pc[:, :, 1], pc[:, :, 0]].set(tof)
    ro = ro.at[:, 0, 0].set(params['filler'])
    x = jnp.transpose(ro, (0, 3, 1, 2))
    x = jax.nn.relu(_bn(_conv(x, params['cw1'], params['cb1'], 1), params['g1'], params['be1']))
    x = jax.nn.relu(_bn(_conv(x, params['cw2'], params['cb2'], 1), params['g2'], params['be2']))
    x = jax.nn.relu(_bn(_conv(x, params['cw3'], params['cb3'], 1), params['g3'], params['be3']))
    output = jax.nn.relu(_bn(_conv(x, params['cw4'], params['cb4'], 1), params['g4'], params['be4']))
    y = output + features
    z = jax.nn.relu(_conv(y, params['ow1'], params['ob1'], 1))
    z = jax.nn.relu(_conv(z, params['ow2'], params['ob2'], 1))
    z = jax.nn.relu(_conv(z, params['ow3'], params['ob3'], 1))
    processed = _conv(z, params['ow4'], params['ob4'], 0)
    return (processed, output, y, jnp.sum(output))

if __name__ == "__main__":
    import jax
    _d = setup_inputs()
    print(jax.jit(kernel)(*tuple(_d.values())))

</pallas_src>

<mosaic_0001>
#map = affine_map<(d0, d1) -> (0, 0)>
#map1 = affine_map<(d0, d1) -> (0)>
module attributes {stable_mosaic.version = 14 : i64} {
  func.func @_sc_gather_body(%arg0: i32, %arg1: i32, %arg2: memref<10001x128xf32, #tpu.memory_space<hbm>>, %arg3: memref<10000x128xf32, #tpu.memory_space<hbm>>, %arg4: memref<2048xi32, #tpu.memory_space<hbm>>, %arg5: memref<2048x128xf32, #tpu.memory_space<hbm>>, %arg6: memref<2048x128xf32, #tpu.memory_space<hbm>>, %arg7: memref<64xi32, #tpu.memory_space<vmem>>, %arg8: memref<64x128xf32, #tpu.memory_space<vmem>>, %arg9: memref<64x128xf32, #tpu.memory_space<vmem>>, %arg10: memref<!tpu.dma_semaphore, #tpu.memory_space<semaphore_mem>>) attributes {dimension_semantics = [#tpu.dimension_semantics<core_parallel>, #tpu.dimension_semantics<subcore_parallel>], iteration_bounds = array<i64: 2, 16>, scalar_prefetch = 0 : i64, scratch_operands = 4 : i64, tpu.core_type = #tpu.core_type<sc_vector_subcore>, window_params = [{transform_indices = #map}, {transform_indices = #map}, {transform_indices = #map1}, {transform_indices = #map}, {transform_indices = #map}]} {
    %mul3A = arith.constant 16 : i32
    %mul3A_0 = arith.muli %arg0, %mul3A : i32
    %add3A = arith.addi %mul3A_0, %arg1 : i32
    %mul3A_1 = arith.constant 64 : i32
    %mul3A_2 = arith.muli %add3A, %mul3A_1 : i32
    "tpu.region"() ({
      %run_scoped3A = tpu.sem_alloc : memref<!tpu.dma_semaphore, #tpu.memory_space<semaphore_mem>>
      %dma_start3A_13 = tpu.memref_slice %arg4[%mul3A_2] : memref<2048xi32, #tpu.memory_space<hbm>> -> memref<64xi32, #tpu.memory_space<hbm>>
      %dma_start3A_14 = tpu.memref_slice %arg4[%mul3A_2] : memref<2048xi32, #tpu.memory_space<hbm>> -> memref<64xi32, #tpu.memory_space<hbm>>
      tpu.enqueue_dma source(%dma_start3A_14 : memref<64xi32, #tpu.memory_space<hbm>>) target(%arg7 : memref<64xi32, #tpu.memory_space<vmem>>) target_semaphore(%run_scoped3A : memref<!tpu.dma_semaphore, #tpu.memory_space<semaphore_mem>>)
      %dma_wait3A_15 = tpu.memref_slice %arg4[%mul3A_2] : memref<2048xi32, #tpu.memory_space<hbm>> -> memref<64xi32, #tpu.memory_space<hbm>>
      %dma_wait3A_16 = tpu.memref_slice %arg4[%mul3A_2] : memref<2048xi32, #tpu.memory_space<hbm>> -> memref<64xi32, #tpu.memory_space<hbm>>
      tpu.wait_dma2 semaphore(%run_scoped3A : memref<!tpu.dma_semaphore, #tpu.memory_space<semaphore_mem>>) src(%dma_wait3A_16 : memref<64xi32, #tpu.memory_space<hbm>>) dst(%arg7 : memref<64xi32, #tpu.memory_space<vmem>>)
      tpu.yield
    }) : () -> ()
    %dma_start3A = arith.constant 0 : i32
    %dma_start3A_3 = arith.constant 0 : i32
    %dma_start3A_4 = tpu.memref_slice %arg2[%dma_start3A, %dma_start3A_3] : memref<10001x128xf32, #tpu.memory_space<hbm>> -> memref<10001x128xf32, #tpu.memory_space<hbm>>
    tpu.enqueue_indirect_dma source(%dma_start3A_4 : memref<10001x128xf32, #tpu.memory_space<hbm>>) target(%arg8 : memref<64x128xf32, #tpu.memory_space<vmem>>) offsets(%arg7 : memref<64xi32, #tpu.memory_space<vmem>>) semaphore(%arg10 : memref<!tpu.dma_semaphore, #tpu.memory_space<semaphore_mem>>)
    %dma_wait3A = arith.constant 0 : i32
    %dma_wait3A_5 = arith.constant 0 : i32
    %dma_wait3A_6 = tpu.memref_slice %arg2[%dma_wait3A, %dma_wait3A_5] : memref<10001x128xf32, #tpu.memory_space<hbm>> -> memref<10001x128xf32, #tpu.memory_space<hbm>>
    tpu.wait_indirect_dma semaphore(%arg10 : memref<!tpu.dma_semaphore, #tpu.memory_space<semaphore_mem>>) src(%dma_wait3A_6 : memref<10001x128xf32, #tpu.memory_space<hbm>>) dst(%arg8 : memref<64x128xf32, #tpu.memory_space<vmem>>)
    "tpu.region"() ({
      %run_scoped3A = tpu.sem_alloc : memref<!tpu.dma_semaphore, #tpu.memory_space<semaphore_mem>>
      %dma_start3A_13 = arith.constant 0 : i32
      %dma_start3A_14 = tpu.memref_slice %arg5[%mul3A_2, %dma_start3A_13] : memref<2048x128xf32, #tpu.memory_space<hbm>> -> memref<64x128xf32, #tpu.memory_space<hbm>>
      %dma_start3A_15 = arith.constant 0 : i32
      %dma_start3A_16 = tpu.memref_slice %arg5[%mul3A_2, %dma_start3A_15] : memref<2048x128xf32, #tpu.memory_space<hbm>> -> memref<64x128xf32, #tpu.memory_space<hbm>>
      tpu.enqueue_dma source(%arg8 : memref<64x128xf32, #tpu.memory_space<vmem>>) target(%dma_start3A_16 : memref<64x128xf32, #tpu.memory_space<hbm>>) target_semaphore(%run_scoped3A : memref<!tpu.dma_semaphore, #tpu.memory_space<semaphore_mem>>)
      %dma_wait3A_17 = arith.constant 0 : i32
      %dma_wait3A_18 = tpu.memref_slice %arg5[%mul3A_2, %dma_wait3A_17] : memref<2048x128xf32, #tpu.memory_space<hbm>> -> memref<64x128xf32, #tpu.memory_space<hbm>>
      %dma_wait3A_19 = arith.constant 0 : i32
      %dma_wait3A_20 = tpu.memref_slice %arg5[%mul3A_2, %dma_wait3A_19] : memref<2048x128xf32, #tpu.memory_space<hbm>> -> memref<64x128xf32, #tpu.memory_space<hbm>>
      tpu.wait_dma2 semaphore(%run_scoped3A : memref<!tpu.dma_semaphore, #tpu.memory_space<semaphore_mem>>) src(%arg8 : memref<64x128xf32, #tpu.memory_space<vmem>>) dst(%dma_wait3A_20 : memref<64x128xf32, #tpu.memory_space<hbm>>)
      tpu.yield
    }) : () -> ()
    %dma_start3A_7 = arith.constant 0 : i32
    %dma_start3A_8 = arith.constant 0 : i32
    %dma_start3A_9 = tpu.memref_slice %arg3[%dma_start3A_7, %dma_start3A_8] : memref<10000x128xf32, #tpu.memory_space<hbm>> -> memref<10000x128xf32, #tpu.memory_space<hbm>>
    tpu.enqueue_indirect_dma source(%dma_start3A_9 : memref<10000x128xf32, #tpu.memory_space<hbm>>) target(%arg9 : memref<64x128xf32, #tpu.memory_space<vmem>>) offsets(%arg7 : memref<64xi32, #tpu.memory_space<vmem>>) semaphore(%arg10 : memref<!tpu.dma_semaphore, #tpu.memory_space<semaphore_mem>>)
    %dma_wait3A_10 = arith.constant 0 : i32
    %dma_wait3A_11 = arith.constant 0 : i32
    %dma_wait3A_12 = tpu.memref_slice %arg3[%dma_wait3A_10, %dma_wait3A_11] : memref<10000x128xf32, #tpu.memory_space<hbm>> -> memref<10000x128xf32, #tpu.memory_space<hbm>>
    tpu.wait_indirect_dma semaphore(%arg10 : memref<!tpu.dma_semaphore, #tpu.memory_space<semaphore_mem>>) src(%dma_wait3A_12 : memref<10000x128xf32, #tpu.memory_space<hbm>>) dst(%arg9 : memref<64x128xf32, #tpu.memory_space<vmem>>)
    "tpu.region"() ({
      %run_scoped3A = tpu.sem_alloc : memref<!tpu.dma_semaphore, #tpu.memory_space<semaphore_mem>>
      %dma_start3A_13 = arith.constant 0 : i32
      %dma_start3A_14 = tpu.memref_slice %arg6[%mul3A_2, %dma_start3A_13] : memref<2048x128xf32, #tpu.memory_space<hbm>> -> memref<64x128xf32, #tpu.memory_space<hbm>>
      %dma_start3A_15 = arith.constant 0 : i32
      %dma_start3A_16 = tpu.memref_slice %arg6[%mul3A_2, %dma_start3A_15] : memref<2048x128xf32, #tpu.memory_space<hbm>> -> memref<64x128xf32, #tpu.memory_space<hbm>>
      tpu.enqueue_dma source(%arg9 : memref<64x128xf32, #tpu.memory_space<vmem>>) target(%dma_start3A_16 : memref<64x128xf32, #tpu.memory_space<hbm>>) target_semaphore(%run_scoped3A : memref<!tpu.dma_semaphore, #tpu.memory_space<semaphore_mem>>)
      %dma_wait3A_17 = arith.constant 0 : i32
      %dma_wait3A_18 = tpu.memref_slice %arg6[%mul3A_2, %dma_wait3A_17] : memref<2048x128xf32, #tpu.memory_space<hbm>> -> memref<64x128xf32, #tpu.memory_space<hbm>>
      %dma_wait3A_19 = arith.constant 0 : i32
      %dma_wait3A_20 = tpu.memref_slice %arg6[%mul3A_2, %dma_wait3A_19] : memref<2048x128xf32, #tpu.memory_space<hbm>> -> memref<64x128xf32, #tpu.memory_space<hbm>>
      tpu.wait_dma2 semaphore(%run_scoped3A : memref<!tpu.dma_semaphore, #tpu.memory_space<semaphore_mem>>) src(%arg9 : memref<64x128xf32, #tpu.memory_space<vmem>>) dst(%dma_wait3A_20 : memref<64x128xf32, #tpu.memory_space<hbm>>)
      tpu.yield
    }) : () -> ()
    return
  }
}

#map = affine_map<(d0, d1) -> (0, 0)>
#map1 = affine_map<(d0, d1) -> (0)>
module attributes {stable_mosaic.version = 14 : i64} {
  func.func @_sc_scatter_body(%arg0: i32, %arg1: i32, %arg2: memref<4096x128xf32, #tpu.memory_space<hbm>>, %arg3: memref<2048x128xf32, #tpu.memory_space<hbm>>, %arg4: memref<1x128xf32, #tpu.memory_space<hbm>>, %arg5: memref<128x128xf32, #tpu.memory_space<hbm>>, %arg6: memref<4096xi32, #tpu.memory_space<hbm>>, %arg7: memref<4096xi32, #tpu.memory_space<hbm>>, %arg8: memref<2048xi32, #tpu.memory_space<hbm>>, %arg9: memref<2048xi32, #tpu.memory_space<hbm>>, %arg10: memref<87808x128xf32, #tpu.memory_space<hbm>>, %arg11: memref<256x128xf32, #tpu.memory_space<vmem>>, %arg12: memref<2x128xi32, #tpu.memory_space<vmem>>, %arg13: memref<2x128x128xf32, #tpu.memory_space<vmem>>, %arg14: memref<128xi32, #tpu.memory_space<vmem>>, %arg15: memref<128x128xf32, #tpu.memory_space<vmem>>, %arg16: memref<!tpu.dma_semaphore, #tpu.memory_space<semaphore_mem>>) attributes {dimension_semantics = [#tpu.dimension_semantics<core_parallel>, #tpu.dimension_semantics<subcore_parallel>], iteration_bounds = array<i64: 2, 16>, scalar_prefetch = 0 : i64, scratch_operands = 6 : i64, tpu.core_type = #tpu.core_type<sc_vector_subcore>, window_params = [{transform_indices = #map}, {transform_indices = #map}, {transform_indices = #map}, {transform_indices = #map}, {transform_indices = #map1}, {transform_indices = #map1}, {transform_indices = #map1}, {transform_indices = #map1}, {transform_indices = #map}]} {
    "tpu.region"() ({
      %run_scoped3A_212 = tpu.sem_alloc : memref<!tpu.dma_semaphore, #tpu.memory_space<semaphore_mem>>
      %dma_start3A_213 = arith.constant 0 : i32
      %dma_start3A_214 = arith.constant 0 : i32
      %dma_start3A_215 = tpu.memref_slice %arg11[%dma_start3A_213, %dma_start3A_214] : memref<256x128xf32, #tpu.memory_space<vmem>> -> memref<128x128xf32, #tpu.memory_space<vmem>>
      %dma_start3A_216 = arith.constant 0 : i32
      %dma_start3A_217 = arith.constant 0 : i32
      %dma_start3A_218 = tpu.memref_slice %arg11[%dma_start3A_216, %dma_start3A_217] : memref<256x128xf32, #tpu.memory_space<vmem>> -> memref<128x128xf32, #tpu.memory_space<vmem>>
      tpu.enqueue_dma source(%arg5 : memref<128x128xf32, #tpu.memory_space<hbm>>) target(%dma_start3A_218 : memref<128x128xf32, #tpu.memory_space<vmem>>) target_semaphore(%run_scoped3A_212 : memref<!tpu.dma_semaphore, #tpu.memory_space<semaphore_mem>>)
      %dma_wait3A_219 = arith.constant 0 : i32
      %dma_wait3A_220 = arith.constant 0 : i32
      %dma_wait3A_221 = tpu.memref_slice %arg11[%dma_wait3A_219, %dma_wait3A_220] : memref<256x128xf32, #tpu.memory_space<vmem>> -> memref<128x128xf32, #tpu.memory_space<vmem>>
      %dma_wait3A_222 = arith.constant 0 : i32
      %dma_wait3A_223 = arith.constant 0 : i32
      %dma_wait3A_224 = tpu.memref_slice %arg11[%dma_wait3A_222, %dma_wait3A_223] : memref<256x128xf32, #tpu.memory_space<vmem>> -> memref<128x128xf32, #tpu.memory_space<vmem>>
      tpu.wait_dma2 semaphore(%run_scoped3A_212 : memref<!tpu.dma_semaphore, #tpu.memory_space<semaphore_mem>>) src(%arg5 : memref<128x128xf32, #tpu.memory_space<hbm>>) dst(%dma_wait3A_224 : memref<128x128xf32, #tpu.memory_space<vmem>>)
      tpu.yield
    }) : () -> ()
    "tpu.region"() ({
      %run_scoped3A_212 = tpu.sem_alloc : memref<!tpu.dma_semaphore, #tpu.memory_space<semaphore_mem>>
      %dma_start3A_213 = arith.constant 128 : i32
      %dma_start3A_214 = arith.constant 0 : i32
      %dma_start3A_215 = tpu.memref_slice %arg11[%dma_start3A_213, %dma_start3A_214] : memref<256x128xf32, #tpu.memory_space<vmem>> -> memref<128x128xf32, #tpu.memory_space<vmem>>
      %dma_start3A_216 = arith.constant 128 : i32
      %dma_start3A_217 = arith.constant 0 : i32
      %dma_start3A_218 = tpu.memref_slice %arg11[%dma_start3A_216, %dma_start3A_217] : memref<256x128xf32, #tpu.memory_space<vmem>> -> memref<128x128xf32, #tpu.memory_space<vmem>>
      tpu.enqueue_dma source(%arg5 : memref<128x128xf32, #tpu.memory_space<hbm>>) target(%dma_start3A_218 : memref<128x128xf32, #tpu.memory_space<vmem>>) target_semaphore(%run_scoped3A_212 : memref<!tpu.dma_semaphore, #tpu.memory_space<semaphore_mem>>)
      %dma_wait3A_219 = arith.constant 128 : i32
      %dma_wait3A_220 = arith.constant 0 : i32
      %dma_wait3A_221 = tpu.memref_slice %arg11[%dma_wait3A_219, %dma_wait3A_220] : memref<256x128xf32, #tpu.memory_space<vmem>> -> memref<128x128xf32, #tpu.memory_space<vmem>>
      %dma_wait3A_222 = arith.constant 128 : i32
      %dma_wait3A_223 = arith.constant 0 : i32
      %dma_wait3A_224 = tpu.memref_slice %arg11[%dma_wait3A_222, %dma_wait3A_223] : memref<256x128xf32, #tpu.memory_space<vmem>> -> memref<128x128xf32, #tpu.memory_space<vmem>>
      tpu.wait_dma2 semaphore(%run_scoped3A_212 : memref<!tpu.dma_semaphore, #tpu.memory_space<semaphore_mem>>) src(%arg5 : memref<128x128xf32, #tpu.memory_space<hbm>>) dst(%dma_wait3A_224 : memref<128x128xf32, #tpu.memory_space<vmem>>)
      tpu.yield
    }) : () -> ()
    %mul3A = arith.constant 16 : i32
    %mul3A_0 = arith.muli %arg0, %mul3A : i32
    %add3A = arith.addi %mul3A_0, %arg1 : i32
    %mul3A_1 = arith.constant 2744 : i32
    %mul3A_2 = arith.muli %add3A, %mul3A_1 : i32
    %add3A_3 = arith.constant 0 : i32
    %add3A_4 = arith.addi %mul3A_2, %add3A_3 : i32
    %dma_start3A = arith.constant 0 : i32
    %dma_start3A_5 = tpu.memref_slice %arg10[%add3A_4, %dma_start3A] : memref<87808x128xf32, #tpu.memory_space<hbm>> -> memref<256x128xf32, #tpu.memory_space<hbm>>
    %dma_start3A_6 = arith.constant 0 : i32
    %dma_start3A_7 = tpu.memref_slice %arg10[%add3A_4, %dma_start3A_6] : memref<87808x128xf32, #tpu.memory_space<hbm>> -> memref<256x128xf32, #tpu.memory_space<hbm>>
    tpu.enqueue_dma source(%arg11 : memref<256x128xf32, #tpu.memory_space<vmem>>) target(%dma_start3A_7 : memref<256x128xf32, #tpu.memory_space<hbm>>) target_semaphore(%arg16 : memref<!tpu.dma_semaphore, #tpu.memory_space<semaphore_mem>>)
    %add3A_8 = arith.constant 256 : i32
    %add3A_9 = arith.addi %mul3A_2, %add3A_8 : i32
    %dma_start3A_10 = arith.constant 0 : i32
    %dma_start3A_11 = tpu.memref_slice %arg10[%add3A_9, %dma_start3A_10] : memref<87808x128xf32, #tpu.memory_space<hbm>> -> memref<256x128xf32, #tpu.memory_space<hbm>>
    %dma_start3A_12 = arith.constant 0 : i32
    %dma_start3A_13 = tpu.memref_slice %arg10[%add3A_9, %dma_start3A_12] : memref<87808x128xf32, #tpu.memory_space<hbm>> -> memref<256x128xf32, #tpu.memory_space<hbm>>
    tpu.enqueue_dma source(%arg11 : memref<256x128xf32, #tpu.memory_space<vmem>>) target(%dma_start3A_13 : memref<256x128xf32, #tpu.memory_space<hbm>>) target_semaphore(%arg16 : memref<!tpu.dma_semaphore, #tpu.memory_space<semaphore_mem>>)
    %add3A_14 = arith.constant 512 : i32
    %add3A_15 = arith.addi %mul3A_2, %add3A_14 : i32
    %dma_start3A_16 = arith.constant 0 : i32
    %dma_start3A_17 = tpu.memref_slice %arg10[%add3A_15, %dma_start3A_16] : memref<87808x128xf32, #tpu.memory_space<hbm>> -> memref<256x128xf32, #tpu.memory_space<hbm>>
    %dma_start3A_18 = arith.constant 0 : i32
    %dma_start3A_19 = tpu.memref_slice %arg10[%add3A_15, %dma_start3A_18] : memref<87808x128xf32, #tpu.memory_space<hbm>> -> memref<256x128xf32, #tpu.memory_space<hbm>>
    tpu.enqueue_dma source(%arg11 : memref<256x128xf32, #tpu.memory_space<vmem>>) target(%dma_start3A_19 : memref<256x128xf32, #tpu.memory_space<hbm>>) target_semaphore(%arg16 : memref<!tpu.dma_semaphore, #tpu.memory_space<semaphore_mem>>)
    %add3A_20 = arith.constant 768 : i32
    %add3A_21 = arith.addi %mul3A_2, %add3A_20 : i32
    %dma_start3A_22 = arith.constant 0 : i32
    %dma_start3A_23 = tpu.memref_slice %arg10[%add3A_21, %dma_start3A_22] : memref<87808x128xf32, #tpu.memory_space<hbm>> -> memref<256x128xf32, #tpu.memory_space<hbm>>
    %dma_start3A_24 = arith.constant 0 : i32
    %dma_start3A_25 = tpu.memref_slice %arg10[%add3A_21, %dma_start3A_24] : memref<87808x128xf32, #tpu.memory_space<hbm>> -> memref<256x128xf32, #tpu.memory_space<hbm>>
    tpu.enqueue_dma source(%arg11 : memref<256x128xf32, #tpu.memory_space<vmem>>) target(%dma_start3A_25 : memref<256x128xf32, #tpu.memory_space<hbm>>) target_semaphore(%arg16 : memref<!tpu.dma_semaphore, #tpu.memory_space<semaphore_mem>>)
    %add3A_26 = arith.constant 1024 : i32
    %add3A_27 = arith.addi %mul3A_2, %add3A_26 : i32
    %dma_start3A_28 = arith.constant 0 : i32
    %dma_start3A_29 = tpu.memref_slice %arg10[%add3A_27, %dma_start3A_28] : memref<87808x128xf32, #tpu.memory_space<hbm>> -> memref<256x128xf32, #tpu.memory_space<hbm>>
    %dma_start3A_30 = arith.constant 0 : i32
    %dma_start3A_31 = tpu.memref_slice %arg10[%add3A_27, %dma_start3A_30] : memref<87808x128xf32, #tpu.memory_space<hbm>> -> memref<256x128xf32, #tpu.memory_space<hbm>>
    tpu.enqueue_dma source(%arg11 : memref<256x128xf32, #tpu.memory_space<vmem>>) target(%dma_start3A_31 : memref<256x128xf32, #tpu.memory_space<hbm>>) target_semaphore(%arg16 : memref<!tpu.dma_semaphore, #tpu.memory_space<semaphore_mem>>)
    %add3A_32 = arith.constant 1280 : i32
    %add3A_33 = arith.addi %mul3A_2, %add3A_32 : i32
    %dma_start3A_34 = arith.constant 0 : i32
    %dma_start3A_35 = tpu.memref_slice %arg10[%add3A_33, %dma_start3A_34] : memref<87808x128xf32, #tpu.memory_space<hbm>> -> memref<256x128xf32, #tpu.memory_space<hbm>>
    %dma_start3A_36 = arith.constant 0 : i32
    %dma_start3A_37 = tpu.memref_slice %arg10[%add3A_33, %dma_start3A_36] : memref<87808x128xf32, #tpu.memory_space<hbm>> -> memref<256x128xf32, #tpu.memory_space<hbm>>
    tpu.enqueue_dma source(%arg11 : memref<256x128xf32, #tpu.memory_space<vmem>>) target(%dma_start3A_37 : memref<256x128xf32, #tpu.memory_space<hbm>>) target_semaphore(%arg16 : memref<!tpu.dma_semaphore, #tpu.memory_space<semaphore_mem>>)
    %add3A_38 = arith.constant 1536 : i32
    %add3A_39 = arith.addi %mul3A_2, %add3A_38 : i32
    %dma_start3A_40 = arith.constant 0 : i32
    %dma_start3A_41 = tpu.memref_slice %arg10[%add3A_39, %dma_start3A_40] : memref<87808x128xf32, #tpu.memory_space<hbm>> -> memref<256x128xf32, #tpu.memory_space<hbm>>
    %dma_start3A_42 = arith.constant 0 : i32
    %dma_start3A_43 = tpu.memref_slice %arg10[%add3A_39, %dma_start3A_42] : memref<87808x128xf32, #tpu.memory_space<hbm>> -> memref<256x128xf32, #tpu.memory_space<hbm>>
    tpu.enqueue_dma source(%arg11 : memref<256x128xf32, #tpu.memory_space<vmem>>) target(%dma_start3A_43 : memref<256x128xf32, #tpu.memory_space<hbm>>) target_semaphore(%arg16 : memref<!tpu.dma_semaphore, #tpu.memory_space<semaphore_mem>>)
    %add3A_44 = arith.constant 1792 : i32
    %add3A_45 = arith.addi %mul3A_2, %add3A_44 : i32
    %dma_start3A_46 = arith.constant 0 : i32
    %dma_start3A_47 = tpu.memref_slice %arg10[%add3A_45, %dma_start3A_46] : memref<87808x128xf32, #tpu.memory_space<hbm>> -> memref<256x128xf32, #tpu.memory_space<hbm>>
    %dma_start3A_48 = arith.constant 0 : i32
    %dma_start3A_49 = tpu.memref_slice %arg10[%add3A_45, %dma_start3A_48] : memref<87808x128xf32, #tpu.memory_space<hbm>> -> memref<256x128xf32, #tpu.memory_space<hbm>>
    tpu.enqueue_dma source(%arg11 : memref<256x128xf32, #tpu.memory_space<vmem>>) target(%dma_start3A_49 : memref<256x128xf32, #tpu.memory_space<hbm>>) target_semaphore(%arg16 : memref<!tpu.dma_semaphore, #tpu.memory_space<semaphore_mem>>)
    %add3A_50 = arith.constant 2048 : i32
    %add3A_51 = arith.addi %mul3A_2, %add3A_50 : i32
    %dma_start3A_52 = arith.constant 0 : i32
    %dma_start3A_53 = tpu.memref_slice %arg10[%add3A_51, %dma_start3A_52] : memref<87808x128xf32, #tpu.memory_space<hbm>> -> memref<256x128xf32, #tpu.memory_space<hbm>>
    %dma_start3A_54 = arith.constant 0 : i32
    %dma_start3A_55 = tpu.memref_slice %arg10[%add3A_51, %dma_start3A_54] : memref<87808x128xf32, #tpu.memory_space<hbm>> -> memref<256x128xf32, #tpu.memory_space<hbm>>
    tpu.enqueue_dma source(%arg11 : memref<256x128xf32, #tpu.memory_space<vmem>>) target(%dma_start3A_55 : memref<256x128xf32, #tpu.memory_space<hbm>>) target_semaphore(%arg16 : memref<!tpu.dma_semaphore, #tpu.memory_space<semaphore_mem>>)
    %add3A_56 = arith.constant 2304 : i32
    %add3A_57 = arith.addi %mul3A_2, %add3A_56 : i32
    %dma_start3A_58 = arith.constant 0 : i32
    %dma_start3A_59 = tpu.memref_slice %arg10[%add3A_57, %dma_start3A_58] : memref<87808x128xf32, #tpu.memory_space<hbm>> -> memref<256x128xf32, #tpu.memory_space<hbm>>
    %dma_start3A_60 = arith.constant 0 : i32
    %dma_start3A_61 = tpu.memref_slice %arg10[%add3A_57, %dma_start3A_60] : memref<87808x128xf32, #tpu.memory_space<hbm>> -> memref<256x128xf32, #tpu.memory_space<hbm>>
    tpu.enqueue_dma source(%arg11 : memref<256x128xf32, #tpu.memory_space<vmem>>) target(%dma_start3A_61 : memref<256x128xf32, #tpu.memory_space<hbm>>) target_semaphore(%arg16 : memref<!tpu.dma_semaphore, #tpu.memory_space<semaphore_mem>>)
    %add3A_62 = arith.constant 2560 : i32
    %add3A_63 = arith.addi %mul3A_2, %add3A_62 : i32
    %dma_start3A_64 = arith.constant 0 : i32
    %dma_start3A_65 = arith.constant 0 : i32
    %dma_start3A_66 = tpu.memref_slice %arg11[%dma_start3A_64, %dma_start3A_65] : memref<256x128xf32, #tpu.memory_space<vmem>> -> memref<184x128xf32, #tpu.memory_space<vmem>>
    %dma_start3A_67 = arith.constant 0 : i32
    %dma_start3A_68 = tpu.memref_slice %arg10[%add3A_63, %dma_start3A_67] : memref<87808x128xf32, #tpu.memory_space<hbm>> -> memref<184x128xf32, #tpu.memory_space<hbm>>
    %dma_start3A_69 = arith.constant 0 : i32
    %dma_start3A_70 = tpu.memref_slice %arg10[%add3A_63, %dma_start3A_69] : memref<87808x128xf32, #tpu.memory_space<hbm>> -> memref<184x128xf32, #tpu.memory_space<hbm>>
    %dma_start3A_71 = arith.constant 0 : i32
    %dma_start3A_72 = arith.constant 0 : i32
    %dma_start3A_73 = tpu.memref_slice %arg11[%dma_start3A_71, %dma_start3A_72] : memref<256x128xf32, #tpu.memory_space<vmem>> -> memref<184x128xf32, #tpu.memory_space<vmem>>
    tpu.enqueue_dma source(%dma_start3A_73 : memref<184x128xf32, #tpu.memory_space<vmem>>) target(%dma_start3A_70 : memref<184x128xf32, #tpu.memory_space<hbm>>) target_semaphore(%arg16 : memref<!tpu.dma_semaphore, #tpu.memory_space<semaphore_mem>>)
    %dma_wait3A = arith.constant 0 : i32
    %dma_wait3A_74 = tpu.memref_slice %arg10[%add3A_4, %dma_wait3A] : memref<87808x128xf32, #tpu.memory_space<hbm>> -> memref<256x128xf32, #tpu.memory_space<hbm>>
    %dma_wait3A_75 = arith.constant 0 : i32
    %dma_wait3A_76 = tpu.memref_slice %arg10[%add3A_4, %dma_wait3A_75] : memref<87808x128xf32, #tpu.memory_space<hbm>> -> memref<256x128xf32, #tpu.memory_space<hbm>>
    tpu.wait_dma2 semaphore(%arg16 : memref<!tpu.dma_semaphore, #tpu.memory_space<semaphore_mem>>) src(%arg11 : memref<256x128xf32, #tpu.memory_space<vmem>>) dst(%dma_wait3A_76 : memref<256x128xf32, #tpu.memory_space<hbm>>)
    %dma_wait3A_77 = arith.constant 0 : i32
    %dma_wait3A_78 = tpu.memref_slice %arg10[%add3A_9, %dma_wait3A_77] : memref<87808x128xf32, #tpu.memory_space<hbm>> -> memref<256x128xf32, #tpu.memory_space<hbm>>
    %dma_wait3A_79 = arith.constant 0 : i32
    %dma_wait3A_80 = tpu.memref_slice %arg10[%add3A_9, %dma_wait3A_79] : memref<87808x128xf32, #tpu.memory_space<hbm>> -> memref<256x128xf32, #tpu.memory_space<hbm>>
    tpu.wait_dma2 semaphore(%arg16 : memref<!tpu.dma_semaphore, #tpu.memory_space<semaphore_mem>>) src(%arg11 : memref<256x128xf32, #tpu.memory_space<vmem>>) dst(%dma_wait3A_80 : memref<256x128xf32, #tpu.memory_space<hbm>>)
    %dma_wait3A_81 = arith.constant 0 : i32
    %dma_wait3A_82 = tpu.memref_slice %arg10[%add3A_15, %dma_wait3A_81] : memref<87808x128xf32, #tpu.memory_space<hbm>> -> memref<256x128xf32, #tpu.memory_space<hbm>>
    %dma_wait3A_83 = arith.constant 0 : i32
    %dma_wait3A_84 = tpu.memref_slice %arg10[%add3A_15, %dma_wait3A_83] : memref<87808x128xf32, #tpu.memory_space<hbm>> -> memref<256x128xf32, #tpu.memory_space<hbm>>
    tpu.wait_dma2 semaphore(%arg16 : memref<!tpu.dma_semaphore, #tpu.memory_space<semaphore_mem>>) src(%arg11 : memref<256x128xf32, #tpu.memory_space<vmem>>) dst(%dma_wait3A_84 : memref<256x128xf32, #tpu.memory_space<hbm>>)
    %dma_wait3A_85 = arith.constant 0 : i32
    %dma_wait3A_86 = tpu.memref_slice %arg10[%add3A_21, %dma_wait3A_85] : memref<87808x128xf32, #tpu.memory_space<hbm>> -> memref<256x128xf32, #tpu.memory_space<hbm>>
    %dma_wait3A_87 = arith.constant 0 : i32
    %dma_wait3A_88 = tpu.memref_slice %arg10[%add3A_21, %dma_wait3A_87] : memref<87808x128xf32, #tpu.memory_space<hbm>> -> memref<256x128xf32, #tpu.memory_space<hbm>>
    tpu.wait_dma2 semaphore(%arg16 : memref<!tpu.dma_semaphore, #tpu.memory_space<semaphore_mem>>) src(%arg11 : memref<256x128xf32, #tpu.memory_space<vmem>>) dst(%dma_wait3A_88 : memref<256x128xf32, #tpu.memory_space<hbm>>)
    %dma_wait3A_89 = arith.constant 0 : i32
    %dma_wait3A_90 = tpu.memref_slice %arg10[%add3A_27, %dma_wait3A_89] : memref<87808x128xf32, #tpu.memory_space<hbm>> -> memref<256x128xf32, #tpu.memory_space<hbm>>
    %dma_wait3A_91 = arith.constant 0 : i32
    %dma_wait3A_92 = tpu.memref_slice %arg10[%add3A_27, %dma_wait3A_91] : memref<87808x128xf32, #tpu.memory_space<hbm>> -> memref<256x128xf32, #tpu.memory_space<hbm>>
    tpu.wait_dma2 semaphore(%arg16 : memref<!tpu.dma_semaphore, #tpu.memory_space<semaphore_mem>>) src(%arg11 : memref<256x128xf32, #tpu.memory_space<vmem>>) dst(%dma_wait3A_92 : memref<256x128xf32, #tpu.memory_space<hbm>>)
    %dma_wait3A_93 = arith.constant 0 : i32
    %dma_wait3A_94 = tpu.memref_slice %arg10[%add3A_33, %dma_wait3A_93] : memref<87808x128xf32, #tpu.memory_space<hbm>> -> memref<256x128xf32, #tpu.memory_space<hbm>>
    %dma_wait3A_95 = arith.constant 0 : i32
    %dma_wait3A_96 = tpu.memref_slice %arg10[%add3A_33, %dma_wait3A_95] : memref<87808x128xf32, #tpu.memory_space<hbm>> -> memref<256x128xf32, #tpu.memory_space<hbm>>
    tpu.wait_dma2 semaphore(%arg16 : memref<!tpu.dma_semaphore, #tpu.memory_space<semaphore_mem>>) src(%arg11 : memref<256x128xf32, #tpu.memory_space<vmem>>) dst(%dma_wait3A_96 : memref<256x128xf32, #tpu.memory_space<hbm>>)
    %dma_wait3A_97 = arith.constant 0 : i32
    %dma_wait3A_98 = tpu.memref_slice %arg10[%add3A_39, %dma_wait3A_97] : memref<87808x128xf32, #tpu.memory_space<hbm>> -> memref<256x128xf32, #tpu.memory_space<hbm>>
    %dma_wait3A_99 = arith.constant 0 : i32
    %dma_wait3A_100 = tpu.memref_slice %arg10[%add3A_39, %dma_wait3A_99] : memref<87808x128xf32, #tpu.memory_space<hbm>> -> memref<256x128xf32, #tpu.memory_space<hbm>>
    tpu.wait_dma2 semaphore(%arg16 : memref<!tpu.dma_semaphore, #tpu.memory_space<semaphore_mem>>) src(%arg11 : memref<256x128xf32, #tpu.memory_space<vmem>>) dst(%dma_wait3A_100 : memref<256x128xf32, #tpu.memory_space<hbm>>)
    %dma_wait3A_101 = arith.constant 0 : i32
    %dma_wait3A_102 = tpu.memref_slice %arg10[%add3A_45, %dma_wait3A_101] : memref<87808x128xf32, #tpu.memory_space<hbm>> -> memref<256x128xf32, #tpu.memory_space<hbm>>
    %dma_wait3A_103 = arith.constant 0 : i32
    %dma_wait3A_104 = tpu.memref_slice %arg10[%add3A_45, %dma_wait3A_103] : memref<87808x128xf32, #tpu.memory_space<hbm>> -> memref<256x128xf32, #tpu.memory_space<hbm>>
    tpu.wait_dma2 semaphore(%arg16 : memref<!tpu.dma_semaphore, #tpu.memory_space<semaphore_mem>>) src(%arg11 : memref<256x128xf32, #tpu.memory_space<vmem>>) dst(%dma_wait3A_104 : memref<256x128xf32, #tpu.memory_space<hbm>>)
    %dma_wait3A_105 = arith.constant 0 : i32
    %dma_wait3A_106 = tpu.memref_slice %arg10[%add3A_51, %dma_wait3A_105] : memref<87808x128xf32, #tpu.memory_space<hbm>> -> memref<256x128xf32, #tpu.memory_space<hbm>>
    %dma_wait3A_107 = arith.constant 0 : i32
    %dma_wait3A_108 = tpu.memref_slice %arg10[%add3A_51, %dma_wait3A_107] : memref<87808x128xf32, #tpu.memory_space<hbm>> -> memref<256x128xf32, #tpu.memory_space<hbm>>
    tpu.wait_dma2 semaphore(%arg16 : memref<!tpu.dma_semaphore, #tpu.memory_space<semaphore_mem>>) src(%arg11 : memref<256x128xf32, #tpu.memory_space<vmem>>) dst(%dma_wait3A_108 : memref<256x128xf32, #tpu.memory_space<hbm>>)
    %dma_wait3A_109 = arith.constant 0 : i32
    %dma_wait3A_110 = tpu.memref_slice %arg10[%add3A_57, %dma_wait3A_109] : memref<87808x128xf32, #tpu.memory_space<hbm>> -> memref<256x128xf32, #tpu.memory_space<hbm>>
    %dma_wait3A_111 = arith.constant 0 : i32
    %dma_wait3A_112 = tpu.memref_slice %arg10[%add3A_57, %dma_wait3A_111] : memref<87808x128xf32, #tpu.memory_space<hbm>> -> memref<256x128xf32, #tpu.memory_space<hbm>>
    tpu.wait_dma2 semaphore(%arg16 : memref<!tpu.dma_semaphore, #tpu.memory_space<semaphore_mem>>) src(%arg11 : memref<256x128xf32, #tpu.memory_space<vmem>>) dst(%dma_wait3A_112 : memref<256x128xf32, #tpu.memory_space<hbm>>)
    %dma_wait3A_113 = arith.constant 0 : i32
    %dma_wait3A_114 = arith.constant 0 : i32
    %dma_wait3A_115 = tpu.memref_slice %arg11[%dma_wait3A_113, %dma_wait3A_114] : memref<256x128xf32, #tpu.memory_space<vmem>> -> memref<184x128xf32, #tpu.memory_space<vmem>>
    %dma_wait3A_116 = arith.constant 0 : i32
    %dma_wait3A_117 = tpu.memref_slice %arg10[%add3A_63, %dma_wait3A_116] : memref<87808x128xf32, #tpu.memory_space<hbm>> -> memref<184x128xf32, #tpu.memory_space<hbm>>
    %dma_wait3A_118 = arith.constant 0 : i32
    %dma_wait3A_119 = tpu.memref_slice %arg10[%add3A_63, %dma_wait3A_118] : memref<87808x128xf32, #tpu.memory_space<hbm>> -> memref<184x128xf32, #tpu.memory_space<hbm>>
    %dma_wait3A_120 = arith.constant 0 : i32
    %dma_wait3A_121 = arith.constant 0 : i32
    %dma_wait3A_122 = tpu.memref_slice %arg11[%dma_wait3A_120, %dma_wait3A_121] : memref<256x128xf32, #tpu.memory_space<vmem>> -> memref<184x128xf32, #tpu.memory_space<vmem>>
    tpu.wait_dma2 semaphore(%arg16 : memref<!tpu.dma_semaphore, #tpu.memory_space<semaphore_mem>>) src(%dma_wait3A_122 : memref<184x128xf32, #tpu.memory_space<vmem>>) dst(%dma_wait3A_119 : memref<184x128xf32, #tpu.memory_space<hbm>>)
    %barrier3A = arith.constant 0 : index
    tpu.barrier barrier_id(%barrier3A)
    %mul3A_123 = arith.constant 256 : i32
    %mul3A_124 = arith.muli %arg1, %mul3A_123 : i32
    %eq3A = arith.constant 0 : i32
    %eq3A_125 = arith.cmpi eq, %arg0, %eq3A : i32
    %convert_element_type3A = arith.extui %eq3A_125 : i1 to i32
    %cond3A = arith.constant 0 : i32
    %cond3A_126 = arith.cmpi ne, %convert_element_type3A, %cond3A : i32
    scf.if %cond3A_126 {
      %add3A_212 = arith.constant 0 : i32
      %add3A_213 = arith.addi %mul3A_124, %add3A_212 : i32
      %run_scoped3A_214 = arith.constant 0 : i32
      "tpu.region"() ({
        %run_scoped3A_218 = tpu.sem_alloc : memref<!tpu.dma_semaphore, #tpu.memory_space<semaphore_mem>>
        %dma_start3A_219 = arith.constant 0 : i32
        %dma_start3A_220 = tpu.memref_slice %arg12[%run_scoped3A_214, %dma_start3A_219] : memref<2x128xi32, #tpu.memory_space<vmem>> -> memref<1x128xi32, #tpu.memory_space<vmem>>
        %dma_start3A_221 = tpu.memref_squeeze %dma_start3A_220 : memref<1x128xi32, #tpu.memory_space<vmem>> -> memref<128xi32, #tpu.memory_space<vmem>>
        %dma_start3A_222 = tpu.memref_slice %arg6[%add3A_213] : memref<4096xi32, #tpu.memory_space<hbm>> -> memref<128xi32, #tpu.memory_space<hbm>>
        %dma_start3A_223 = arith.constant 0 : i32
        %dma_start3A_224 = tpu.memref_slice %arg12[%run_scoped3A_214, %dma_start3A_223] : memref<2x128xi32, #tpu.memory_space<vmem>> -> memref<1x128xi32, #tpu.memory_space<vmem>>
        %dma_start3A_225 = tpu.memref_squeeze %dma_start3A_224 : memref<1x128xi32, #tpu.memory_space<vmem>> -> memref<128xi32, #tpu.memory_space<vmem>>
        %dma_start3A_226 = tpu.memref_slice %arg6[%add3A_213] : memref<4096xi32, #tpu.memory_space<hbm>> -> memref<128xi32, #tpu.memory_space<hbm>>
        tpu.enqueue_dma source(%dma_start3A_226 : memref<128xi32, #tpu.memory_space<hbm>>) target(%dma_start3A_225 : memref<128xi32, #tpu.memory_space<vmem>>) target_semaphore(%run_scoped3A_218 : memref<!tpu.dma_semaphore, #tpu.memory_space<semaphore_mem>>)
        %dma_wait3A_227 = arith.constant 0 : i32
        %dma_wait3A_228 = tpu.memref_slice %arg12[%run_scoped3A_214, %dma_wait3A_227] : memref<2x128xi32, #tpu.memory_space<vmem>> -> memref<1x128xi32, #tpu.memory_space<vmem>>
        %dma_wait3A_229 = tpu.memref_squeeze %dma_wait3A_228 : memref<1x128xi32, #tpu.memory_space<vmem>> -> memref<128xi32, #tpu.memory_space<vmem>>
        %dma_wait3A_230 = tpu.memref_slice %arg6[%add3A_213] : memref<4096xi32, #tpu.memory_space<hbm>> -> memref<128xi32, #tpu.memory_space<hbm>>
        %dma_wait3A_231 = arith.constant 0 : i32
        %dma_wait3A_232 = tpu.memref_slice %arg12[%run_scoped3A_214, %dma_wait3A_231] : memref<2x128xi32, #tpu.memory_space<vmem>> -> memref<1x128xi32, #tpu.memory_space<vmem>>
        %dma_wait3A_233 = tpu.memref_squeeze %dma_wait3A_232 : memref<1x128xi32, #tpu.memory_space<vmem>> -> memref<128xi32, #tpu.memory_space<vmem>>
        %dma_wait3A_234 = tpu.memref_slice %arg6[%add3A_213] : memref<4096xi32, #tpu.memory_space<hbm>> -> memref<128xi32, #tpu.memory_space<hbm>>
        tpu.wait_dma2 semaphore(%run_scoped3A_218 : memref<!tpu.dma_semaphore, #tpu.memory_space<semaphore_mem>>) src(%dma_wait3A_234 : memref<128xi32, #tpu.memory_space<hbm>>) dst(%dma_wait3A_233 : memref<128xi32, #tpu.memory_space<vmem>>)
        tpu.yield
      }) : () -> ()
      %add3A_215 = arith.constant 128 : i32
      %add3A_216 = arith.addi %mul3A_124, %add3A_215 : i32
      %run_scoped3A_217 = arith.constant 1 : i32
      "tpu.region"() ({
        %run_scoped3A_218 = tpu.sem_alloc : memref<!tpu.dma_semaphore, #tpu.memory_space<semaphore_mem>>
        %dma_start3A_219 = arith.constant 0 : i32
        %dma_start3A_220 = tpu.memref_slice %arg12[%run_scoped3A_217, %dma_start3A_219] : memref<2x128xi32, #tpu.memory_space<vmem>> -> memref<1x128xi32, #tpu.memory_space<vmem>>
        %dma_start3A_221 = tpu.memref_squeeze %dma_start3A_220 : memref<1x128xi32, #tpu.memory_space<vmem>> -> memref<128xi32, #tpu.memory_space<vmem>>
        %dma_start3A_222 = tpu.memref_slice %arg6[%add3A_216] : memref<4096xi32, #tpu.memory_space<hbm>> -> memref<128xi32, #tpu.memory_space<hbm>>
        %dma_start3A_223 = arith.constant 0 : i32
        %dma_start3A_224 = tpu.memref_slice %arg12[%run_scoped3A_217, %dma_start3A_223] : memref<2x128xi32, #tpu.memory_space<vmem>> -> memref<1x128xi32, #tpu.memory_space<vmem>>
        %dma_start3A_225 = tpu.memref_squeeze %dma_start3A_224 : memref<1x128xi32, #tpu.memory_space<vmem>> -> memref<128xi32, #tpu.memory_space<vmem>>
        %dma_start3A_226 = tpu.memref_slice %arg6[%add3A_216] : memref<4096xi32, #tpu.memory_space<hbm>> -> memref<128xi32, #tpu.memory_space<hbm>>
        tpu.enqueue_dma source(%dma_start3A_226 : memref<128xi32, #tpu.memory_space<hbm>>) target(%dma_start3A_225 : memref<128xi32, #tpu.memory_space<vmem>>) target_semaphore(%run_scoped3A_218 : memref<!tpu.dma_semaphore, #tpu.memory_space<semaphore_mem>>)
        %dma_wait3A_227 = arith.constant 0 : i32
        %dma_wait3A_228 = tpu.memref_slice %arg12[%run_scoped3A_217, %dma_wait3A_227] : memref<2x128xi32, #tpu.memory_space<vmem>> -> memref<1x128xi32, #tpu.memory_space<vmem>>
        %dma_wait3A_229 = tpu.memref_squeeze %dma_wait3A_228 : memref<1x128xi32, #tpu.memory_space<vmem>> -> memref<128xi32, #tpu.memory_space<vmem>>
        %dma_wait3A_230 = tpu.memref_slice %arg6[%add3A_216] : memref<4096xi32, #tpu.memory_space<hbm>> -> memref<128xi32, #tpu.memory_space<hbm>>
        %dma_wait3A_231 = arith.constant 0 : i32
        %dma_wait3A_232 = tpu.memref_slice %arg12[%run_scoped3A_217, %dma_wait3A_231] : memref<2x128xi32, #tpu.memory_space<vmem>> -> memref<1x128xi32, #tpu.memory_space<vmem>>
        %dma_wait3A_233 = tpu.memref_squeeze %dma_wait3A_232 : memref<1x128xi32, #tpu.memory_space<vmem>> -> memref<128xi32, #tpu.memory_space<vmem>>
        %dma_wait3A_234 = tpu.memref_slice %arg6[%add3A_216] : memref<4096xi32, #tpu.memory_space<hbm>> -> memref<128xi32, #tpu.memory_space<hbm>>
        tpu.wait_dma2 semaphore(%run_scoped3A_218 : memref<!tpu.dma_semaphore, #tpu.memory_space<semaphore_mem>>) src(%dma_wait3A_234 : memref<128xi32, #tpu.memory_space<hbm>>) dst(%dma_wait3A_233 : memref<128xi32, #tpu.memory_space<vmem>>)
        tpu.yield
      }) : () -> ()
    } else {
    }
    %eq3A_127 = arith.constant 1 : i32
    %eq3A_128 = arith.cmpi eq, %arg0, %eq3A_127 : i32
    %convert_element_type3A_129 = arith.extui %eq3A_128 : i1 to i32
    %cond3A_130 = arith.constant 0 : i32
    %cond3A_131 = arith.cmpi ne, %convert_element_type3A_129, %cond3A_130 : i32
    scf.if %cond3A_131 {
      %add3A_212 = arith.constant 0 : i32
      %add3A_213 = arith.addi %mul3A_124, %add3A_212 : i32
      %run_scoped3A_214 = arith.constant 0 : i32
      "tpu.region"() ({
        %run_scoped3A_218 = tpu.sem_alloc : memref<!tpu.dma_semaphore, #tpu.memory_space<semaphore_mem>>
        %dma_start3A_219 = arith.constant 0 : i32
        %dma_start3A_220 = tpu.memref_slice %arg12[%run_scoped3A_214, %dma_start3A_219] : memref<2x128xi32, #tpu.memory_space<vmem>> -> memref<1x128xi32, #tpu.memory_space<vmem>>
        %dma_start3A_221 = tpu.memref_squeeze %dma_start3A_220 : memref<1x128xi32, #tpu.memory_space<vmem>> -> memref<128xi32, #tpu.memory_space<vmem>>
        %dma_start3A_222 = tpu.memref_slice %arg7[%add3A_213] : memref<4096xi32, #tpu.memory_space<hbm>> -> memref<128xi32, #tpu.memory_space<hbm>>
        %dma_start3A_223 = arith.constant 0 : i32
        %dma_start3A_224 = tpu.memref_slice %arg12[%run_scoped3A_214, %dma_start3A_223] : memref<2x128xi32, #tpu.memory_space<vmem>> -> memref<1x128xi32, #tpu.memory_space<vmem>>
        %dma_start3A_225 = tpu.memref_squeeze %dma_start3A_224 : memref<1x128xi32, #tpu.memory_space<vmem>> -> memref<128xi32, #tpu.memory_space<vmem>>
        %dma_start3A_226 = tpu.memref_slice %arg7[%add3A_213] : memref<4096xi32, #tpu.memory_space<hbm>> -> memref<128xi32, #tpu.memory_space<hbm>>
        tpu.enqueue_dma source(%dma_start3A_226 : memref<128xi32, #tpu.memory_space<hbm>>) target(%dma_start3A_225 : memref<128xi32, #tpu.memory_space<vmem>>) target_semaphore(%run_scoped3A_218 : memref<!tpu.dma_semaphore, #tpu.memory_space<semaphore_mem>>)
        %dma_wait3A_227 = arith.constant 0 : i32
        %dma_wait3A_228 = tpu.memref_slice %arg12[%run_scoped3A_214, %dma_wait3A_227] : memref<2x128xi32, #tpu.memory_space<vmem>> -> memref<1x128xi32, #tpu.memory_space<vmem>>
        %dma_wait3A_229 = tpu.memref_squeeze %dma_wait3A_228 : memref<1x128xi32, #tpu.memory_space<vmem>> -> memref<128xi32, #tpu.memory_space<vmem>>
        %dma_wait3A_230 = tpu.memref_slice %arg7[%add3A_213] : memref<4096xi32, #tpu.memory_space<hbm>> -> memref<128xi32, #tpu.memory_space<hbm>>
        %dma_wait3A_231 = arith.constant 0 : i32
        %dma_wait3A_232 = tpu.memref_slice %arg12[%run_scoped3A_214, %dma_wait3A_231] : memref<2x128xi32, #tpu.memory_space<vmem>> -> memref<1x128xi32, #tpu.memory_space<vmem>>
        %dma_wait3A_233 = tpu.memref_squeeze %dma_wait3A_232 : memref<1x128xi32, #tpu.memory_space<vmem>> -> memref<128xi32, #tpu.memory_space<vmem>>
        %dma_wait3A_234 = tpu.memref_slice %arg7[%add3A_213] : memref<4096xi32, #tpu.memory_space<hbm>> -> memref<128xi32, #tpu.memory_space<hbm>>
        tpu.wait_dma2 semaphore(%run_scoped3A_218 : memref<!tpu.dma_semaphore, #tpu.memory_space<semaphore_mem>>) src(%dma_wait3A_234 : memref<128xi32, #tpu.memory_space<hbm>>) dst(%dma_wait3A_233 : memref<128xi32, #tpu.memory_space<vmem>>)
        tpu.yield
      }) : () -> ()
      %add3A_215 = arith.constant 128 : i32
      %add3A_216 = arith.addi %mul3A_124, %add3A_215 : i32
      %run_scoped3A_217 = arith.constant 1 : i32
      "tpu.region"() ({
        %run_scoped3A_218 = tpu.sem_alloc : memref<!tpu.dma_semaphore, #tpu.memory_space<semaphore_mem>>
        %dma_start3A_219 = arith.constant 0 : i32
        %dma_start3A_220 = tpu.memref_slice %arg12[%run_scoped3A_217, %dma_start3A_219] : memref<2x128xi32, #tpu.memory_space<vmem>> -> memref<1x128xi32, #tpu.memory_space<vmem>>
        %dma_start3A_221 = tpu.memref_squeeze %dma_start3A_220 : memref<1x128xi32, #tpu.memory_space<vmem>> -> memref<128xi32, #tpu.memory_space<vmem>>
        %dma_start3A_222 = tpu.memref_slice %arg7[%add3A_216] : memref<4096xi32, #tpu.memory_space<hbm>> -> memref<128xi32, #tpu.memory_space<hbm>>
        %dma_start3A_223 = arith.constant 0 : i32
        %dma_start3A_224 = tpu.memref_slice %arg12[%run_scoped3A_217, %dma_start3A_223] : memref<2x128xi32, #tpu.memory_space<vmem>> -> memref<1x128xi32, #tpu.memory_space<vmem>>
        %dma_start3A_225 = tpu.memref_squeeze %dma_start3A_224 : memref<1x128xi32, #tpu.memory_space<vmem>> -> memref<128xi32, #tpu.memory_space<vmem>>
        %dma_start3A_226 = tpu.memref_slice %arg7[%add3A_216] : memref<4096xi32, #tpu.memory_space<hbm>> -> memref<128xi32, #tpu.memory_space<hbm>>
        tpu.enqueue_dma source(%dma_start3A_226 : memref<128xi32, #tpu.memory_space<hbm>>) target(%dma_start3A_225 : memref<128xi32, #tpu.memory_space<vmem>>) target_semaphore(%run_scoped3A_218 : memref<!tpu.dma_semaphore, #tpu.memory_space<semaphore_mem>>)
        %dma_wait3A_227 = arith.constant 0 : i32
        %dma_wait3A_228 = tpu.memref_slice %arg12[%run_scoped3A_217, %dma_wait3A_227] : memref<2x128xi32, #tpu.memory_space<vmem>> -> memref<1x128xi32, #tpu.memory_space<vmem>>
        %dma_wait3A_229 = tpu.memref_squeeze %dma_wait3A_228 : memref<1x128xi32, #tpu.memory_space<vmem>> -> memref<128xi32, #tpu.memory_space<vmem>>
        %dma_wait3A_230 = tpu.memref_slice %arg7[%add3A_216] : memref<4096xi32, #tpu.memory_space<hbm>> -> memref<128xi32, #tpu.memory_space<hbm>>
        %dma_wait3A_231 = arith.constant 0 : i32
        %dma_wait3A_232 = tpu.memref_slice %arg12[%run_scoped3A_217, %dma_wait3A_231] : memref<2x128xi32, #tpu.memory_space<vmem>> -> memref<1x128xi32, #tpu.memory_space<vmem>>
        %dma_wait3A_233 = tpu.memref_squeeze %dma_wait3A_232 : memref<1x128xi32, #tpu.memory_space<vmem>> -> memref<128xi32, #tpu.memory_space<vmem>>
        %dma_wait3A_234 = tpu.memref_slice %arg7[%add3A_216] : memref<4096xi32, #tpu.memory_space<hbm>> -> memref<128xi32, #tpu.memory_space<hbm>>
        tpu.wait_dma2 semaphore(%run_scoped3A_218 : memref<!tpu.dma_semaphore, #tpu.memory_space<semaphore_mem>>) src(%dma_wait3A_234 : memref<128xi32, #tpu.memory_space<hbm>>) dst(%dma_wait3A_233 : memref<128xi32, #tpu.memory_space<vmem>>)
        tpu.yield
      }) : () -> ()
    } else {
    }
    %add3A_132 = arith.constant 0 : i32
    %add3A_133 = arith.addi %mul3A_124, %add3A_132 : i32
    %run_scoped3A = arith.constant 0 : i32
    "tpu.region"() ({
      %run_scoped3A_212 = tpu.sem_alloc : memref<!tpu.dma_semaphore, #tpu.memory_space<semaphore_mem>>
      %dma_start3A_213 = arith.constant 0 : i32
      %dma_start3A_214 = arith.constant 0 : i32
      %dma_start3A_215 = tpu.memref_slice %arg13[%run_scoped3A, %dma_start3A_213, %dma_start3A_214] : memref<2x128x128xf32, #tpu.memory_space<vmem>> -> memref<1x128x128xf32, #tpu.memory_space<vmem>>
      %dma_start3A_216 = tpu.memref_squeeze %dma_start3A_215 : memref<1x128x128xf32, #tpu.memory_space<vmem>> -> memref<128x128xf32, #tpu.memory_space<vmem>>
      %dma_start3A_217 = arith.constant 0 : i32
      %dma_start3A_218 = tpu.memref_slice %arg2[%add3A_133, %dma_start3A_217] : memref<4096x128xf32, #tpu.memory_space<hbm>> -> memref<128x128xf32, #tpu.memory_space<hbm>>
      %dma_start3A_219 = arith.constant 0 : i32
      %dma_start3A_220 = arith.constant 0 : i32
      %dma_start3A_221 = tpu.memref_slice %arg13[%run_scoped3A, %dma_start3A_219, %dma_start3A_220] : memref<2x128x128xf32, #tpu.memory_space<vmem>> -> memref<1x128x128xf32, #tpu.memory_space<vmem>>
      %dma_start3A_222 = tpu.memref_squeeze %dma_start3A_221 : memref<1x128x128xf32, #tpu.memory_space<vmem>> -> memref<128x128xf32, #tpu.memory_space<vmem>>
      %dma_start3A_223 = arith.constant 0 : i32
      %dma_start3A_224 = tpu.memref_slice %arg2[%add3A_133, %dma_start3A_223] : memref<4096x128xf32, #tpu.memory_space<hbm>> -> memref<128x128xf32, #tpu.memory_space<hbm>>
      tpu.enqueue_dma source(%dma_start3A_224 : memref<128x128xf32, #tpu.memory_space<hbm>>) target(%dma_start3A_222 : memref<128x128xf32, #tpu.memory_space<vmem>>) target_semaphore(%run_scoped3A_212 : memref<!tpu.dma_semaphore, #tpu.memory_space<semaphore_mem>>)
      %dma_wait3A_225 = arith.constant 0 : i32
      %dma_wait3A_226 = arith.constant 0 : i32
      %dma_wait3A_227 = tpu.memref_slice %arg13[%run_scoped3A, %dma_wait3A_225, %dma_wait3A_226] : memref<2x128x128xf32, #tpu.memory_space<vmem>> -> memref<1x128x128xf32, #tpu.memory_space<vmem>>
      %dma_wait3A_228 = tpu.memref_squeeze %dma_wait3A_227 : memref<1x128x128xf32, #tpu.memory_space<vmem>> -> memref<128x128xf32, #tpu.memory_space<vmem>>
      %dma_wait3A_229 = arith.constant 0 : i32
      %dma_wait3A_230 = tpu.memref_slice %arg2[%add3A_133, %dma_wait3A_229] : memref<4096x128xf32, #tpu.memory_space<hbm>> -> memref<128x128xf32, #tpu.memory_space<hbm>>
      %dma_wait3A_231 = arith.constant 0 : i32
      %dma_wait3A_232 = arith.constant 0 : i32
      %dma_wait3A_233 = tpu.memref_slice %arg13[%run_scoped3A, %dma_wait3A_231, %dma_wait3A_232] : memref<2x128x128xf32, #tpu.memory_space<vmem>> -> memref<1x128x128xf32, #tpu.memory_space<vmem>>
      %dma_wait3A_234 = tpu.memref_squeeze %dma_wait3A_233 : memref<1x128x128xf32, #tpu.memory_space<vmem>> -> memref<128x128xf32, #tpu.memory_space<vmem>>
      %dma_wait3A_235 = arith.constant 0 : i32
      %dma_wait3A_236 = tpu.memref_slice %arg2[%add3A_133, %dma_wait3A_235] : memref<4096x128xf32, #tpu.memory_space<hbm>> -> memref<128x128xf32, #tpu.memory_space<hbm>>
      tpu.wait_dma2 semaphore(%run_scoped3A_212 : memref<!tpu.dma_semaphore, #tpu.memory_space<semaphore_mem>>) src(%dma_wait3A_236 : memref<128x128xf32, #tpu.memory_space<hbm>>) dst(%dma_wait3A_234 : memref<128x128xf32, #tpu.memory_space<vmem>>)
      tpu.yield
    }) : () -> ()
    %dma_start3A_134 = arith.constant 0 : i32
    %dma_start3A_135 = arith.constant 0 : i32
    %dma_start3A_136 = arith.constant 0 : i32
    %dma_start3A_137 = arith.constant 0 : i32
    %dma_start3A_138 = tpu.memref_slice %arg13[%dma_start3A_134, %dma_start3A_136, %dma_start3A_137] : memref<2x128x128xf32, #tpu.memory_space<vmem>> -> memref<1x128x128xf32, #tpu.memory_space<vmem>>
    %dma_start3A_139 = tpu.memref_squeeze %dma_start3A_138 : memref<1x128x128xf32, #tpu.memory_space<vmem>> -> memref<128x128xf32, #tpu.memory_space<vmem>>
    %dma_start3A_140 = arith.constant 0 : i32
    %dma_start3A_141 = tpu.memref_slice %arg12[%dma_start3A_135, %dma_start3A_140] : memref<2x128xi32, #tpu.memory_space<vmem>> -> memref<1x128xi32, #tpu.memory_space<vmem>>
    %dma_start3A_142 = tpu.memref_squeeze %dma_start3A_141 : memref<1x128xi32, #tpu.memory_space<vmem>> -> memref<128xi32, #tpu.memory_space<vmem>>
    %dma_start3A_143 = arith.constant 0 : i32
    %dma_start3A_144 = arith.constant 0 : i32
    %dma_start3A_145 = tpu.memref_slice %arg10[%dma_start3A_143, %dma_start3A_144] : memref<87808x128xf32, #tpu.memory_space<hbm>> -> memref<87808x128xf32, #tpu.memory_space<hbm>>
    tpu.enqueue_indirect_dma source(%dma_start3A_139 : memref<128x128xf32, #tpu.memory_space<vmem>>) target(%dma_start3A_145 : memref<87808x128xf32, #tpu.memory_space<hbm>>) offsets(%dma_start3A_142 : memref<128xi32, #tpu.memory_space<vmem>>) semaphore(%arg16 : memref<!tpu.dma_semaphore, #tpu.memory_space<semaphore_mem>>)
    %dma_wait3A_146 = arith.constant 0 : i32
    %dma_wait3A_147 = arith.constant 0 : i32
    %dma_wait3A_148 = arith.constant 0 : i32
    %dma_wait3A_149 = arith.constant 0 : i32
    %dma_wait3A_150 = tpu.memref_slice %arg13[%dma_wait3A_146, %dma_wait3A_148, %dma_wait3A_149] : memref<2x128x128xf32, #tpu.memory_space<vmem>> -> memref<1x128x128xf32, #tpu.memory_space<vmem>>
    %dma_wait3A_151 = tpu.memref_squeeze %dma_wait3A_150 : memref<1x128x128xf32, #tpu.memory_space<vmem>> -> memref<128x128xf32, #tpu.memory_space<vmem>>
    %dma_wait3A_152 = arith.constant 0 : i32
    %dma_wait3A_153 = tpu.memref_slice %arg12[%dma_wait3A_147, %dma_wait3A_152] : memref<2x128xi32, #tpu.memory_space<vmem>> -> memref<1x128xi32, #tpu.memory_space<vmem>>
    %dma_wait3A_154 = tpu.memref_squeeze %dma_wait3A_153 : memref<1x128xi32, #tpu.memory_space<vmem>> -> memref<128xi32, #tpu.memory_space<vmem>>
    %dma_wait3A_155 = arith.constant 0 : i32
    %dma_wait3A_156 = arith.constant 0 : i32
    %dma_wait3A_157 = tpu.memref_slice %arg10[%dma_wait3A_155, %dma_wait3A_156] : memref<87808x128xf32, #tpu.memory_space<hbm>> -> memref<87808x128xf32, #tpu.memory_space<hbm>>
    tpu.wait_indirect_dma semaphore(%arg16 : memref<!tpu.dma_semaphore, #tpu.memory_space<semaphore_mem>>) src(%dma_wait3A_151 : memref<128x128xf32, #tpu.memory_space<vmem>>) dst(%dma_wait3A_157 : memref<87808x128xf32, #tpu.memory_space<hbm>>)
    %add3A_158 = arith.constant 128 : i32
    %add3A_159 = arith.addi %mul3A_124, %add3A_158 : i32
    %run_scoped3A_160 = arith.constant 1 : i32
    "tpu.region"() ({
      %run_scoped3A_212 = tpu.sem_alloc : memref<!tpu.dma_semaphore, #tpu.memory_space<semaphore_mem>>
      %dma_start3A_213 = arith.constant 0 : i32
      %dma_start3A_214 = arith.constant 0 : i32
      %dma_start3A_215 = tpu.memref_slice %arg13[%run_scoped3A_160, %dma_start3A_213, %dma_start3A_214] : memref<2x128x128xf32, #tpu.memory_space<vmem>> -> memref<1x128x128xf32, #tpu.memory_space<vmem>>
      %dma_start3A_216 = tpu.memref_squeeze %dma_start3A_215 : memref<1x128x128xf32, #tpu.memory_space<vmem>> -> memref<128x128xf32, #tpu.memory_space<vmem>>
      %dma_start3A_217 = arith.constant 0 : i32
      %dma_start3A_218 = tpu.memref_slice %arg2[%add3A_159, %dma_start3A_217] : memref<4096x128xf32, #tpu.memory_space<hbm>> -> memref<128x128xf32, #tpu.memory_space<hbm>>
      %dma_start3A_219 = arith.constant 0 : i32
      %dma_start3A_220 = arith.constant 0 : i32
      %dma_start3A_221 = tpu.memref_slice %arg13[%run_scoped3A_160, %dma_start3A_219, %dma_start3A_220] : memref<2x128x128xf32, #tpu.memory_space<vmem>> -> memref<1x128x128xf32, #tpu.memory_space<vmem>>
      %dma_start3A_222 = tpu.memref_squeeze %dma_start3A_221 : memref<1x128x128xf32, #tpu.memory_space<vmem>> -> memref<128x128xf32, #tpu.memory_space<vmem>>
      %dma_start3A_223 = arith.constant 0 : i32
      %dma_start3A_224 = tpu.memref_slice %arg2[%add3A_159, %dma_start3A_223] : memref<4096x128xf32, #tpu.memory_space<hbm>> -> memref<128x128xf32, #tpu.memory_space<hbm>>
      tpu.enqueue_dma source(%dma_start3A_224 : memref<128x128xf32, #tpu.memory_space<hbm>>) target(%dma_start3A_222 : memref<128x128xf32, #tpu.memory_space<vmem>>) target_semaphore(%run_scoped3A_212 : memref<!tpu.dma_semaphore, #tpu.memory_space<semaphore_mem>>)
      %dma_wait3A_225 = arith.constant 0 : i32
      %dma_wait3A_226 = arith.constant 0 : i32
      %dma_wait3A_227 = tpu.memref_slice %arg13[%run_scoped3A_160, %dma_wait3A_225, %dma_wait3A_226] : memref<2x128x128xf32, #tpu.memory_space<vmem>> -> memref<1x128x128xf32, #tpu.memory_space<vmem>>
      %dma_wait3A_228 = tpu.memref_squeeze %dma_wait3A_227 : memref<1x128x128xf32, #tpu.memory_space<vmem>> -> memref<128x128xf32, #tpu.memory_space<vmem>>
      %dma_wait3A_229 = arith.constant 0 : i32
      %dma_wait3A_230 = tpu.memref_slice %arg2[%add3A_159, %dma_wait3A_229] : memref<4096x128xf32, #tpu.memory_space<hbm>> -> memref<128x128xf32, #tpu.memory_space<hbm>>
      %dma_wait3A_231 = arith.constant 0 : i32
      %dma_wait3A_232 = arith.constant 0 : i32
      %dma_wait3A_233 = tpu.memref_slice %arg13[%run_scoped3A_160, %dma_wait3A_231, %dma_wait3A_232] : memref<2x128x128xf32, #tpu.memory_space<vmem>> -> memref<1x128x128xf32, #tpu.memory_space<vmem>>
      %dma_wait3A_234 = tpu.memref_squeeze %dma_wait3A_233 : memref<1x128x128xf32, #tpu.memory_space<vmem>> -> memref<128x128xf32, #tpu.memory_space<vmem>>
      %dma_wait3A_235 = arith.constant 0 : i32
      %dma_wait3A_236 = tpu.memref_slice %arg2[%add3A_159, %dma_wait3A_235] : memref<4096x128xf32, #tpu.memory_space<hbm>> -> memref<128x128xf32, #tpu.memory_space<hbm>>
      tpu.wait_dma2 semaphore(%run_scoped3A_212 : memref<!tpu.dma_semaphore, #tpu.memory_space<semaphore_mem>>) src(%dma_wait3A_236 : memref<128x128xf32, #tpu.memory_space<hbm>>) dst(%dma_wait3A_234 : memref<128x128xf32, #tpu.memory_space<vmem>>)
      tpu.yield
    }) : () -> ()
    %dma_start3A_161 = arith.constant 1 : i32
    %dma_start3A_162 = arith.constant 1 : i32
    %dma_start3A_163 = arith.constant 0 : i32
    %dma_start3A_164 = arith.constant 0 : i32
    %dma_start3A_165 = tpu.memref_slice %arg13[%dma_start3A_161, %dma_start3A_163, %dma_start3A_164] : memref<2x128x128xf32, #tpu.memory_space<vmem>> -> memref<1x128x128xf32, #tpu.memory_space<vmem>>
    %dma_start3A_166 = tpu.memref_squeeze %dma_start3A_165 : memref<1x128x128xf32, #tpu.memory_space<vmem>> -> memref<128x128xf32, #tpu.memory_space<vmem>>
    %dma_start3A_167 = arith.constant 0 : i32
    %dma_start3A_168 = tpu.memref_slice %arg12[%dma_start3A_162, %dma_start3A_167] : memref<2x128xi32, #tpu.memory_space<vmem>> -> memref<1x128xi32, #tpu.memory_space<vmem>>
    %dma_start3A_169 = tpu.memref_squeeze %dma_start3A_168 : memref<1x128xi32, #tpu.memory_space<vmem>> -> memref<128xi32, #tpu.memory_space<vmem>>
    %dma_start3A_170 = arith.constant 0 : i32
    %dma_start3A_171 = arith.constant 0 : i32
    %dma_start3A_172 = tpu.memref_slice %arg10[%dma_start3A_170, %dma_start3A_171] : memref<87808x128xf32, #tpu.memory_space<hbm>> -> memref<87808x128xf32, #tpu.memory_space<hbm>>
    tpu.enqueue_indirect_dma source(%dma_start3A_166 : memref<128x128xf32, #tpu.memory_space<vmem>>) target(%dma_start3A_172 : memref<87808x128xf32, #tpu.memory_space<hbm>>) offsets(%dma_start3A_169 : memref<128xi32, #tpu.memory_space<vmem>>) semaphore(%arg16 : memref<!tpu.dma_semaphore, #tpu.memory_space<semaphore_mem>>)
    %dma_wait3A_173 = arith.constant 1 : i32
    %dma_wait3A_174 = arith.constant 1 : i32
    %dma_wait3A_175 = arith.constant 0 : i32
    %dma_wait3A_176 = arith.constant 0 : i32
    %dma_wait3A_177 = tpu.memref_slice %arg13[%dma_wait3A_173, %dma_wait3A_175, %dma_wait3A_176] : memref<2x128x128xf32, #tpu.memory_space<vmem>> -> memref<1x128x128xf32, #tpu.memory_space<vmem>>
    %dma_wait3A_178 = tpu.memref_squeeze %dma_wait3A_177 : memref<1x128x128xf32, #tpu.memory_space<vmem>> -> memref<128x128xf32, #tpu.memory_space<vmem>>
    %dma_wait3A_179 = arith.constant 0 : i32
    %dma_wait3A_180 = tpu.memref_slice %arg12[%dma_wait3A_174, %dma_wait3A_179] : memref<2x128xi32, #tpu.memory_space<vmem>> -> memref<1x128xi32, #tpu.memory_space<vmem>>
    %dma_wait3A_181 = tpu.memref_squeeze %dma_wait3A_180 : memref<1x128xi32, #tpu.memory_space<vmem>> -> memref<128xi32, #tpu.memory_space<vmem>>
    %dma_wait3A_182 = arith.constant 0 : i32
    %dma_wait3A_183 = arith.constant 0 : i32
    %dma_wait3A_184 = tpu.memref_slice %arg10[%dma_wait3A_182, %dma_wait3A_183] : memref<87808x128xf32, #tpu.memory_space<hbm>> -> memref<87808x128xf32, #tpu.memory_space<hbm>>
    tpu.wait_indirect_dma semaphore(%arg16 : memref<!tpu.dma_semaphore, #tpu.memory_space<semaphore_mem>>) src(%dma_wait3A_178 : memref<128x128xf32, #tpu.memory_space<vmem>>) dst(%dma_wait3A_184 : memref<87808x128xf32, #tpu.memory_space<hbm>>)
    %barrier3A_185 = arith.constant 0 : index
    tpu.barrier barrier_id(%barrier3A_185)
    %mul3A_186 = arith.constant 128 : i32
    %mul3A_187 = arith.muli %arg1, %mul3A_186 : i32
    %eq3A_188 = arith.constant 0 : i32
    %eq3A_189 = arith.cmpi eq, %arg0, %eq3A_188 : i32
    %convert_element_type3A_190 = arith.extui %eq3A_189 : i1 to i32
    %cond3A_191 = arith.constant 0 : i32
    %cond3A_192 = arith.cmpi ne, %convert_element_type3A_190, %cond3A_191 : i32
    scf.if %cond3A_192 {
      "tpu.region"() ({
        %run_scoped3A_212 = tpu.sem_alloc : memref<!tpu.dma_semaphore, #tpu.memory_space<semaphore_mem>>
        %dma_start3A_213 = tpu.memref_slice %arg8[%mul3A_187] : memref<2048xi32, #tpu.memory_space<hbm>> -> memref<128xi32, #tpu.memory_space<hbm>>
        %dma_start3A_214 = tpu.memref_slice %arg8[%mul3A_187] : memref<2048xi32, #tpu.memory_space<hbm>> -> memref<128xi32, #tpu.memory_space<hbm>>
        tpu.enqueue_dma source(%dma_start3A_214 : memref<128xi32, #tpu.memory_space<hbm>>) target(%arg14 : memref<128xi32, #tpu.memory_space<vmem>>) target_semaphore(%run_scoped3A_212 : memref<!tpu.dma_semaphore, #tpu.memory_space<semaphore_mem>>)
        %dma_wait3A_215 = tpu.memref_slice %arg8[%mul3A_187] : memref<2048xi32, #tpu.memory_space<hbm>> -> memref<128xi32, #tpu.memory_space<hbm>>
        %dma_wait3A_216 = tpu.memref_slice %arg8[%mul3A_187] : memref<2048xi32, #tpu.memory_space<hbm>> -> memref<128xi32, #tpu.memory_space<hbm>>
        tpu.wait_dma2 semaphore(%run_scoped3A_212 : memref<!tpu.dma_semaphore, #tpu.memory_space<semaphore_mem>>) src(%dma_wait3A_216 : memref<128xi32, #tpu.memory_space<hbm>>) dst(%arg14 : memref<128xi32, #tpu.memory_space<vmem>>)
        tpu.yield
      }) : () -> ()
    } else {
    }
    %eq3A_193 = arith.constant 1 : i32
    %eq3A_194 = arith.cmpi eq, %arg0, %eq3A_193 : i32
    %convert_element_type3A_195 = arith.extui %eq3A_194 : i1 to i32
    %cond3A_196 = arith.constant 0 : i32
    %cond3A_197 = arith.cmpi ne, %convert_element_type3A_195, %cond3A_196 : i32
    scf.if %cond3A_197 {
      "tpu.region"() ({
        %run_scoped3A_212 = tpu.sem_alloc : memref<!tpu.dma_semaphore, #tpu.memory_space<semaphore_mem>>
        %dma_start3A_213 = tpu.memref_slice %arg9[%mul3A_187] : memref<2048xi32, #tpu.memory_space<hbm>> -> memref<128xi32, #tpu.memory_space<hbm>>
        %dma_start3A_214 = tpu.memref_slice %arg9[%mul3A_187] : memref<2048xi32, #tpu.memory_space<hbm>> -> memref<128xi32, #tpu.memory_space<hbm>>
        tpu.enqueue_dma source(%dma_start3A_214 : memref<128xi32, #tpu.memory_space<hbm>>) target(%arg14 : memref<128xi32, #tpu.memory_space<vmem>>) target_semaphore(%run_scoped3A_212 : memref<!tpu.dma_semaphore, #tpu.memory_space<semaphore_mem>>)
        %dma_wait3A_215 = tpu.memref_slice %arg9[%mul3A_187] : memref<2048xi32, #tpu.memory_space<hbm>> -> memref<128xi32, #tpu.memory_space<hbm>>
        %dma_wait3A_216 = tpu.memref_slice %arg9[%mul3A_187] : memref<2048xi32, #tpu.memory_space<hbm>> -> memref<128xi32, #tpu.memory_space<hbm>>
        tpu.wait_dma2 semaphore(%run_scoped3A_212 : memref<!tpu.dma_semaphore, #tpu.memory_space<semaphore_mem>>) src(%dma_wait3A_216 : memref<128xi32, #tpu.memory_space<hbm>>) dst(%arg14 : memref<128xi32, #tpu.memory_space<vmem>>)
        tpu.yield
      }) : () -> ()
    } else {
    }
    "tpu.region"() ({
      %run_scoped3A_212 = tpu.sem_alloc : memref<!tpu.dma_semaphore, #tpu.memory_space<semaphore_mem>>
      %dma_start3A_213 = arith.constant 0 : i32
      %dma_start3A_214 = tpu.memref_slice %arg3[%mul3A_187, %dma_start3A_213] : memref<2048x128xf32, #tpu.memory_space<hbm>> -> memref<128x128xf32, #tpu.memory_space<hbm>>
      %dma_start3A_215 = arith.constant 0 : i32
      %dma_start3A_216 = tpu.memref_slice %arg3[%mul3A_187, %dma_start3A_215] : memref<2048x128xf32, #tpu.memory_space<hbm>> -> memref<128x128xf32, #tpu.memory_space<hbm>>
      tpu.enqueue_dma source(%dma_start3A_216 : memref<128x128xf32, #tpu.memory_space<hbm>>) target(%arg15 : memref<128x128xf32, #tpu.memory_space<vmem>>) target_semaphore(%run_scoped3A_212 : memref<!tpu.dma_semaphore, #tpu.memory_space<semaphore_mem>>)
      %dma_wait3A_217 = arith.constant 0 : i32
      %dma_wait3A_218 = tpu.memref_slice %arg3[%mul3A_187, %dma_wait3A_217] : memref<2048x128xf32, #tpu.memory_space<hbm>> -> memref<128x128xf32, #tpu.memory_space<hbm>>
      %dma_wait3A_219 = arith.constant 0 : i32
      %dma_wait3A_220 = tpu.memref_slice %arg3[%mul3A_187, %dma_wait3A_219] : memref<2048x128xf32, #tpu.memory_space<hbm>> -> memref<128x128xf32, #tpu.memory_space<hbm>>
      tpu.wait_dma2 semaphore(%run_scoped3A_212 : memref<!tpu.dma_semaphore, #tpu.memory_space<semaphore_mem>>) src(%dma_wait3A_220 : memref<128x128xf32, #tpu.memory_space<hbm>>) dst(%arg15 : memref<128x128xf32, #tpu.memory_space<vmem>>)
      tpu.yield
    }) : () -> ()
    %dma_start3A_198 = arith.constant 0 : i32
    %dma_start3A_199 = arith.constant 0 : i32
    %dma_start3A_200 = tpu.memref_slice %arg10[%dma_start3A_198, %dma_start3A_199] : memref<87808x128xf32, #tpu.memory_space<hbm>> -> memref<87808x128xf32, #tpu.memory_space<hbm>>
    tpu.enqueue_indirect_dma source(%arg15 : memref<128x128xf32, #tpu.memory_space<vmem>>) target(%dma_start3A_200 : memref<87808x128xf32, #tpu.memory_space<hbm>>) offsets(%arg14 : memref<128xi32, #tpu.memory_space<vmem>>) semaphore(%arg16 : memref<!tpu.dma_semaphore, #tpu.memory_space<semaphore_mem>>)
    %dma_wait3A_201 = arith.constant 0 : i32
    %dma_wait3A_202 = arith.constant 0 : i32
    %dma_wait3A_203 = tpu.memref_slice %arg10[%dma_wait3A_201, %dma_wait3A_202] : memref<87808x128xf32, #tpu.memory_space<hbm>> -> memref<87808x128xf32, #tpu.memory_space<hbm>>
    tpu.wait_indirect_dma semaphore(%arg16 : memref<!tpu.dma_semaphore, #tpu.memory_space<semaphore_mem>>) src(%arg15 : memref<128x128xf32, #tpu.memory_space<vmem>>) dst(%dma_wait3A_203 : memref<87808x128xf32, #tpu.memory_space<hbm>>)
    %barrier3A_204 = arith.constant 0 : index
    tpu.barrier barrier_id(%barrier3A_204)
    %eq3A_205 = arith.constant 0 : i32
    %eq3A_206 = arith.cmpi eq, %arg0, %eq3A_205 : i32
    %eq3A_207 = arith.constant 0 : i32
    %eq3A_208 = arith.cmpi eq, %arg1, %eq3A_207 : i32
    %and3A = arith.andi %eq3A_206, %eq3A_208 : i1
    %convert_element_type3A_209 = arith.extui %and3A : i1 to i32
    %cond3A_210 = arith.constant 0 : i32
    %cond3A_211 = arith.cmpi ne, %convert_element_type3A_209, %cond3A_210 : i32
    scf.if %cond3A_211 {
      "tpu.region"() ({
        %run_scoped3A_212 = tpu.sem_alloc : memref<!tpu.dma_semaphore, #tpu.memory_space<semaphore_mem>>
        %dma_start3A_213 = arith.constant 0 : i32
        %dma_start3A_214 = arith.constant 0 : i32
        %dma_start3A_215 = tpu.memref_slice %arg10[%dma_start3A_213, %dma_start3A_214] : memref<87808x128xf32, #tpu.memory_space<hbm>> -> memref<1x128xf32, #tpu.memory_space<hbm>>
        tpu.enqueue_dma source(%arg4 : memref<1x128xf32, #tpu.memory_space<hbm>>) target(%dma_start3A_215 : memref<1x128xf32, #tpu.memory_space<hbm>>) target_semaphore(%run_scoped3A_212 : memref<!tpu.dma_semaphore, #tpu.memory_space<semaphore_mem>>)
        %dma_wait3A_216 = arith.constant 0 : i32
        %dma_wait3A_217 = arith.constant 0 : i32
        %dma_wait3A_218 = tpu.memref_slice %arg10[%dma_wait3A_216, %dma_wait3A_217] : memref<87808x128xf32, #tpu.memory_space<hbm>> -> memref<1x128xf32, #tpu.memory_space<hbm>>
        tpu.wait_dma2 semaphore(%run_scoped3A_212 : memref<!tpu.dma_semaphore, #tpu.memory_space<semaphore_mem>>) src(%arg4 : memref<1x128xf32, #tpu.memory_space<hbm>>) dst(%dma_wait3A_218 : memref<1x128xf32, #tpu.memory_space<hbm>>)
        tpu.yield
      }) : () -> ()
    } else {
    }
    return
  }
}

module attributes {stable_mosaic.version = 14 : i64} {
  func.func @_geom_body(%arg0: memref<2048x128xf32, #tpu.memory_space<vmem>>, %arg1: memref<4x4xf32, #tpu.memory_space<vmem>>, %arg2: memref<2048x128xf32, #tpu.memory_space<vmem>>, %arg3: memref<128xf32, #tpu.memory_space<vmem>>, %arg4: memref<4096x2xi32, #tpu.memory_space<vmem>>, %arg5: memref<2048x128xf32, #tpu.memory_space<vmem>>, %arg6: memref<8x2048xf32, #tpu.memory_space<vmem>>, %arg7: memref<2048xi32, #tpu.memory_space<vmem>>, %arg8: memref<2048xi32, #tpu.memory_space<vmem>>, %arg9: memref<4096xi32, #tpu.memory_space<vmem>>, %arg10: memref<4096xi32, #tpu.memory_space<vmem>>) attributes {dimension_semantics = [], scalar_prefetch = 0 : i64, scratch_operands = 0 : i64, tpu.core_type = #tpu.core_type<tc>} {
    %get3A = arith.constant 0 : index
    %get3A_0 = arith.constant 0 : index
    %get3A_1 = vector.load %arg0[%get3A, %get3A_0] : memref<2048x128xf32, #tpu.memory_space<vmem>>, vector<2048x4xf32>
    %get3A_2 = arith.constant 0 : index
    %get3A_3 = arith.constant 0 : index
    %get3A_4 = vector.load %arg1[%get3A_2, %get3A_3] : memref<4x4xf32, #tpu.memory_space<vmem>>, vector<4x4xf32>
    %dot_general3A = arith.constant dense<0.000000e+00> : vector<2048x4xf32>
    %dot_general3A_5 = tpu.matmul %get3A_1, %get3A_4, %dot_general3A {dimension_numbers = #tpu.dot_dimension_numbers<[1], [1], [0], [0], [0, 0, 1, 0], [], []>, transpose_lhs_hint = false} : vector<2048x4xf32>, vector<4x4xf32>, vector<2048x4xf32> -> vector<2048x4xf32>
    %slice3A = vector.extract_strided_slice %dot_general3A_5 {offsets = [0, 0], sizes = [2048, 1], strides = [1, 1]} : vector<2048x4xf32> to vector<2048x1xf32>
    %squeeze3A = vector.shape_cast %slice3A : vector<2048x1xf32> to vector<2048xf32>
    %slice3A_6 = vector.extract_strided_slice %dot_general3A_5 {offsets = [0, 1], sizes = [2048, 1], strides = [1, 1]} : vector<2048x4xf32> to vector<2048x1xf32>
    %squeeze3A_7 = vector.shape_cast %slice3A_6 : vector<2048x1xf32> to vector<2048xf32>
    %slice3A_8 = vector.extract_strided_slice %dot_general3A_5 {offsets = [0, 2], sizes = [2048, 1], strides = [1, 1]} : vector<2048x4xf32> to vector<2048x1xf32>
    %squeeze3A_9 = vector.shape_cast %slice3A_8 : vector<2048x1xf32> to vector<2048xf32>
    %abs3A = math.absf %squeeze3A_9 : vector<2048xf32>
    %lt3A = arith.constant 9.99999997E-7 : f32
    %lt3A_10 = vector.broadcast %lt3A : f32 to vector<2048xf32>
    %lt3A_11 = arith.cmpf olt, %abs3A, %lt3A_10 : vector<2048xf32>
    %jit3A = arith.constant 9.99999997E-7 : f32
    %broadcast_in_dim3A = vector.broadcast %jit3A : f32 to vector<2048xf32>
    %select_n3A = arith.select %lt3A_11, %broadcast_in_dim3A, %squeeze3A_9 : vector<2048xi1>, vector<2048xf32>
    %mul3A = arith.constant 1.200000e+01 : f32
    %mul3A_12 = vector.broadcast %mul3A : f32 to vector<2048xf32>
    %mul3A_13 = arith.mulf %mul3A_12, %squeeze3A : vector<2048xf32>
    %div3A = arith.divf %mul3A_13, %select_n3A : vector<2048xf32>
    %add3A = arith.constant 1.480000e+02 : f32
    %add3A_14 = vector.broadcast %add3A : f32 to vector<2048xf32>
    %add3A_15 = arith.addf %div3A, %add3A_14 : vector<2048xf32>
    %mul3A_16 = arith.constant 1.200000e+01 : f32
    %mul3A_17 = vector.broadcast %mul3A_16 : f32 to vector<2048xf32>
    %mul3A_18 = arith.mulf %mul3A_17, %squeeze3A_7 : vector<2048xf32>
    %div3A_19 = arith.divf %mul3A_18, %select_n3A : vector<2048xf32>
    %add3A_20 = arith.constant 1.480000e+02 : f32
    %add3A_21 = vector.broadcast %add3A_20 : f32 to vector<2048xf32>
    %add3A_22 = arith.addf %div3A_19, %add3A_21 : vector<2048xf32>
    %round3A = math.roundeven %add3A_15 : vector<2048xf32>
    %round3A_23 = math.roundeven %add3A_22 : vector<2048xf32>
    %lt3A_24 = arith.constant 0.000000e+00 : f32
    %lt3A_25 = vector.broadcast %lt3A_24 : f32 to vector<2048xf32>
    %lt3A_26 = arith.cmpf olt, %round3A, %lt3A_25 : vector<2048xf32>
    %gt3A = arith.constant 2.950000e+02 : f32
    %gt3A_27 = vector.broadcast %gt3A : f32 to vector<2048xf32>
    %gt3A_28 = arith.cmpf ogt, %round3A, %gt3A_27 : vector<2048xf32>
    %or3A = arith.ori %lt3A_26, %gt3A_28 : vector<2048xi1>
    %lt3A_29 = arith.constant 0.000000e+00 : f32
    %lt3A_30 = vector.broadcast %lt3A_29 : f32 to vector<2048xf32>
    %lt3A_31 = arith.cmpf olt, %round3A_23, %lt3A_30 : vector<2048xf32>
    %or3A_32 = arith.ori %or3A, %lt3A_31 : vector<2048xi1>
    %gt3A_33 = arith.constant 2.950000e+02 : f32
    %gt3A_34 = vector.broadcast %gt3A_33 : f32 to vector<2048xf32>
    %gt3A_35 = arith.cmpf ogt, %round3A_23, %gt3A_34 : vector<2048xf32>
    %or3A_36 = arith.ori %or3A_32, %gt3A_35 : vector<2048xi1>
    %jit3A_37 = arith.constant 0.000000e+00 : f32
    %broadcast_in_dim3A_38 = vector.broadcast %jit3A_37 : f32 to vector<2048xf32>
    %select_n3A_39 = arith.select %or3A_36, %broadcast_in_dim3A_38, %round3A : vector<2048xi1>, vector<2048xf32>
    %jit3A_40 = arith.constant 0.000000e+00 : f32
    %broadcast_in_dim3A_41 = vector.broadcast %jit3A_40 : f32 to vector<2048xf32>
    %select_n3A_42 = arith.select %or3A_36, %broadcast_in_dim3A_41, %round3A_23 : vector<2048xi1>, vector<2048xf32>
    %broadcast_in_dim3A_43 = vector.shape_cast %or3A_36 : vector<2048xi1> to vector<2048x1xi1>
    %get3A_44 = arith.constant 0 : index
    %get3A_45 = vector.load %arg3[%get3A_44] : memref<128xf32, #tpu.memory_space<vmem>>, vector<128xf32>
    %broadcast_in_dim3A_46 = vector.shape_cast %get3A_45 : vector<128xf32> to vector<1x128xf32>
    %get3A_47 = arith.constant 0 : index
    %get3A_48 = arith.constant 0 : index
    %get3A_49 = vector.load %arg2[%get3A_47, %get3A_48] : memref<2048x128xf32, #tpu.memory_space<vmem>>, vector<2048x128xf32>
    %broadcast_in_dim3A_50 = vector.shape_cast %broadcast_in_dim3A_43 : vector<2048x1xi1> to vector<2048x1xi1>
    %broadcast_in_dim3A_51 = vector.broadcast %broadcast_in_dim3A_50 : vector<2048x1xi1> to vector<2048x128xi1>
    %broadcast_in_dim3A_52 = vector.shape_cast %broadcast_in_dim3A_46 : vector<1x128xf32> to vector<1x128xf32>
    %broadcast_in_dim3A_53 = vector.broadcast %broadcast_in_dim3A_52 : vector<1x128xf32> to vector<2048x128xf32>
    %select_n3A_54 = arith.select %broadcast_in_dim3A_51, %broadcast_in_dim3A_53, %get3A_49 : vector<2048x128xi1>, vector<2048x128xf32>
    %swap3A = arith.constant 0 : index
    %swap3A_55 = arith.constant 0 : index
    %swap3A_56 = vector.load %arg5[%swap3A, %swap3A_55] : memref<2048x128xf32, #tpu.memory_space<vmem>>, vector<2048x128xf32>
    tpu.vector_store %arg5[%swap3A, %swap3A_55], %select_n3A_54 {strides = array<i32>} : memref<2048x128xf32, #tpu.memory_space<vmem>>, vector<2048x128xf32>,
    %reshape3A = vector.shape_cast %select_n3A_39 : vector<2048xf32> to vector<1x2048xf32>
    %swap3A_57 = arith.constant 0 : index
    %swap3A_58 = arith.constant 0 : index
    %swap3A_59 = vector.load %arg6[%swap3A_57, %swap3A_58] : memref<8x2048xf32, #tpu.memory_space<vmem>>, vector<1x2048xf32>
    tpu.vector_store %arg6[%swap3A_57, %swap3A_58], %reshape3A {strides = array<i32>} : memref<8x2048xf32, #tpu.memory_space<vmem>>, vector<1x2048xf32>,
    %reshape3A_60 = vector.shape_cast %select_n3A_42 : vector<2048xf32> to vector<1x2048xf32>
    %swap3A_61 = arith.constant 1 : index
    %swap3A_62 = arith.constant 0 : index
    %swap3A_63 = vector.load %arg6[%swap3A_61, %swap3A_62] : memref<8x2048xf32, #tpu.memory_space<vmem>>, vector<1x2048xf32>
    tpu.vector_store %arg6[%swap3A_61, %swap3A_62], %reshape3A_60 {strides = array<i32>} : memref<8x2048xf32, #tpu.memory_space<vmem>>, vector<1x2048xf32>,
    %broadcast_in_dim3A_64 = arith.constant 0.000000e+00 : f32
    %broadcast_in_dim3A_65 = vector.broadcast %broadcast_in_dim3A_64 : f32 to vector<6x2048xf32>
    %swap3A_66 = arith.constant 2 : index
    %swap3A_67 = arith.constant 0 : index
    %swap3A_68 = vector.load %arg6[%swap3A_66, %swap3A_67] : memref<8x2048xf32, #tpu.memory_space<vmem>>, vector<6x2048xf32>
    tpu.vector_store %arg6[%swap3A_66, %swap3A_67], %broadcast_in_dim3A_65 {strides = array<i32>} : memref<8x2048xf32, #tpu.memory_space<vmem>>, vector<6x2048xf32>,
    %convert_element_type3A = arith.fptosi %select_n3A_42 : vector<2048xf32> to vector<2048xi32>
    %mul3A_69 = arith.constant 296 : i32
    %mul3A_70 = vector.broadcast %mul3A_69 : i32 to vector<2048xi32>
    %mul3A_71 = arith.muli %convert_element_type3A, %mul3A_70 : vector<2048xi32>
    %convert_element_type3A_72 = arith.fptosi %select_n3A_39 : vector<2048xf32> to vector<2048xi32>
    %add3A_73 = arith.addi %mul3A_71, %convert_element_type3A_72 : vector<2048xi32>
    %reshape3A_74 = vector.shape_cast %add3A_73 : vector<2048xi32> to vector<1x2048xi32>
    %iota3A = tpu.iota {dimensions = array<i32: 1>} : vector<1x2048xi32>
    %slice3A_75 = vector.extract_strided_slice %add3A_73 {offsets = [0], sizes = [512], strides = [1]} : vector<2048xi32> to vector<512xi32>
    %iota3A_76 = tpu.iota {dimensions = array<i32: 0>} : vector<512x1xi32>
    %add3A_77 = arith.constant 0 : i32
    %add3A_78 = vector.broadcast %add3A_77 : i32 to vector<512x1xi32>
    %add3A_79 = arith.addi %iota3A_76, %add3A_78 : vector<512x1xi32>
    %broadcast_in_dim3A_80 = vector.shape_cast %slice3A_75 : vector<512xi32> to vector<512x1xi32>
    %eq3A = vector.broadcast %broadcast_in_dim3A_80 : vector<512x1xi32> to vector<512x2048xi32>
    %eq3A_81 = vector.broadcast %reshape3A_74 : vector<1x2048xi32> to vector<512x2048xi32>
    %eq3A_82 = arith.cmpi eq, %eq3A, %eq3A_81 : vector<512x2048xi32>
    %gt3A_83 = vector.broadcast %iota3A : vector<1x2048xi32> to vector<512x2048xi32>
    %gt3A_84 = vector.broadcast %add3A_79 : vector<512x1xi32> to vector<512x2048xi32>
    %gt3A_85 = arith.cmpi sgt, %gt3A_83, %gt3A_84 : vector<512x2048xi32>
    %and3A = arith.andi %eq3A_82, %gt3A_85 : vector<512x2048xi1>
    %reduce_or3A = arith.constant 1.000000e+00 : f32
    %reduce_or3A_86 = arith.constant 0.000000e+00 : f32
    %reduce_or3A_87 = vector.broadcast %reduce_or3A : f32 to vector<512x2048xf32>
    %reduce_or3A_88 = vector.broadcast %reduce_or3A_86 : f32 to vector<512x2048xf32>
    %reduce_or3A_89 = arith.select %and3A, %reduce_or3A_87, %reduce_or3A_88 : vector<512x2048xi1>, vector<512x2048xf32>
    %reduce_or3A_90 = arith.constant dense<0xFF800000> : vector<512xf32>
    %reduce_or3A_91 = vector.multi_reduction <maximumf>, %reduce_or3A_89, %reduce_or3A_90 [1] : vector<512x2048xf32> to vector<512xf32>
    %reduce_or3A_92 = arith.constant 0.000000e+00 : f32
    %reduce_or3A_93 = vector.broadcast %reduce_or3A_92 : f32 to vector<512xf32>
    %reduce_or3A_94 = arith.cmpf ogt, %reduce_or3A_91, %reduce_or3A_93 : vector<512xf32>
    %convert_element_type3A_95 = arith.extui %reduce_or3A_94 : vector<512xi1> to vector<512xi32>
    %slice3A_96 = vector.extract_strided_slice %add3A_73 {offsets = [512], sizes = [512], strides = [1]} : vector<2048xi32> to vector<512xi32>
    %iota3A_97 = tpu.iota {dimensions = array<i32: 0>} : vector<512x1xi32>
    %add3A_98 = arith.constant 512 : i32
    %add3A_99 = vector.broadcast %add3A_98 : i32 to vector<512x1xi32>
    %add3A_100 = arith.addi %iota3A_97, %add3A_99 : vector<512x1xi32>
    %broadcast_in_dim3A_101 = vector.shape_cast %slice3A_96 : vector<512xi32> to vector<512x1xi32>
    %eq3A_102 = vector.broadcast %broadcast_in_dim3A_101 : vector<512x1xi32> to vector<512x2048xi32>
    %eq3A_103 = vector.broadcast %reshape3A_74 : vector<1x2048xi32> to vector<512x2048xi32>
    %eq3A_104 = arith.cmpi eq, %eq3A_102, %eq3A_103 : vector<512x2048xi32>
    %gt3A_105 = vector.broadcast %iota3A : vector<1x2048xi32> to vector<512x2048xi32>
    %gt3A_106 = vector.broadcast %add3A_100 : vector<512x1xi32> to vector<512x2048xi32>
    %gt3A_107 = arith.cmpi sgt, %gt3A_105, %gt3A_106 : vector<512x2048xi32>
    %and3A_108 = arith.andi %eq3A_104, %gt3A_107 : vector<512x2048xi1>
    %reduce_or3A_109 = arith.constant 1.000000e+00 : f32
    %reduce_or3A_110 = arith.constant 0.000000e+00 : f32
    %reduce_or3A_111 = vector.broadcast %reduce_or3A_109 : f32 to vector<512x2048xf32>
    %reduce_or3A_112 = vector.broadcast %reduce_or3A_110 : f32 to vector<512x2048xf32>
    %reduce_or3A_113 = arith.select %and3A_108, %reduce_or3A_111, %reduce_or3A_112 : vector<512x2048xi1>, vector<512x2048xf32>
    %reduce_or3A_114 = arith.constant dense<0xFF800000> : vector<512xf32>
    %reduce_or3A_115 = vector.multi_reduction <maximumf>, %reduce_or3A_113, %reduce_or3A_114 [1] : vector<512x2048xf32> to vector<512xf32>
    %reduce_or3A_116 = arith.constant 0.000000e+00 : f32
    %reduce_or3A_117 = vector.broadcast %reduce_or3A_116 : f32 to vector<512xf32>
    %reduce_or3A_118 = arith.cmpf ogt, %reduce_or3A_115, %reduce_or3A_117 : vector<512xf32>
    %convert_element_type3A_119 = arith.extui %reduce_or3A_118 : vector<512xi1> to vector<512xi32>
    %slice3A_120 = vector.extract_strided_slice %add3A_73 {offsets = [1024], sizes = [512], strides = [1]} : vector<2048xi32> to vector<512xi32>
    %iota3A_121 = tpu.iota {dimensions = array<i32: 0>} : vector<512x1xi32>
    %add3A_122 = arith.constant 1024 : i32
    %add3A_123 = vector.broadcast %add3A_122 : i32 to vector<512x1xi32>
    %add3A_124 = arith.addi %iota3A_121, %add3A_123 : vector<512x1xi32>
    %broadcast_in_dim3A_125 = vector.shape_cast %slice3A_120 : vector<512xi32> to vector<512x1xi32>
    %eq3A_126 = vector.broadcast %broadcast_in_dim3A_125 : vector<512x1xi32> to vector<512x2048xi32>
    %eq3A_127 = vector.broadcast %reshape3A_74 : vector<1x2048xi32> to vector<512x2048xi32>
    %eq3A_128 = arith.cmpi eq, %eq3A_126, %eq3A_127 : vector<512x2048xi32>
    %gt3A_129 = vector.broadcast %iota3A : vector<1x2048xi32> to vector<512x2048xi32>
    %gt3A_130 = vector.broadcast %add3A_124 : vector<512x1xi32> to vector<512x2048xi32>
    %gt3A_131 = arith.cmpi sgt, %gt3A_129, %gt3A_130 : vector<512x2048xi32>
    %and3A_132 = arith.andi %eq3A_128, %gt3A_131 : vector<512x2048xi1>
    %reduce_or3A_133 = arith.constant 1.000000e+00 : f32
    %reduce_or3A_134 = arith.constant 0.000000e+00 : f32
    %reduce_or3A_135 = vector.broadcast %reduce_or3A_133 : f32 to vector<512x2048xf32>
    %reduce_or3A_136 = vector.broadcast %reduce_or3A_134 : f32 to vector<512x2048xf32>
    %reduce_or3A_137 = arith.select %and3A_132, %reduce_or3A_135, %reduce_or3A_136 : vector<512x2048xi1>, vector<512x2048xf32>
    %reduce_or3A_138 = arith.constant dense<0xFF800000> : vector<512xf32>
    %reduce_or3A_139 = vector.multi_reduction <maximumf>, %reduce_or3A_137, %reduce_or3A_138 [1] : vector<512x2048xf32> to vector<512xf32>
    %reduce_or3A_140 = arith.constant 0.000000e+00 : f32
    %reduce_or3A_141 = vector.broadcast %reduce_or3A_140 : f32 to vector<512xf32>
    %reduce_or3A_142 = arith.cmpf ogt, %reduce_or3A_139, %reduce_or3A_141 : vector<512xf32>
    %convert_element_type3A_143 = arith.extui %reduce_or3A_142 : vector<512xi1> to vector<512xi32>
    %slice3A_144 = vector.extract_strided_slice %add3A_73 {offsets = [1536], sizes = [512], strides = [1]} : vector<2048xi32> to vector<512xi32>
    %iota3A_145 = tpu.iota {dimensions = array<i32: 0>} : vector<512x1xi32>
    %add3A_146 = arith.constant 1536 : i32
    %add3A_147 = vector.broadcast %add3A_146 : i32 to vector<512x1xi32>
    %add3A_148 = arith.addi %iota3A_145, %add3A_147 : vector<512x1xi32>
    %broadcast_in_dim3A_149 = vector.shape_cast %slice3A_144 : vector<512xi32> to vector<512x1xi32>
    %eq3A_150 = vector.broadcast %broadcast_in_dim3A_149 : vector<512x1xi32> to vector<512x2048xi32>
    %eq3A_151 = vector.broadcast %reshape3A_74 : vector<1x2048xi32> to vector<512x2048xi32>
    %eq3A_152 = arith.cmpi eq, %eq3A_150, %eq3A_151 : vector<512x2048xi32>
    %gt3A_153 = vector.broadcast %iota3A : vector<1x2048xi32> to vector<512x2048xi32>
    %gt3A_154 = vector.broadcast %add3A_148 : vector<512x1xi32> to vector<512x2048xi32>
    %gt3A_155 = arith.cmpi sgt, %gt3A_153, %gt3A_154 : vector<512x2048xi32>
    %and3A_156 = arith.andi %eq3A_152, %gt3A_155 : vector<512x2048xi1>
    %reduce_or3A_157 = arith.constant 1.000000e+00 : f32
    %reduce_or3A_158 = arith.constant 0.000000e+00 : f32
    %reduce_or3A_159 = vector.broadcast %reduce_or3A_157 : f32 to vector<512x2048xf32>
    %reduce_or3A_160 = vector.broadcast %reduce_or3A_158 : f32 to vector<512x2048xf32>
    %reduce_or3A_161 = arith.select %and3A_156, %reduce_or3A_159, %reduce_or3A_160 : vector<512x2048xi1>, vector<512x2048xf32>
    %reduce_or3A_162 = arith.constant dense<0xFF800000> : vector<512xf32>
    %reduce_or3A_163 = vector.multi_reduction <maximumf>, %reduce_or3A_161, %reduce_or3A_162 [1] : vector<512x2048xf32> to vector<512xf32>
    %reduce_or3A_164 = arith.constant 0.000000e+00 : f32
    %reduce_or3A_165 = vector.broadcast %reduce_or3A_164 : f32 to vector<512xf32>
    %reduce_or3A_166 = arith.cmpf ogt, %reduce_or3A_163, %reduce_or3A_165 : vector<512xf32>
    %convert_element_type3A_167 = arith.extui %reduce_or3A_166 : vector<512xi1> to vector<512xi32>
    %concatenate3A = tpu.concatenate %convert_element_type3A_95, %convert_element_type3A_119, %convert_element_type3A_143, %convert_element_type3A_167 in 0 : vector<512xi32>, vector<512xi32>, vector<512xi32>, vector<512xi32> -> vector<2048xi32>
    %lt3A_168 = arith.constant 43904 : i32
    %lt3A_169 = vector.broadcast %lt3A_168 : i32 to vector<2048xi32>
    %lt3A_170 = arith.cmpi slt, %add3A_73, %lt3A_169 : vector<2048xi32>
    %eq3A_171 = arith.constant 0 : i32
    %eq3A_172 = vector.broadcast %eq3A_171 : i32 to vector<2048xi32>
    %eq3A_173 = arith.cmpi eq, %concatenate3A, %eq3A_172 : vector<2048xi32>
    %and3A_174 = arith.andi %lt3A_170, %eq3A_173 : vector<2048xi1>
    %jit3A_175 = arith.constant 87616 : i32
    %broadcast_in_dim3A_176 = vector.broadcast %jit3A_175 : i32 to vector<2048xi32>
    %select_n3A_177 = arith.select %and3A_174, %add3A_73, %broadcast_in_dim3A_176 : vector<2048xi1>, vector<2048xi32>
    %swap3A_178 = arith.constant 0 : index
    %swap3A_179 = vector.load %arg7[%swap3A_178] : memref<2048xi32, #tpu.memory_space<vmem>>, vector<2048xi32>
    tpu.vector_store %arg7[%swap3A_178], %select_n3A_177 {strides = array<i32>} : memref<2048xi32, #tpu.memory_space<vmem>>, vector<2048xi32>,
    %not3A = arith.constant dense<true> : vector<2048xi1>
    %not3A_180 = arith.xori %lt3A_170, %not3A : vector<2048xi1>
    %and3A_181 = arith.andi %not3A_180, %eq3A_173 : vector<2048xi1>
    %jit3A_182 = arith.constant 87624 : i32
    %broadcast_in_dim3A_183 = vector.broadcast %jit3A_182 : i32 to vector<2048xi32>
    %select_n3A_184 = arith.select %and3A_181, %add3A_73, %broadcast_in_dim3A_183 : vector<2048xi1>, vector<2048xi32>
    %swap3A_185 = arith.constant 0 : index
    %swap3A_186 = vector.load %arg8[%swap3A_185] : memref<2048xi32, #tpu.memory_space<vmem>>, vector<2048xi32>
    tpu.vector_store %arg8[%swap3A_185], %select_n3A_184 {strides = array<i32>} : memref<2048xi32, #tpu.memory_space<vmem>>, vector<2048xi32>,
    %get3A_187 = arith.constant 0 : index
    %get3A_188 = arith.constant 0 : index
    %get3A_189 = vector.load %arg4[%get3A_187, %get3A_188] : memref<4096x2xi32, #tpu.memory_space<vmem>>, vector<4096x2xi32>
    %slice3A_190 = vector.extract_strided_slice %get3A_189 {offsets = [0, 1], sizes = [4096, 1], strides = [1, 1]} : vector<4096x2xi32> to vector<4096x1xi32>
    %squeeze3A_191 = vector.shape_cast %slice3A_190 : vector<4096x1xi32> to vector<4096xi32>
    %mul3A_192 = arith.constant 296 : i32
    %mul3A_193 = vector.broadcast %mul3A_192 : i32 to vector<4096xi32>
    %mul3A_194 = arith.muli %squeeze3A_191, %mul3A_193 : vector<4096xi32>
    %slice3A_195 = vector.extract_strided_slice %get3A_189 {offsets = [0, 0], sizes = [4096, 1], strides = [1, 1]} : vector<4096x2xi32> to vector<4096x1xi32>
    %squeeze3A_196 = vector.shape_cast %slice3A_195 : vector<4096x1xi32> to vector<4096xi32>
    %add3A_197 = arith.addi %mul3A_194, %squeeze3A_196 : vector<4096xi32>
    %lt3A_198 = arith.constant 43904 : i32
    %lt3A_199 = vector.broadcast %lt3A_198 : i32 to vector<4096xi32>
    %lt3A_200 = arith.cmpi slt, %add3A_197, %lt3A_199 : vector<4096xi32>
    %jit3A_201 = arith.constant 87616 : i32
    %broadcast_in_dim3A_202 = vector.broadcast %jit3A_201 : i32 to vector<4096xi32>
    %select_n3A_203 = arith.select %lt3A_200, %add3A_197, %broadcast_in_dim3A_202 : vector<4096xi1>, vector<4096xi32>
    %swap3A_204 = arith.constant 0 : index
    %swap3A_205 = vector.load %arg9[%swap3A_204] : memref<4096xi32, #tpu.memory_space<vmem>>, vector<4096xi32>
    tpu.vector_store %arg9[%swap3A_204], %select_n3A_203 {strides = array<i32>} : memref<4096xi32, #tpu.memory_space<vmem>>, vector<4096xi32>,
    %not3A_206 = arith.constant dense<true> : vector<4096xi1>
    %not3A_207 = arith.xori %lt3A_200, %not3A_206 : vector<4096xi1>
    %jit3A_208 = arith.constant 87624 : i32
    %broadcast_in_dim3A_209 = vector.broadcast %jit3A_208 : i32 to vector<4096xi32>
    %select_n3A_210 = arith.select %not3A_207, %add3A_197, %broadcast_in_dim3A_209 : vector<4096xi1>, vector<4096xi32>
    %swap3A_211 = arith.constant 0 : index
    %swap3A_212 = vector.load %arg10[%swap3A_211] : memref<4096xi32, #tpu.memory_space<vmem>>, vector<4096xi32>
    tpu.vector_store %arg10[%swap3A_211], %select_n3A_210 {strides = array<i32>} : memref<4096xi32, #tpu.memory_space<vmem>>, vector<4096xi32>,
    return
  }
}

module attributes {stable_mosaic.version = 14 : i64} {
  func.func @_knn_body(%arg0: i32, %arg1: memref<512x2xf32, #tpu.memory_space<vmem>>, %arg2: memref<8x2048xf32, #tpu.memory_space<vmem>>, %arg3: memref<2048x128xf32, #tpu.memory_space<vmem>>, %arg4: memref<512x128xf32, #tpu.memory_space<vmem>>) attributes {dimension_semantics = [#tpu.dimension_semantics<arbitrary>], iteration_bounds = array<i64: 8>, scalar_prefetch = 0 : i64, scratch_operands = 0 : i64, tpu.core_type = #tpu.core_type<tc>, window_params = [{transform_indices = @transform_0, window_bounds = array<i64: 512, 2>}, {pipeline_mode = #tpu.pipeline_mode<synchronous>, transform_indices = @transform_1, window_bounds = array<i64: 8, 2048>}, {pipeline_mode = #tpu.pipeline_mode<synchronous>, transform_indices = @transform_2, window_bounds = array<i64: 2048, 128>}, {transform_indices = @transform_3, window_bounds = array<i64: 512, 128>}]} {
    %get3A = arith.constant 0 : index
    %get3A_0 = arith.constant 0 : index
    %get3A_1 = vector.load %arg1[%get3A, %get3A_0] : memref<512x2xf32, #tpu.memory_space<vmem>>, vector<512x1xf32>
    %get3A_2 = arith.constant 0 : index
    %get3A_3 = arith.constant 1 : index
    %get3A_4 = vector.load %arg1[%get3A_2, %get3A_3] : memref<512x2xf32, #tpu.memory_space<vmem>>, vector<512x1xf32>
    %get3A_5 = arith.constant 0 : index
    %get3A_6 = arith.constant 0 : index
    %get3A_7 = vector.load %arg2[%get3A_5, %get3A_6] : memref<8x2048xf32, #tpu.memory_space<vmem>>, vector<1x2048xf32>
    %get3A_8 = arith.constant 1 : index
    %get3A_9 = arith.constant 0 : index
    %get3A_10 = vector.load %arg2[%get3A_8, %get3A_9] : memref<8x2048xf32, #tpu.memory_space<vmem>>, vector<1x2048xf32>
    %sub3A = vector.broadcast %get3A_1 : vector<512x1xf32> to vector<512x2048xf32>
    %sub3A_11 = vector.broadcast %get3A_7 : vector<1x2048xf32> to vector<512x2048xf32>
    %sub3A_12 = arith.subf %sub3A, %sub3A_11 : vector<512x2048xf32>
    %sub3A_13 = vector.broadcast %get3A_4 : vector<512x1xf32> to vector<512x2048xf32>
    %sub3A_14 = vector.broadcast %get3A_10 : vector<1x2048xf32> to vector<512x2048xf32>
    %sub3A_15 = arith.subf %sub3A_13, %sub3A_14 : vector<512x2048xf32>
    %mul3A = arith.mulf %sub3A_12, %sub3A_12 : vector<512x2048xf32>
    %mul3A_16 = arith.mulf %sub3A_15, %sub3A_15 : vector<512x2048xf32>
    %add3A = arith.addf %mul3A, %mul3A_16 : vector<512x2048xf32>
    %iota3A = tpu.iota {dimensions = array<i32: 1>} : vector<512x2048xi32>
    %convert_element_type3A = arith.fptosi %add3A : vector<512x2048xf32> to vector<512x2048xi32>
    %mul3A_17 = arith.constant 2048 : i32
    %mul3A_18 = vector.broadcast %mul3A_17 : i32 to vector<512x2048xi32>
    %mul3A_19 = arith.muli %convert_element_type3A, %mul3A_18 : vector<512x2048xi32>
    %add3A_20 = arith.addi %mul3A_19, %iota3A : vector<512x2048xi32>
    %reduce_min3A = arith.constant dense<2147483647> : vector<512xi32>
    %reduce_min3A_21 = vector.multi_reduction <minsi>, %add3A_20, %reduce_min3A [1] : vector<512x2048xi32> to vector<512xi32>
    %broadcast_in_dim3A = vector.shape_cast %reduce_min3A_21 : vector<512xi32> to vector<512x1xi32>
    %eq3A = vector.broadcast %broadcast_in_dim3A : vector<512x1xi32> to vector<512x2048xi32>
    %eq3A_22 = arith.cmpi eq, %add3A_20, %eq3A : vector<512x2048xi32>
    %jit3A = arith.constant 2147483647 : i32
    %broadcast_in_dim3A_23 = vector.broadcast %jit3A : i32 to vector<512x2048xi32>
    %select_n3A = arith.select %eq3A_22, %broadcast_in_dim3A_23, %add3A_20 : vector<512x2048xi1>, vector<512x2048xi32>
    %reduce_min3A_24 = arith.constant dense<2147483647> : vector<512xi32>
    %reduce_min3A_25 = vector.multi_reduction <minsi>, %select_n3A, %reduce_min3A_24 [1] : vector<512x2048xi32> to vector<512xi32>
    %broadcast_in_dim3A_26 = vector.shape_cast %reduce_min3A_25 : vector<512xi32> to vector<512x1xi32>
    %eq3A_27 = vector.broadcast %broadcast_in_dim3A_26 : vector<512x1xi32> to vector<512x2048xi32>
    %eq3A_28 = arith.cmpi eq, %select_n3A, %eq3A_27 : vector<512x2048xi32>
    %jit3A_29 = arith.constant 2147483647 : i32
    %broadcast_in_dim3A_30 = vector.broadcast %jit3A_29 : i32 to vector<512x2048xi32>
    %select_n3A_31 = arith.select %eq3A_28, %broadcast_in_dim3A_30, %select_n3A : vector<512x2048xi1>, vector<512x2048xi32>
    %reduce_min3A_32 = arith.constant dense<2147483647> : vector<512xi32>
    %reduce_min3A_33 = vector.multi_reduction <minsi>, %select_n3A_31, %reduce_min3A_32 [1] : vector<512x2048xi32> to vector<512xi32>
    %broadcast_in_dim3A_34 = vector.shape_cast %reduce_min3A_33 : vector<512xi32> to vector<512x1xi32>
    %eq3A_35 = vector.broadcast %broadcast_in_dim3A_34 : vector<512x1xi32> to vector<512x2048xi32>
    %eq3A_36 = arith.cmpi eq, %select_n3A_31, %eq3A_35 : vector<512x2048xi32>
    %jit3A_37 = arith.constant 2147483647 : i32
    %broadcast_in_dim3A_38 = vector.broadcast %jit3A_37 : i32 to vector<512x2048xi32>
    %select_n3A_39 = arith.select %eq3A_36, %broadcast_in_dim3A_38, %select_n3A_31 : vector<512x2048xi1>, vector<512x2048xi32>
    %reduce_min3A_40 = arith.constant dense<2147483647> : vector<512xi32>
    %reduce_min3A_41 = vector.multi_reduction <minsi>, %select_n3A_39, %reduce_min3A_40 [1] : vector<512x2048xi32> to vector<512xi32>
    %broadcast_in_dim3A_42 = vector.shape_cast %reduce_min3A_41 : vector<512xi32> to vector<512x1xi32>
    %eq3A_43 = vector.broadcast %broadcast_in_dim3A_42 : vector<512x1xi32> to vector<512x2048xi32>
    %eq3A_44 = arith.cmpi eq, %select_n3A_39, %eq3A_43 : vector<512x2048xi32>
    %jit3A_45 = arith.constant 2147483647 : i32
    %broadcast_in_dim3A_46 = vector.broadcast %jit3A_45 : i32 to vector<512x2048xi32>
    %select_n3A_47 = arith.select %eq3A_44, %broadcast_in_dim3A_46, %select_n3A_39 : vector<512x2048xi1>, vector<512x2048xi32>
    %reduce_min3A_48 = arith.constant dense<2147483647> : vector<512xi32>
    %reduce_min3A_49 = vector.multi_reduction <minsi>, %select_n3A_47, %reduce_min3A_48 [1] : vector<512x2048xi32> to vector<512xi32>
    %broadcast_in_dim3A_50 = vector.shape_cast %reduce_min3A_49 : vector<512xi32> to vector<512x1xi32>
    %eq3A_51 = vector.broadcast %broadcast_in_dim3A_50 : vector<512x1xi32> to vector<512x2048xi32>
    %eq3A_52 = arith.cmpi eq, %select_n3A_47, %eq3A_51 : vector<512x2048xi32>
    %jit3A_53 = arith.constant 2147483647 : i32
    %broadcast_in_dim3A_54 = vector.broadcast %jit3A_53 : i32 to vector<512x2048xi32>
    %select_n3A_55 = arith.select %eq3A_52, %broadcast_in_dim3A_54, %select_n3A_47 : vector<512x2048xi1>, vector<512x2048xi32>
    %reduce_min3A_56 = arith.constant dense<2147483647> : vector<512xi32>
    %reduce_min3A_57 = vector.multi_reduction <minsi>, %select_n3A_55, %reduce_min3A_56 [1] : vector<512x2048xi32> to vector<512xi32>
    %broadcast_in_dim3A_58 = vector.shape_cast %reduce_min3A_57 : vector<512xi32> to vector<512x1xi32>
    %eq3A_59 = vector.broadcast %broadcast_in_dim3A_58 : vector<512x1xi32> to vector<512x2048xi32>
    %eq3A_60 = arith.cmpi eq, %select_n3A_55, %eq3A_59 : vector<512x2048xi32>
    %jit3A_61 = arith.constant 2147483647 : i32
    %broadcast_in_dim3A_62 = vector.broadcast %jit3A_61 : i32 to vector<512x2048xi32>
    %select_n3A_63 = arith.select %eq3A_60, %broadcast_in_dim3A_62, %select_n3A_55 : vector<512x2048xi1>, vector<512x2048xi32>
    %reduce_min3A_64 = arith.constant dense<2147483647> : vector<512xi32>
    %reduce_min3A_65 = vector.multi_reduction <minsi>, %select_n3A_63, %reduce_min3A_64 [1] : vector<512x2048xi32> to vector<512xi32>
    %broadcast_in_dim3A_66 = vector.shape_cast %reduce_min3A_65 : vector<512xi32> to vector<512x1xi32>
    %eq3A_67 = vector.broadcast %broadcast_in_dim3A_66 : vector<512x1xi32> to vector<512x2048xi32>
    %eq3A_68 = arith.cmpi eq, %select_n3A_63, %eq3A_67 : vector<512x2048xi32>
    %jit3A_69 = arith.constant 2147483647 : i32
    %broadcast_in_dim3A_70 = vector.broadcast %jit3A_69 : i32 to vector<512x2048xi32>
    %select_n3A_71 = arith.select %eq3A_68, %broadcast_in_dim3A_70, %select_n3A_63 : vector<512x2048xi1>, vector<512x2048xi32>
    %reduce_min3A_72 = arith.constant dense<2147483647> : vector<512xi32>
    %reduce_min3A_73 = vector.multi_reduction <minsi>, %select_n3A_71, %reduce_min3A_72 [1] : vector<512x2048xi32> to vector<512xi32>
    %broadcast_in_dim3A_74 = vector.shape_cast %reduce_min3A_73 : vector<512xi32> to vector<512x1xi32>
    %eq3A_75 = vector.broadcast %broadcast_in_dim3A_74 : vector<512x1xi32> to vector<512x2048xi32>
    %eq3A_76 = arith.cmpi eq, %select_n3A_71, %eq3A_75 : vector<512x2048xi32>
    %jit3A_77 = arith.constant 2147483647 : i32
    %broadcast_in_dim3A_78 = vector.broadcast %jit3A_77 : i32 to vector<512x2048xi32>
    %select_n3A_79 = arith.select %eq3A_76, %broadcast_in_dim3A_78, %select_n3A_71 : vector<512x2048xi1>, vector<512x2048xi32>
    %reduce_min3A_80 = arith.constant dense<2147483647> : vector<512xi32>
    %reduce_min3A_81 = vector.multi_reduction <minsi>, %select_n3A_79, %reduce_min3A_80 [1] : vector<512x2048xi32> to vector<512xi32>
    %broadcast_in_dim3A_82 = vector.shape_cast %reduce_min3A_81 : vector<512xi32> to vector<512x1xi32>
    %eq3A_83 = vector.broadcast %broadcast_in_dim3A_82 : vector<512x1xi32> to vector<512x2048xi32>
    %eq3A_84 = arith.cmpi eq, %select_n3A_79, %eq3A_83 : vector<512x2048xi32>
    %jit3A_85 = arith.constant 2147483647 : i32
    %broadcast_in_dim3A_86 = vector.broadcast %jit3A_85 : i32 to vector<512x2048xi32>
    %select_n3A_87 = arith.select %eq3A_84, %broadcast_in_dim3A_86, %select_n3A_79 : vector<512x2048xi1>, vector<512x2048xi32>
    %reduce_min3A_88 = arith.constant dense<2147483647> : vector<512xi32>
    %reduce_min3A_89 = vector.multi_reduction <minsi>, %select_n3A_87, %reduce_min3A_88 [1] : vector<512x2048xi32> to vector<512xi32>
    %broadcast_in_dim3A_90 = vector.shape_cast %reduce_min3A_89 : vector<512xi32> to vector<512x1xi32>
    %eq3A_91 = vector.broadcast %broadcast_in_dim3A_90 : vector<512x1xi32> to vector<512x2048xi32>
    %eq3A_92 = arith.cmpi eq, %select_n3A_87, %eq3A_91 : vector<512x2048xi32>
    %jit3A_93 = arith.constant 2147483647 : i32
    %broadcast_in_dim3A_94 = vector.broadcast %jit3A_93 : i32 to vector<512x2048xi32>
    %select_n3A_95 = arith.select %eq3A_92, %broadcast_in_dim3A_94, %select_n3A_87 : vector<512x2048xi1>, vector<512x2048xi32>
    %reduce_min3A_96 = arith.constant dense<2147483647> : vector<512xi32>
    %reduce_min3A_97 = vector.multi_reduction <minsi>, %select_n3A_95, %reduce_min3A_96 [1] : vector<512x2048xi32> to vector<512xi32>
    %broadcast_in_dim3A_98 = vector.shape_cast %reduce_min3A_97 : vector<512xi32> to vector<512x1xi32>
    %add3A_99 = arith.constant 9.99999996E-13 : f32
    %add3A_100 = vector.broadcast %add3A_99 : f32 to vector<512x2048xf32>
    %add3A_101 = arith.addf %add3A, %add3A_100 : vector<512x2048xf32>
    %sqrt3A = math.sqrt %add3A_101 : vector<512x2048xf32>
    %add3A_102 = arith.constant 9.99999993E-9 : f32
    %add3A_103 = vector.broadcast %add3A_102 : f32 to vector<512x2048xf32>
    %add3A_104 = arith.addf %sqrt3A, %add3A_103 : vector<512x2048xf32>
    %div3A = arith.constant 1.000000e+00 : f32
    %div3A_105 = vector.broadcast %div3A : f32 to vector<512x2048xf32>
    %div3A_106 = arith.divf %div3A_105, %add3A_104 : vector<512x2048xf32>
    %le3A = vector.broadcast %broadcast_in_dim3A_98 : vector<512x1xi32> to vector<512x2048xi32>
    %le3A_107 = arith.cmpi sle, %add3A_20, %le3A : vector<512x2048xi32>
    %jit3A_108 = arith.constant 0.000000e+00 : f32
    %broadcast_in_dim3A_109 = vector.broadcast %jit3A_108 : f32 to vector<512x2048xf32>
    %select_n3A_110 = arith.select %le3A_107, %div3A_106, %broadcast_in_dim3A_109 : vector<512x2048xi1>, vector<512x2048xf32>
    %reduce_sum3A = arith.constant dense<0.000000e+00> : vector<512xf32>
    %reduce_sum3A_111 = vector.multi_reduction <add>, %select_n3A_110, %reduce_sum3A [1] : vector<512x2048xf32> to vector<512xf32>
    %broadcast_in_dim3A_112 = vector.shape_cast %reduce_sum3A_111 : vector<512xf32> to vector<512x1xf32>
    %div3A_113 = vector.broadcast %broadcast_in_dim3A_112 : vector<512x1xf32> to vector<512x2048xf32>
    %div3A_114 = arith.divf %select_n3A_110, %div3A_113 : vector<512x2048xf32>
    %get3A_115 = arith.constant 0 : index
    %get3A_116 = arith.constant 0 : index
    %get3A_117 = vector.load %arg3[%get3A_115, %get3A_116] : memref<2048x128xf32, #tpu.memory_space<vmem>>, vector<2048x128xf32>
    %dot_general3A = arith.constant dense<0.000000e+00> : vector<512x128xf32>
    %dot_general3A_118 = tpu.matmul %div3A_114, %get3A_117, %dot_general3A {dimension_numbers = #tpu.dot_dimension_numbers<[1], [0], [0], [1], [0, 0, 1, 1], [], []>, transpose_lhs_hint = false} : vector<512x2048xf32>, vector<2048x128xf32>, vector<512x128xf32> -> vector<512x128xf32>
    %swap3A = arith.constant 0 : index
    %swap3A_119 = arith.constant 0 : index
    %swap3A_120 = vector.load %arg4[%swap3A, %swap3A_119] : memref<512x128xf32, #tpu.memory_space<vmem>>, vector<512x128xf32>
    tpu.vector_store %arg4[%swap3A, %swap3A_119], %dot_general3A_118 {strides = array<i32>} : memref<512x128xf32, #tpu.memory_space<vmem>>, vector<512x128xf32>,
    return
  }
  func.func @transform_0(%arg0: i32) -> (i32, i32) {
    %c0_i32 = arith.constant 0 : i32
    %c0_i32_0 = arith.constant 0 : i32
    return %arg0, %c0_i32 : i32, i32
  }
  func.func @transform_1(%arg0: i32) -> (i32, i32) {
    %c0_i32 = arith.constant 0 : i32
    %c0_i32_0 = arith.constant 0 : i32
    %c0_i32_1 = arith.constant 0 : i32
    return %c0_i32, %c0_i32_0 : i32, i32
  }
  func.func @transform_2(%arg0: i32) -> (i32, i32) {
    %c0_i32 = arith.constant 0 : i32
    %c0_i32_0 = arith.constant 0 : i32
    %c0_i32_1 = arith.constant 0 : i32
    return %c0_i32, %c0_i32_0 : i32, i32
  }
  func.func @transform_3(%arg0: i32) -> (i32, i32) {
    %c0_i32 = arith.constant 0 : i32
    %c0_i32_0 = arith.constant 0 : i32
    return %arg0, %c0_i32 : i32, i32
  }
}

module attributes {stable_mosaic.version = 14 : i64} {
  func.func @_conv1_body(%arg0: i32, %arg1: memref<296x128xf32, #tpu.memory_space<vmem>>, %arg2: memref<2368x128xf32, #tpu.memory_space<vmem>>, %arg3: memref<296x128xf32, #tpu.memory_space<vmem>>, %arg4: memref<3x3x128x512xbf16, #tpu.memory_space<vmem>>, %arg5: memref<512xf32, #tpu.memory_space<vmem>>, %arg6: memref<512xf32, #tpu.memory_space<vmem>>, %arg7: memref<8x296x512xbf16, #tpu.memory_space<vmem>>, %arg8: memref<2368x512xf32, #tpu.memory_space<vmem>>) attributes {dimension_semantics = [#tpu.dimension_semantics<arbitrary>], iteration_bounds = array<i64: 37>, scalar_prefetch = 0 : i64, scratch_operands = 1 : i64, tpu.core_type = #tpu.core_type<tc>, window_params = [{transform_indices = @transform_0, window_bounds = array<i64: 296, 128>}, {transform_indices = @transform_1, window_bounds = array<i64: 2368, 128>}, {transform_indices = @transform_2, window_bounds = array<i64: 296, 128>}, {pipeline_mode = #tpu.pipeline_mode<synchronous>, transform_indices = @transform_3, window_bounds = array<i64: 3, 3, 128, 512>}, {pipeline_mode = #tpu.pipeline_mode<synchronous>, transform_indices = @transform_4, window_bounds = array<i64: 512>}, {pipeline_mode = #tpu.pipeline_mode<synchronous>, transform_indices = @transform_5, window_bounds = array<i64: 512>}, {transform_indices = @transform_6, window_bounds = array<i64: 8, 296, 512>}]} {
    %get3A = arith.constant 0 : index
    %get3A_0 = arith.constant 0 : index
    %get3A_1 = vector.load %arg1[%get3A, %get3A_0] : memref<296x128xf32, #tpu.memory_space<vmem>>, vector<296x128xf32>
    %convert_element_type3A = arith.truncf %get3A_1 : vector<296x128xf32> to vector<296x128xbf16>
    %get3A_2 = arith.constant 0 : index
    %get3A_3 = arith.constant 0 : index
    %get3A_4 = vector.load %arg2[%get3A_2, %get3A_3] : memref<2368x128xf32, #tpu.memory_space<vmem>>, vector<2368x128xf32>
    %reshape3A = vector.shape_cast %get3A_4 : vector<2368x128xf32> to vector<8x296x128xf32>
    %convert_element_type3A_5 = arith.truncf %reshape3A : vector<8x296x128xf32> to vector<8x296x128xbf16>
    %get3A_6 = arith.constant 0 : index
    %get3A_7 = arith.constant 0 : index
    %get3A_8 = vector.load %arg3[%get3A_6, %get3A_7] : memref<296x128xf32, #tpu.memory_space<vmem>>, vector<296x128xf32>
    %convert_element_type3A_9 = arith.truncf %get3A_8 : vector<296x128xf32> to vector<296x128xbf16>
    %eq3A = arith.constant 0 : i32
    %eq3A_10 = arith.cmpi eq, %arg0, %eq3A : i32
    %broadcast_in_dim3A = arith.constant 0.000000e+00 : bf16
    %broadcast_in_dim3A_11 = vector.broadcast %broadcast_in_dim3A : bf16 to vector<1x296x128xbf16>
    %reshape3A_12 = vector.shape_cast %convert_element_type3A : vector<296x128xbf16> to vector<1x296x128xbf16>
    %select_n3A = arith.select %eq3A_10, %broadcast_in_dim3A_11, %reshape3A_12 : vector<1x296x128xbf16>
    %eq3A_13 = arith.constant 36 : i32
    %eq3A_14 = arith.cmpi eq, %arg0, %eq3A_13 : i32
    %broadcast_in_dim3A_15 = arith.constant 0.000000e+00 : bf16
    %broadcast_in_dim3A_16 = vector.broadcast %broadcast_in_dim3A_15 : bf16 to vector<1x296x128xbf16>
    %reshape3A_17 = vector.shape_cast %convert_element_type3A_9 : vector<296x128xbf16> to vector<1x296x128xbf16>
    %select_n3A_18 = arith.select %eq3A_14, %broadcast_in_dim3A_16, %reshape3A_17 : vector<1x296x128xbf16>
    %concatenate3A = tpu.concatenate %select_n3A, %convert_element_type3A_5, %select_n3A_18 in 0 : vector<1x296x128xbf16>, vector<8x296x128xbf16>, vector<1x296x128xbf16> -> vector<10x296x128xbf16>
    %broadcast_in_dim3A_19 = arith.constant 0.000000e+00 : bf16
    %broadcast_in_dim3A_20 = vector.broadcast %broadcast_in_dim3A_19 : bf16 to vector<10x1x128xbf16>
    %concatenate3A_21 = tpu.concatenate %broadcast_in_dim3A_20, %concatenate3A, %broadcast_in_dim3A_20 in 1 : vector<10x1x128xbf16>, vector<10x296x128xbf16>, vector<10x1x128xbf16> -> vector<10x298x128xbf16>
    %slice3A = vector.extract_strided_slice %concatenate3A_21 {offsets = [0, 0, 0], sizes = [10, 296, 128], strides = [1, 1, 1]} : vector<10x298x128xbf16> to vector<10x296x128xbf16>
    %slice3A_22 = vector.extract_strided_slice %slice3A {offsets = [0, 0, 0], sizes = [8, 296, 128], strides = [1, 1, 1]} : vector<10x296x128xbf16> to vector<8x296x128xbf16>
    %reshape3A_23 = vector.shape_cast %slice3A_22 : vector<8x296x128xbf16> to vector<2368x128xbf16>
    %get3A_24 = arith.constant 0 : index
    %get3A_25 = arith.constant 0 : index
    %get3A_26 = arith.constant 0 : index
    %get3A_27 = arith.constant 0 : index
    %get3A_28 = vector.load %arg4[%get3A_24, %get3A_25, %get3A_26, %get3A_27] : memref<3x3x128x512xbf16, #tpu.memory_space<vmem>>, vector<1x1x128x512xbf16>
    %get3A_29 = vector.shape_cast %get3A_28 : vector<1x1x128x512xbf16> to vector<128x512xbf16>
    %dot_general3A = arith.constant dense<0.000000e+00> : vector<2368x512xf32>
    %dot_general3A_30 = tpu.matmul %reshape3A_23, %get3A_29, %dot_general3A {dimension_numbers = #tpu.dot_dimension_numbers<[1], [0], [0], [1], [0, 0, 1, 1], [], []>, transpose_lhs_hint = false} : vector<2368x128xbf16>, vector<128x512xbf16>, vector<2368x512xf32> -> vector<2368x512xf32>
    %swap3A = arith.constant 0 : index
    %swap3A_31 = arith.constant 0 : index
    %swap3A_32 = vector.load %arg8[%swap3A, %swap3A_31] : memref<2368x512xf32, #tpu.memory_space<vmem>>, vector<2368x512xf32>
    tpu.vector_store %arg8[%swap3A, %swap3A_31], %dot_general3A_30 {strides = array<i32>} : memref<2368x512xf32, #tpu.memory_space<vmem>>, vector<2368x512xf32>,
    %slice3A_33 = vector.extract_strided_slice %slice3A {offsets = [1, 0, 0], sizes = [8, 296, 128], strides = [1, 1, 1]} : vector<10x296x128xbf16> to vector<8x296x128xbf16>
    %reshape3A_34 = vector.shape_cast %slice3A_33 : vector<8x296x128xbf16> to vector<2368x128xbf16>
    %get3A_35 = arith.constant 1 : index
    %get3A_36 = arith.constant 0 : index
    %get3A_37 = arith.constant 0 : index
    %get3A_38 = arith.constant 0 : index
    %get3A_39 = vector.load %arg4[%get3A_35, %get3A_36, %get3A_37, %get3A_38] : memref<3x3x128x512xbf16, #tpu.memory_space<vmem>>, vector<1x1x128x512xbf16>
    %get3A_40 = vector.shape_cast %get3A_39 : vector<1x1x128x512xbf16> to vector<128x512xbf16>
    %dot_general3A_41 = arith.constant dense<0.000000e+00> : vector<2368x512xf32>
    %dot_general3A_42 = tpu.matmul %reshape3A_34, %get3A_40, %dot_general3A_41 {dimension_numbers = #tpu.dot_dimension_numbers<[1], [0], [0], [1], [0, 0, 1, 1], [], []>, transpose_lhs_hint = false} : vector<2368x128xbf16>, vector<128x512xbf16>, vector<2368x512xf32> -> vector<2368x512xf32>
    %get3A_43 = arith.constant 0 : index
    %get3A_44 = arith.constant 0 : index
    %get3A_45 = vector.load %arg8[%get3A_43, %get3A_44] : memref<2368x512xf32, #tpu.memory_space<vmem>>, vector<2368x512xf32>
    %add3A = arith.addf %get3A_45, %dot_general3A_42 : vector<2368x512xf32>
    %swap3A_46 = arith.constant 0 : index
    %swap3A_47 = arith.constant 0 : index
    %swap3A_48 = vector.load %arg8[%swap3A_46, %swap3A_47] : memref<2368x512xf32, #tpu.memory_space<vmem>>, vector<2368x512xf32>
    tpu.vector_store %arg8[%swap3A_46, %swap3A_47], %add3A {strides = array<i32>} : memref<2368x512xf32, #tpu.memory_space<vmem>>, vector<2368x512xf32>,
    %slice3A_49 = vector.extract_strided_slice %slice3A {offsets = [2, 0, 0], sizes = [8, 296, 128], strides = [1, 1, 1]} : vector<10x296x128xbf16> to vector<8x296x128xbf16>
    %reshape3A_50 = vector.shape_cast %slice3A_49 : vector<8x296x128xbf16> to vector<2368x128xbf16>
    %get3A_51 = arith.constant 2 : index
    %get3A_52 = arith.constant 0 : index
    %get3A_53 = arith.constant 0 : index
    %get3A_54 = arith.constant 0 : index
    %get3A_55 = vector.load %arg4[%get3A_51, %get3A_52, %get3A_53, %get3A_54] : memref<3x3x128x512xbf16, #tpu.memory_space<vmem>>, vector<1x1x128x512xbf16>
    %get3A_56 = vector.shape_cast %get3A_55 : vector<1x1x128x512xbf16> to vector<128x512xbf16>
    %dot_general3A_57 = arith.constant dense<0.000000e+00> : vector<2368x512xf32>
    %dot_general3A_58 = tpu.matmul %reshape3A_50, %get3A_56, %dot_general3A_57 {dimension_numbers = #tpu.dot_dimension_numbers<[1], [0], [0], [1], [0, 0, 1, 1], [], []>, transpose_lhs_hint = false} : vector<2368x128xbf16>, vector<128x512xbf16>, vector<2368x512xf32> -> vector<2368x512xf32>
    %get3A_59 = arith.constant 0 : index
    %get3A_60 = arith.constant 0 : index
    %get3A_61 = vector.load %arg8[%get3A_59, %get3A_60] : memref<2368x512xf32, #tpu.memory_space<vmem>>, vector<2368x512xf32>
    %add3A_62 = arith.addf %get3A_61, %dot_general3A_58 : vector<2368x512xf32>
    %swap3A_63 = arith.constant 0 : index
    %swap3A_64 = arith.constant 0 : index
    %swap3A_65 = vector.load %arg8[%swap3A_63, %swap3A_64] : memref<2368x512xf32, #tpu.memory_space<vmem>>, vector<2368x512xf32>
    tpu.vector_store %arg8[%swap3A_63, %swap3A_64], %add3A_62 {strides = array<i32>} : memref<2368x512xf32, #tpu.memory_space<vmem>>, vector<2368x512xf32>,
    %slice3A_66 = vector.extract_strided_slice %concatenate3A_21 {offsets = [0, 1, 0], sizes = [10, 296, 128], strides = [1, 1, 1]} : vector<10x298x128xbf16> to vector<10x296x128xbf16>
    %slice3A_67 = vector.extract_strided_slice %slice3A_66 {offsets = [0, 0, 0], sizes = [8, 296, 128], strides = [1, 1, 1]} : vector<10x296x128xbf16> to vector<8x296x128xbf16>
    %reshape3A_68 = vector.shape_cast %slice3A_67 : vector<8x296x128xbf16> to vector<2368x128xbf16>
    %get3A_69 = arith.constant 0 : index
    %get3A_70 = arith.constant 1 : index
    %get3A_71 = arith.constant 0 : index
    %get3A_72 = arith.constant 0 : index
    %get3A_73 = vector.load %arg4[%get3A_69, %get3A_70, %get3A_71, %get3A_72] : memref<3x3x128x512xbf16, #tpu.memory_space<vmem>>, vector<1x1x128x512xbf16>
    %get3A_74 = vector.shape_cast %get3A_73 : vector<1x1x128x512xbf16> to vector<128x512xbf16>
    %dot_general3A_75 = arith.constant dense<0.000000e+00> : vector<2368x512xf32>
    %dot_general3A_76 = tpu.matmul %reshape3A_68, %get3A_74, %dot_general3A_75 {dimension_numbers = #tpu.dot_dimension_numbers<[1], [0], [0], [1], [0, 0, 1, 1], [], []>, transpose_lhs_hint = false} : vector<2368x128xbf16>, vector<128x512xbf16>, vector<2368x512xf32> -> vector<2368x512xf32>
    %get3A_77 = arith.constant 0 : index
    %get3A_78 = arith.constant 0 : index
    %get3A_79 = vector.load %arg8[%get3A_77, %get3A_78] : memref<2368x512xf32, #tpu.memory_space<vmem>>, vector<2368x512xf32>
    %add3A_80 = arith.addf %get3A_79, %dot_general3A_76 : vector<2368x512xf32>
    %swap3A_81 = arith.constant 0 : index
    %swap3A_82 = arith.constant 0 : index
    %swap3A_83 = vector.load %arg8[%swap3A_81, %swap3A_82] : memref<2368x512xf32, #tpu.memory_space<vmem>>, vector<2368x512xf32>
    tpu.vector_store %arg8[%swap3A_81, %swap3A_82], %add3A_80 {strides = array<i32>} : memref<2368x512xf32, #tpu.memory_space<vmem>>, vector<2368x512xf32>,
    %slice3A_84 = vector.extract_strided_slice %slice3A_66 {offsets = [1, 0, 0], sizes = [8, 296, 128], strides = [1, 1, 1]} : vector<10x296x128xbf16> to vector<8x296x128xbf16>
    %reshape3A_85 = vector.shape_cast %slice3A_84 : vector<8x296x128xbf16> to vector<2368x128xbf16>
    %get3A_86 = arith.constant 1 : index
    %get3A_87 = arith.constant 1 : index
    %get3A_88 = arith.constant 0 : index
    %get3A_89 = arith.constant 0 : index
    %get3A_90 = vector.load %arg4[%get3A_86, %get3A_87, %get3A_88, %get3A_89] : memref<3x3x128x512xbf16, #tpu.memory_space<vmem>>, vector<1x1x128x512xbf16>
    %get3A_91 = vector.shape_cast %get3A_90 : vector<1x1x128x512xbf16> to vector<128x512xbf16>
    %dot_general3A_92 = arith.constant dense<0.000000e+00> : vector<2368x512xf32>
    %dot_general3A_93 = tpu.matmul %reshape3A_85, %get3A_91, %dot_general3A_92 {dimension_numbers = #tpu.dot_dimension_numbers<[1], [0], [0], [1], [0, 0, 1, 1], [], []>, transpose_lhs_hint = false} : vector<2368x128xbf16>, vector<128x512xbf16>, vector<2368x512xf32> -> vector<2368x512xf32>
    %get3A_94 = arith.constant 0 : index
    %get3A_95 = arith.constant 0 : index
    %get3A_96 = vector.load %arg8[%get3A_94, %get3A_95] : memref<2368x512xf32, #tpu.memory_space<vmem>>, vector<2368x512xf32>
    %add3A_97 = arith.addf %get3A_96, %dot_general3A_93 : vector<2368x512xf32>
    %swap3A_98 = arith.constant 0 : index
    %swap3A_99 = arith.constant 0 : index
    %swap3A_100 = vector.load %arg8[%swap3A_98, %swap3A_99] : memref<2368x512xf32, #tpu.memory_space<vmem>>, vector<2368x512xf32>
    tpu.vector_store %arg8[%swap3A_98, %swap3A_99], %add3A_97 {strides = array<i32>} : memref<2368x512xf32, #tpu.memory_space<vmem>>, vector<2368x512xf32>,
    %slice3A_101 = vector.extract_strided_slice %slice3A_66 {offsets = [2, 0, 0], sizes = [8, 296, 128], strides = [1, 1, 1]} : vector<10x296x128xbf16> to vector<8x296x128xbf16>
    %reshape3A_102 = vector.shape_cast %slice3A_101 : vector<8x296x128xbf16> to vector<2368x128xbf16>
    %get3A_103 = arith.constant 2 : index
    %get3A_104 = arith.constant 1 : index
    %get3A_105 = arith.constant 0 : index
    %get3A_106 = arith.constant 0 : index
    %get3A_107 = vector.load %arg4[%get3A_103, %get3A_104, %get3A_105, %get3A_106] : memref<3x3x128x512xbf16, #tpu.memory_space<vmem>>, vector<1x1x128x512xbf16>
    %get3A_108 = vector.shape_cast %get3A_107 : vector<1x1x128x512xbf16> to vector<128x512xbf16>
    %dot_general3A_109 = arith.constant dense<0.000000e+00> : vector<2368x512xf32>
    %dot_general3A_110 = tpu.matmul %reshape3A_102, %get3A_108, %dot_general3A_109 {dimension_numbers = #tpu.dot_dimension_numbers<[1], [0], [0], [1], [0, 0, 1, 1], [], []>, transpose_lhs_hint = false} : vector<2368x128xbf16>, vector<128x512xbf16>, vector<2368x512xf32> -> vector<2368x512xf32>
    %get3A_111 = arith.constant 0 : index
    %get3A_112 = arith.constant 0 : index
    %get3A_113 = vector.load %arg8[%get3A_111, %get3A_112] : memref<2368x512xf32, #tpu.memory_space<vmem>>, vector<2368x512xf32>
    %add3A_114 = arith.addf %get3A_113, %dot_general3A_110 : vector<2368x512xf32>
    %swap3A_115 = arith.constant 0 : index
    %swap3A_116 = arith.constant 0 : index
    %swap3A_117 = vector.load %arg8[%swap3A_115, %swap3A_116] : memref<2368x512xf32, #tpu.memory_space<vmem>>, vector<2368x512xf32>
    tpu.vector_store %arg8[%swap3A_115, %swap3A_116], %add3A_114 {strides = array<i32>} : memref<2368x512xf32, #tpu.memory_space<vmem>>, vector<2368x512xf32>,
    %slice3A_118 = vector.extract_strided_slice %concatenate3A_21 {offsets = [0, 2, 0], sizes = [10, 296, 128], strides = [1, 1, 1]} : vector<10x298x128xbf16> to vector<10x296x128xbf16>
    %slice3A_119 = vector.extract_strided_slice %slice3A_118 {offsets = [0, 0, 0], sizes = [8, 296, 128], strides = [1, 1, 1]} : vector<10x296x128xbf16> to vector<8x296x128xbf16>
    %reshape3A_120 = vector.shape_cast %slice3A_119 : vector<8x296x128xbf16> to vector<2368x128xbf16>
    %get3A_121 = arith.constant 0 : index
    %get3A_122 = arith.constant 2 : index
    %get3A_123 = arith.constant 0 : index
    %get3A_124 = arith.constant 0 : index
    %get3A_125 = vector.load %arg4[%get3A_121, %get3A_122, %get3A_123, %get3A_124] : memref<3x3x128x512xbf16, #tpu.memory_space<vmem>>, vector<1x1x128x512xbf16>
    %get3A_126 = vector.shape_cast %get3A_125 : vector<1x1x128x512xbf16> to vector<128x512xbf16>
    %dot_general3A_127 = arith.constant dense<0.000000e+00> : vector<2368x512xf32>
    %dot_general3A_128 = tpu.matmul %reshape3A_120, %get3A_126, %dot_general3A_127 {dimension_numbers = #tpu.dot_dimension_numbers<[1], [0], [0], [1], [0, 0, 1, 1], [], []>, transpose_lhs_hint = false} : vector<2368x128xbf16>, vector<128x512xbf16>, vector<2368x512xf32> -> vector<2368x512xf32>
    %get3A_129 = arith.constant 0 : index
    %get3A_130 = arith.constant 0 : index
    %get3A_131 = vector.load %arg8[%get3A_129, %get3A_130] : memref<2368x512xf32, #tpu.memory_space<vmem>>, vector<2368x512xf32>
    %add3A_132 = arith.addf %get3A_131, %dot_general3A_128 : vector<2368x512xf32>
    %swap3A_133 = arith.constant 0 : index
    %swap3A_134 = arith.constant 0 : index
    %swap3A_135 = vector.load %arg8[%swap3A_133, %swap3A_134] : memref<2368x512xf32, #tpu.memory_space<vmem>>, vector<2368x512xf32>
    tpu.vector_store %arg8[%swap3A_133, %swap3A_134], %add3A_132 {strides = array<i32>} : memref<2368x512xf32, #tpu.memory_space<vmem>>, vector<2368x512xf32>,
    %slice3A_136 = vector.extract_strided_slice %slice3A_118 {offsets = [1, 0, 0], sizes = [8, 296, 128], strides = [1, 1, 1]} : vector<10x296x128xbf16> to vector<8x296x128xbf16>
    %reshape3A_137 = vector.shape_cast %slice3A_136 : vector<8x296x128xbf16> to vector<2368x128xbf16>
    %get3A_138 = arith.constant 1 : index
    %get3A_139 = arith.constant 2 : index
    %get3A_140 = arith.constant 0 : index
    %get3A_141 = arith.constant 0 : index
    %get3A_142 = vector.load %arg4[%get3A_138, %get3A_139, %get3A_140, %get3A_141] : memref<3x3x128x512xbf16, #tpu.memory_space<vmem>>, vector<1x1x128x512xbf16>
    %get3A_143 = vector.shape_cast %get3A_142 : vector<1x1x128x512xbf16> to vector<128x512xbf16>
    %dot_general3A_144 = arith.constant dense<0.000000e+00> : vector<2368x512xf32>
    %dot_general3A_145 = tpu.matmul %reshape3A_137, %get3A_143, %dot_general3A_144 {dimension_numbers = #tpu.dot_dimension_numbers<[1], [0], [0], [1], [0, 0, 1, 1], [], []>, transpose_lhs_hint = false} : vector<2368x128xbf16>, vector<128x512xbf16>, vector<2368x512xf32> -> vector<2368x512xf32>
    %get3A_146 = arith.constant 0 : index
    %get3A_147 = arith.constant 0 : index
    %get3A_148 = vector.load %arg8[%get3A_146, %get3A_147] : memref<2368x512xf32, #tpu.memory_space<vmem>>, vector<2368x512xf32>
    %add3A_149 = arith.addf %get3A_148, %dot_general3A_145 : vector<2368x512xf32>
    %swap3A_150 = arith.constant 0 : index
    %swap3A_151 = arith.constant 0 : index
    %swap3A_152 = vector.load %arg8[%swap3A_150, %swap3A_151] : memref<2368x512xf32, #tpu.memory_space<vmem>>, vector<2368x512xf32>
    tpu.vector_store %arg8[%swap3A_150, %swap3A_151], %add3A_149 {strides = array<i32>} : memref<2368x512xf32, #tpu.memory_space<vmem>>, vector<2368x512xf32>,
    %slice3A_153 = vector.extract_strided_slice %slice3A_118 {offsets = [2, 0, 0], sizes = [8, 296, 128], strides = [1, 1, 1]} : vector<10x296x128xbf16> to vector<8x296x128xbf16>
    %reshape3A_154 = vector.shape_cast %slice3A_153 : vector<8x296x128xbf16> to vector<2368x128xbf16>
    %get3A_155 = arith.constant 2 : index
    %get3A_156 = arith.constant 2 : index
    %get3A_157 = arith.constant 0 : index
    %get3A_158 = arith.constant 0 : index
    %get3A_159 = vector.load %arg4[%get3A_155, %get3A_156, %get3A_157, %get3A_158] : memref<3x3x128x512xbf16, #tpu.memory_space<vmem>>, vector<1x1x128x512xbf16>
    %get3A_160 = vector.shape_cast %get3A_159 : vector<1x1x128x512xbf16> to vector<128x512xbf16>
    %dot_general3A_161 = arith.constant dense<0.000000e+00> : vector<2368x512xf32>
    %dot_general3A_162 = tpu.matmul %reshape3A_154, %get3A_160, %dot_general3A_161 {dimension_numbers = #tpu.dot_dimension_numbers<[1], [0], [0], [1], [0, 0, 1, 1], [], []>, transpose_lhs_hint = false} : vector<2368x128xbf16>, vector<128x512xbf16>, vector<2368x512xf32> -> vector<2368x512xf32>
    %get3A_163 = arith.constant 0 : index
    %get3A_164 = arith.constant 0 : index
    %get3A_165 = vector.load %arg8[%get3A_163, %get3A_164] : memref<2368x512xf32, #tpu.memory_space<vmem>>, vector<2368x512xf32>
    %add3A_166 = arith.addf %get3A_165, %dot_general3A_162 : vector<2368x512xf32>
    %swap3A_167 = arith.constant 0 : index
    %swap3A_168 = arith.constant 0 : index
    %swap3A_169 = vector.load %arg8[%swap3A_167, %swap3A_168] : memref<2368x512xf32, #tpu.memory_space<vmem>>, vector<2368x512xf32>
    tpu.vector_store %arg8[%swap3A_167, %swap3A_168], %add3A_166 {strides = array<i32>} : memref<2368x512xf32, #tpu.memory_space<vmem>>, vector<2368x512xf32>,
    %get3A_170 = arith.constant 0 : index
    %get3A_171 = arith.constant 0 : index
    %get3A_172 = vector.load %arg8[%get3A_170, %get3A_171] : memref<2368x512xf32, #tpu.memory_space<vmem>>, vector<2368x512xf32>
    %get3A_173 = arith.constant 0 : index
    %get3A_174 = vector.load %arg5[%get3A_173] : memref<512xf32, #tpu.memory_space<vmem>>, vector<512xf32>
    %broadcast_in_dim3A_175 = vector.shape_cast %get3A_174 : vector<512xf32> to vector<1x512xf32>
    %mul3A = vector.broadcast %broadcast_in_dim3A_175 : vector<1x512xf32> to vector<2368x512xf32>
    %mul3A_176 = arith.mulf %get3A_172, %mul3A : vector<2368x512xf32>
    %get3A_177 = arith.constant 0 : index
    %get3A_178 = vector.load %arg6[%get3A_177] : memref<512xf32, #tpu.memory_space<vmem>>, vector<512xf32>
    %broadcast_in_dim3A_179 = vector.shape_cast %get3A_178 : vector<512xf32> to vector<1x512xf32>
    %add3A_180 = vector.broadcast %broadcast_in_dim3A_179 : vector<1x512xf32> to vector<2368x512xf32>
    %add3A_181 = arith.addf %mul3A_176, %add3A_180 : vector<2368x512xf32>
    %max3A = arith.constant 0.000000e+00 : f32
    %max3A_182 = vector.broadcast %max3A : f32 to vector<2368x512xf32>
    %max3A_183 = arith.maximumf %add3A_181, %max3A_182 : vector<2368x512xf32>
    %reshape3A_184 = vector.shape_cast %max3A_183 : vector<2368x512xf32> to vector<8x296x512xf32>
    %convert_element_type3A_185 = arith.truncf %reshape3A_184 : vector<8x296x512xf32> to vector<8x296x512xbf16>
    %swap3A_186 = arith.constant 0 : index
    %swap3A_187 = arith.constant 0 : index
    %swap3A_188 = arith.constant 0 : index
    %swap3A_189 = vector.load %arg7[%swap3A_186, %swap3A_187, %swap3A_188] : memref<8x296x512xbf16, #tpu.memory_space<vmem>>, vector<8x296x512xbf16>
    tpu.vector_store %arg7[%swap3A_186, %swap3A_187, %swap3A_188], %convert_element_type3A_185 {strides = array<i32>} : memref<8x296x512xbf16, #tpu.memory_space<vmem>>, vector<8x296x512xbf16>,
    return
  }
  func.func @transform_0(%arg0: i32) -> (i32, i32) {
    %sub3A = arith.constant 1 : i32
    %sub3A_0 = arith.subi %arg0, %sub3A : i32
    %max3A = arith.constant 0 : i32
    %max3A_1 = arith.maxsi %sub3A_0, %max3A : i32
    %mul3A = arith.constant 8 : i32
    %mul3A_2 = arith.muli %max3A_1, %mul3A : i32
    %add3A = arith.constant 8 : i32
    %add3A_3 = arith.addi %mul3A_2, %add3A : i32
    %sub3A_4 = arith.constant 1 : i32
    %sub3A_5 = arith.subi %add3A_3, %sub3A_4 : i32
    %c0_i32 = arith.constant 0 : i32
    %c0_i32_6 = arith.constant 0 : i32
    return %sub3A_5, %c0_i32 : i32, i32
  }
  func.func @transform_1(%arg0: i32) -> (i32, i32) {
    %c0_i32 = arith.constant 0 : i32
    %c0_i32_0 = arith.constant 0 : i32
    return %arg0, %c0_i32 : i32, i32
  }
  func.func @transform_2(%arg0: i32) -> (i32, i32) {
    %add3A = arith.constant 1 : i32
    %add3A_0 = arith.addi %arg0, %add3A : i32
    %min3A = arith.constant 36 : i32
    %min3A_1 = arith.minsi %add3A_0, %min3A : i32
    %mul3A = arith.constant 8 : i32
    %mul3A_2 = arith.muli %min3A_1, %mul3A : i32
    %c0_i32 = arith.constant 0 : i32
    %c0_i32_3 = arith.constant 0 : i32
    return %mul3A_2, %c0_i32 : i32, i32
  }
  func.func @transform_3(%arg0: i32) -> (i32, i32, i32, i32) {
    %c0_i32 = arith.constant 0 : i32
    %c0_i32_0 = arith.constant 0 : i32
    %c0_i32_1 = arith.constant 0 : i32
    %c0_i32_2 = arith.constant 0 : i32
    %c0_i32_3 = arith.constant 0 : i32
    return %c0_i32, %c0_i32_0, %c0_i32_1, %c0_i32_2 : i32, i32, i32, i32
  }
  func.func @transform_4(%arg0: i32) -> i32 {
    %c0_i32 = arith.constant 0 : i32
    %c0_i32_0 = arith.constant 0 : i32
    return %c0_i32 : i32
  }
  func.func @transform_5(%arg0: i32) -> i32 {
    %c0_i32 = arith.constant 0 : i32
    %c0_i32_0 = arith.constant 0 : i32
    return %c0_i32 : i32
  }
  func.func @transform_6(%arg0: i32) -> (i32, i32, i32) {
    %c0_i32 = arith.constant 0 : i32
    %c0_i32_0 = arith.constant 0 : i32
    %c0_i32_1 = arith.constant 0 : i32
    return %arg0, %c0_i32, %c0_i32_0 : i32, i32, i32
  }
}

module attributes {stable_mosaic.version = 14 : i64} {
  func.func @body(%arg0: i32, %arg1: memref<1x296x512xbf16, #tpu.memory_space<vmem>>, %arg2: memref<8x296x512xbf16, #tpu.memory_space<vmem>>, %arg3: memref<1x296x512xbf16, #tpu.memory_space<vmem>>, %arg4: memref<3x3x512x512xbf16, #tpu.memory_space<vmem>>, %arg5: memref<512xf32, #tpu.memory_space<vmem>>, %arg6: memref<512xf32, #tpu.memory_space<vmem>>, %arg7: memref<8x296x512xbf16, #tpu.memory_space<vmem>>, %arg8: memref<2368x512xf32, #tpu.memory_space<vmem>>) attributes {dimension_semantics = [#tpu.dimension_semantics<arbitrary>], iteration_bounds = array<i64: 37>, scalar_prefetch = 0 : i64, scratch_operands = 1 : i64, tpu.core_type = #tpu.core_type<tc>, window_params = [{transform_indices = @transform_0, window_bounds = array<i64: 1, 296, 512>}, {transform_indices = @transform_1, window_bounds = array<i64: 8, 296, 512>}, {transform_indices = @transform_2, window_bounds = array<i64: 1, 296, 512>}, {pipeline_mode = #tpu.pipeline_mode<synchronous>, transform_indices = @transform_3, window_bounds = array<i64: 3, 3, 512, 512>}, {pipeline_mode = #tpu.pipeline_mode<synchronous>, transform_indices = @transform_4, window_bounds = array<i64: 512>}, {pipeline_mode = #tpu.pipeline_mode<synchronous>, transform_indices = @transform_5, window_bounds = array<i64: 512>}, {transform_indices = @transform_6, window_bounds = array<i64: 8, 296, 512>}]} {
    %get3A = arith.constant 0 : index
    %get3A_0 = arith.constant 0 : index
    %get3A_1 = arith.constant 0 : index
    %get3A_2 = vector.load %arg1[%get3A, %get3A_0, %get3A_1] : memref<1x296x512xbf16, #tpu.memory_space<vmem>>, vector<1x296x512xbf16>
    %get3A_3 = arith.constant 0 : index
    %get3A_4 = arith.constant 0 : index
    %get3A_5 = arith.constant 0 : index
    %get3A_6 = vector.load %arg2[%get3A_3, %get3A_4, %get3A_5] : memref<8x296x512xbf16, #tpu.memory_space<vmem>>, vector<8x296x512xbf16>
    %get3A_7 = arith.constant 0 : index
    %get3A_8 = arith.constant 0 : index
    %get3A_9 = arith.constant 0 : index
    %get3A_10 = vector.load %arg3[%get3A_7, %get3A_8, %get3A_9] : memref<1x296x512xbf16, #tpu.memory_space<vmem>>, vector<1x296x512xbf16>
    %eq3A = arith.constant 0 : i32
    %eq3A_11 = arith.cmpi eq, %arg0, %eq3A : i32
    %broadcast_in_dim3A = arith.constant 0.000000e+00 : bf16
    %broadcast_in_dim3A_12 = vector.broadcast %broadcast_in_dim3A : bf16 to vector<1x296x512xbf16>
    %select_n3A = arith.select %eq3A_11, %broadcast_in_dim3A_12, %get3A_2 : vector<1x296x512xbf16>
    %eq3A_13 = arith.constant 36 : i32
    %eq3A_14 = arith.cmpi eq, %arg0, %eq3A_13 : i32
    %broadcast_in_dim3A_15 = arith.constant 0.000000e+00 : bf16
    %broadcast_in_dim3A_16 = vector.broadcast %broadcast_in_dim3A_15 : bf16 to vector<1x296x512xbf16>
    %select_n3A_17 = arith.select %eq3A_14, %broadcast_in_dim3A_16, %get3A_10 : vector<1x296x512xbf16>
    %concatenate3A = tpu.concatenate %select_n3A, %get3A_6, %select_n3A_17 in 0 : vector<1x296x512xbf16>, vector<8x296x512xbf16>, vector<1x296x512xbf16> -> vector<10x296x512xbf16>
    %broadcast_in_dim3A_18 = arith.constant 0.000000e+00 : bf16
    %broadcast_in_dim3A_19 = vector.broadcast %broadcast_in_dim3A_18 : bf16 to vector<10x1x512xbf16>
    %concatenate3A_20 = tpu.concatenate %broadcast_in_dim3A_19, %concatenate3A, %broadcast_in_dim3A_19 in 1 : vector<10x1x512xbf16>, vector<10x296x512xbf16>, vector<10x1x512xbf16> -> vector<10x298x512xbf16>
    %slice3A = vector.extract_strided_slice %concatenate3A_20 {offsets = [0, 0, 0], sizes = [10, 296, 512], strides = [1, 1, 1]} : vector<10x298x512xbf16> to vector<10x296x512xbf16>
    %slice3A_21 = vector.extract_strided_slice %slice3A {offsets = [0, 0, 0], sizes = [8, 296, 512], strides = [1, 1, 1]} : vector<10x296x512xbf16> to vector<8x296x512xbf16>
    %reshape3A = vector.shape_cast %slice3A_21 : vector<8x296x512xbf16> to vector<2368x512xbf16>
    %get3A_22 = arith.constant 0 : index
    %get3A_23 = arith.constant 0 : index
    %get3A_24 = arith.constant 0 : index
    %get3A_25 = arith.constant 0 : index
    %get3A_26 = vector.load %arg4[%get3A_22, %get3A_23, %get3A_24, %get3A_25] : memref<3x3x512x512xbf16, #tpu.memory_space<vmem>>, vector<1x1x512x512xbf16>
    %get3A_27 = vector.shape_cast %get3A_26 : vector<1x1x512x512xbf16> to vector<512x512xbf16>
    %dot_general3A = arith.constant dense<0.000000e+00> : vector<2368x512xf32>
    %dot_general3A_28 = tpu.matmul %reshape3A, %get3A_27, %dot_general3A {dimension_numbers = #tpu.dot_dimension_numbers<[1], [0], [0], [1], [0, 0, 1, 1], [], []>, transpose_lhs_hint = false} : vector<2368x512xbf16>, vector<512x512xbf16>, vector<2368x512xf32> -> vector<2368x512xf32>
    %swap3A = arith.constant 0 : index
    %swap3A_29 = arith.constant 0 : index
    %swap3A_30 = vector.load %arg8[%swap3A, %swap3A_29] : memref<2368x512xf32, #tpu.memory_space<vmem>>, vector<2368x512xf32>
    tpu.vector_store %arg8[%swap3A, %swap3A_29], %dot_general3A_28 {strides = array<i32>} : memref<2368x512xf32, #tpu.memory_space<vmem>>, vector<2368x512xf32>,
    %slice3A_31 = vector.extract_strided_slice %slice3A {offsets = [1, 0, 0], sizes = [8, 296, 512], strides = [1, 1, 1]} : vector<10x296x512xbf16> to vector<8x296x512xbf16>
    %reshape3A_32 = vector.shape_cast %slice3A_31 : vector<8x296x512xbf16> to vector<2368x512xbf16>
    %get3A_33 = arith.constant 1 : index
    %get3A_34 = arith.constant 0 : index
    %get3A_35 = arith.constant 0 : index
    %get3A_36 = arith.constant 0 : index
    %get3A_37 = vector.load %arg4[%get3A_33, %get3A_34, %get3A_35, %get3A_36] : memref<3x3x512x512xbf16, #tpu.memory_space<vmem>>, vector<1x1x512x512xbf16>
    %get3A_38 = vector.shape_cast %get3A_37 : vector<1x1x512x512xbf16> to vector<512x512xbf16>
    %dot_general3A_39 = arith.constant dense<0.000000e+00> : vector<2368x512xf32>
    %dot_general3A_40 = tpu.matmul %reshape3A_32, %get3A_38, %dot_general3A_39 {dimension_numbers = #tpu.dot_dimension_numbers<[1], [0], [0], [1], [0, 0, 1, 1], [], []>, transpose_lhs_hint = false} : vector<2368x512xbf16>, vector<512x512xbf16>, vector<2368x512xf32> -> vector<2368x512xf32>
    %get3A_41 = arith.constant 0 : index
    %get3A_42 = arith.constant 0 : index
    %get3A_43 = vector.load %arg8[%get3A_41, %get3A_42] : memref<2368x512xf32, #tpu.memory_space<vmem>>, vector<2368x512xf32>
    %add3A = arith.addf %get3A_43, %dot_general3A_40 : vector<2368x512xf32>
    %swap3A_44 = arith.constant 0 : index
    %swap3A_45 = arith.constant 0 : index
    %swap3A_46 = vector.load %arg8[%swap3A_44, %swap3A_45] : memref<2368x512xf32, #tpu.memory_space<vmem>>, vector<2368x512xf32>
    tpu.vector_store %arg8[%swap3A_44, %swap3A_45], %add3A {strides = array<i32>} : memref<2368x512xf32, #tpu.memory_space<vmem>>, vector<2368x512xf32>,
    %slice3A_47 = vector.extract_strided_slice %slice3A {offsets = [2, 0, 0], sizes = [8, 296, 512], strides = [1, 1, 1]} : vector<10x296x512xbf16> to vector<8x296x512xbf16>
    %reshape3A_48 = vector.shape_cast %slice3A_47 : vector<8x296x512xbf16> to vector<2368x512xbf16>
    %get3A_49 = arith.constant 2 : index
    %get3A_50 = arith.constant 0 : index
    %get3A_51 = arith.constant 0 : index
    %get3A_52 = arith.constant 0 : index
    %get3A_53 = vector.load %arg4[%get3A_49, %get3A_50, %get3A_51, %get3A_52] : memref<3x3x512x512xbf16, #tpu.memory_space<vmem>>, vector<1x1x512x512xbf16>
    %get3A_54 = vector.shape_cast %get3A_53 : vector<1x1x512x512xbf16> to vector<512x512xbf16>
    %dot_general3A_55 = arith.constant dense<0.000000e+00> : vector<2368x512xf32>
    %dot_general3A_56 = tpu.matmul %reshape3A_48, %get3A_54, %dot_general3A_55 {dimension_numbers = #tpu.dot_dimension_numbers<[1], [0], [0], [1], [0, 0, 1, 1], [], []>, transpose_lhs_hint = false} : vector<2368x512xbf16>, vector<512x512xbf16>, vector<2368x512xf32> -> vector<2368x512xf32>
    %get3A_57 = arith.constant 0 : index
    %get3A_58 = arith.constant 0 : index
    %get3A_59 = vector.load %arg8[%get3A_57, %get3A_58] : memref<2368x512xf32, #tpu.memory_space<vmem>>, vector<2368x512xf32>
    %add3A_60 = arith.addf %get3A_59, %dot_general3A_56 : vector<2368x512xf32>
    %swap3A_61 = arith.constant 0 : index
    %swap3A_62 = arith.constant 0 : index
    %swap3A_63 = vector.load %arg8[%swap3A_61, %swap3A_62] : memref<2368x512xf32, #tpu.memory_space<vmem>>, vector<2368x512xf32>
    tpu.vector_store %arg8[%swap3A_61, %swap3A_62], %add3A_60 {strides = array<i32>} : memref<2368x512xf32, #tpu.memory_space<vmem>>, vector<2368x512xf32>,
    %slice3A_64 = vector.extract_strided_slice %concatenate3A_20 {offsets = [0, 1, 0], sizes = [10, 296, 512], strides = [1, 1, 1]} : vector<10x298x512xbf16> to vector<10x296x512xbf16>
    %slice3A_65 = vector.extract_strided_slice %slice3A_64 {offsets = [0, 0, 0], sizes = [8, 296, 512], strides = [1, 1, 1]} : vector<10x296x512xbf16> to vector<8x296x512xbf16>
    %reshape3A_66 = vector.shape_cast %slice3A_65 : vector<8x296x512xbf16> to vector<2368x512xbf16>
    %get3A_67 = arith.constant 0 : index
    %get3A_68 = arith.constant 1 : index
    %get3A_69 = arith.constant 0 : index
    %get3A_70 = arith.constant 0 : index
    %get3A_71 = vector.load %arg4[%get3A_67, %get3A_68, %get3A_69, %get3A_70] : memref<3x3x512x512xbf16, #tpu.memory_space<vmem>>, vector<1x1x512x512xbf16>
    %get3A_72 = vector.shape_cast %get3A_71 : vector<1x1x512x512xbf16> to vector<512x512xbf16>
    %dot_general3A_73 = arith.constant dense<0.000000e+00> : vector<2368x512xf32>
    %dot_general3A_74 = tpu.matmul %reshape3A_66, %get3A_72, %dot_general3A_73 {dimension_numbers = #tpu.dot_dimension_numbers<[1], [0], [0], [1], [0, 0, 1, 1], [], []>, transpose_lhs_hint = false} : vector<2368x512xbf16>, vector<512x512xbf16>, vector<2368x512xf32> -> vector<2368x512xf32>
    %get3A_75 = arith.constant 0 : index
    %get3A_76 = arith.constant 0 : index
    %get3A_77 = vector.load %arg8[%get3A_75, %get3A_76] : memref<2368x512xf32, #tpu.memory_space<vmem>>, vector<2368x512xf32>
    %add3A_78 = arith.addf %get3A_77, %dot_general3A_74 : vector<2368x512xf32>
    %swap3A_79 = arith.constant 0 : index
    %swap3A_80 = arith.constant 0 : index
    %swap3A_81 = vector.load %arg8[%swap3A_79, %swap3A_80] : memref<2368x512xf32, #tpu.memory_space<vmem>>, vector<2368x512xf32>
    tpu.vector_store %arg8[%swap3A_79, %swap3A_80], %add3A_78 {strides = array<i32>} : memref<2368x512xf32, #tpu.memory_space<vmem>>, vector<2368x512xf32>,
    %slice3A_82 = vector.extract_strided_slice %slice3A_64 {offsets = [1, 0, 0], sizes = [8, 296, 512], strides = [1, 1, 1]} : vector<10x296x512xbf16> to vector<8x296x512xbf16>
    %reshape3A_83 = vector.shape_cast %slice3A_82 : vector<8x296x512xbf16> to vector<2368x512xbf16>
    %get3A_84 = arith.constant 1 : index
    %get3A_85 = arith.constant 1 : index
    %get3A_86 = arith.constant 0 : index
    %get3A_87 = arith.constant 0 : index
    %get3A_88 = vector.load %arg4[%get3A_84, %get3A_85, %get3A_86, %get3A_87] : memref<3x3x512x512xbf16, #tpu.memory_space<vmem>>, vector<1x1x512x512xbf16>
    %get3A_89 = vector.shape_cast %get3A_88 : vector<1x1x512x512xbf16> to vector<512x512xbf16>
    %dot_general3A_90 = arith.constant dense<0.000000e+00> : vector<2368x512xf32>
    %dot_general3A_91 = tpu.matmul %reshape3A_83, %get3A_89, %dot_general3A_90 {dimension_numbers = #tpu.dot_dimension_numbers<[1], [0], [0], [1], [0, 0, 1, 1], [], []>, transpose_lhs_hint = false} : vector<2368x512xbf16>, vector<512x512xbf16>, vector<2368x512xf32> -> vector<2368x512xf32>
    %get3A_92 = arith.constant 0 : index
    %get3A_93 = arith.constant 0 : index
    %get3A_94 = vector.load %arg8[%get3A_92, %get3A_93] : memref<2368x512xf32, #tpu.memory_space<vmem>>, vector<2368x512xf32>
    %add3A_95 = arith.addf %get3A_94, %dot_general3A_91 : vector<2368x512xf32>
    %swap3A_96 = arith.constant 0 : index
    %swap3A_97 = arith.constant 0 : index
    %swap3A_98 = vector.load %arg8[%swap3A_96, %swap3A_97] : memref<2368x512xf32, #tpu.memory_space<vmem>>, vector<2368x512xf32>
    tpu.vector_store %arg8[%swap3A_96, %swap3A_97], %add3A_95 {strides = array<i32>} : memref<2368x512xf32, #tpu.memory_space<vmem>>, vector<2368x512xf32>,
    %slice3A_99 = vector.extract_strided_slice %slice3A_64 {offsets = [2, 0, 0], sizes = [8, 296, 512], strides = [1, 1, 1]} : vector<10x296x512xbf16> to vector<8x296x512xbf16>
    %reshape3A_100 = vector.shape_cast %slice3A_99 : vector<8x296x512xbf16> to vector<2368x512xbf16>
    %get3A_101 = arith.constant 2 : index
    %get3A_102 = arith.constant 1 : index
    %get3A_103 = arith.constant 0 : index
    %get3A_104 = arith.constant 0 : index
    %get3A_105 = vector.load %arg4[%get3A_101, %get3A_102, %get3A_103, %get3A_104] : memref<3x3x512x512xbf16, #tpu.memory_space<vmem>>, vector<1x1x512x512xbf16>
    %get3A_106 = vector.shape_cast %get3A_105 : vector<1x1x512x512xbf16> to vector<512x512xbf16>
    %dot_general3A_107 = arith.constant dense<0.000000e+00> : vector<2368x512xf32>
    %dot_general3A_108 = tpu.matmul %reshape3A_100, %get3A_106, %dot_general3A_107 {dimension_numbers = #tpu.dot_dimension_numbers<[1], [0], [0], [1], [0, 0, 1, 1], [], []>, transpose_lhs_hint = false} : vector<2368x512xbf16>, vector<512x512xbf16>, vector<2368x512xf32> -> vector<2368x512xf32>
    %get3A_109 = arith.constant 0 : index
    %get3A_110 = arith.constant 0 : index
    %get3A_111 = vector.load %arg8[%get3A_109, %get3A_110] : memref<2368x512xf32, #tpu.memory_space<vmem>>, vector<2368x512xf32>
    %add3A_112 = arith.addf %get3A_111, %dot_general3A_108 : vector<2368x512xf32>
    %swap3A_113 = arith.constant 0 : index
    %swap3A_114 = arith.constant 0 : index
    %swap3A_115 = vector.load %arg8[%swap3A_113, %swap3A_114] : memref<2368x512xf32, #tpu.memory_space<vmem>>, vector<2368x512xf32>
    tpu.vector_store %arg8[%swap3A_113, %swap3A_114], %add3A_112 {strides = array<i32>} : memref<2368x512xf32, #tpu.memory_space<vmem>>, vector<2368x512xf32>,
    %slice3A_116 = vector.extract_strided_slice %concatenate3A_20 {offsets = [0, 2, 0], sizes = [10, 296, 512], strides = [1, 1, 1]} : vector<10x298x512xbf16> to vector<10x296x512xbf16>
    %slice3A_117 = vector.extract_strided_slice %slice3A_116 {offsets = [0, 0, 0], sizes = [8, 296, 512], strides = [1, 1, 1]} : vector<10x296x512xbf16> to vector<8x296x512xbf16>
    %reshape3A_118 = vector.shape_cast %slice3A_117 : vector<8x296x512xbf16> to vector<2368x512xbf16>
    %get3A_119 = arith.constant 0 : index
    %get3A_120 = arith.constant 2 : index
    %get3A_121 = arith.constant 0 : index
    %get3A_122 = arith.constant 0 : index
    %get3A_123 = vector.load %arg4[%get3A_119, %get3A_120, %get3A_121, %get3A_122] : memref<3x3x512x512xbf16, #tpu.memory_space<vmem>>, vector<1x1x512x512xbf16>
    %get3A_124 = vector.shape_cast %get3A_123 : vector<1x1x512x512xbf16> to vector<512x512xbf16>
    %dot_general3A_125 = arith.constant dense<0.000000e+00> : vector<2368x512xf32>
    %dot_general3A_126 = tpu.matmul %reshape3A_118, %get3A_124, %dot_general3A_125 {dimension_numbers = #tpu.dot_dimension_numbers<[1], [0], [0], [1], [0, 0, 1, 1], [], []>, transpose_lhs_hint = false} : vector<2368x512xbf16>, vector<512x512xbf16>, vector<2368x512xf32> -> vector<2368x512xf32>
    %get3A_127 = arith.constant 0 : index
    %get3A_128 = arith.constant 0 : index
    %get3A_129 = vector.load %arg8[%get3A_127, %get3A_128] : memref<2368x512xf32, #tpu.memory_space<vmem>>, vector<2368x512xf32>
    %add3A_130 = arith.addf %get3A_129, %dot_general3A_126 : vector<2368x512xf32>
    %swap3A_131 = arith.constant 0 : index
    %swap3A_132 = arith.constant 0 : index
    %swap3A_133 = vector.load %arg8[%swap3A_131, %swap3A_132] : memref<2368x512xf32, #tpu.memory_space<vmem>>, vector<2368x512xf32>
    tpu.vector_store %arg8[%swap3A_131, %swap3A_132], %add3A_130 {strides = array<i32>} : memref<2368x512xf32, #tpu.memory_space<vmem>>, vector<2368x512xf32>,
    %slice3A_134 = vector.extract_strided_slice %slice3A_116 {offsets = [1, 0, 0], sizes = [8, 296, 512], strides = [1, 1, 1]} : vector<10x296x512xbf16> to vector<8x296x512xbf16>
    %reshape3A_135 = vector.shape_cast %slice3A_134 : vector<8x296x512xbf16> to vector<2368x512xbf16>
    %get3A_136 = arith.constant 1 : index
    %get3A_137 = arith.constant 2 : index
    %get3A_138 = arith.constant 0 : index
    %get3A_139 = arith.constant 0 : index
    %get3A_140 = vector.load %arg4[%get3A_136, %get3A_137, %get3A_138, %get3A_139] : memref<3x3x512x512xbf16, #tpu.memory_space<vmem>>, vector<1x1x512x512xbf16>
    %get3A_141 = vector.shape_cast %get3A_140 : vector<1x1x512x512xbf16> to vector<512x512xbf16>
    %dot_general3A_142 = arith.constant dense<0.000000e+00> : vector<2368x512xf32>
    %dot_general3A_143 = tpu.matmul %reshape3A_135, %get3A_141, %dot_general3A_142 {dimension_numbers = #tpu.dot_dimension_numbers<[1], [0], [0], [1], [0, 0, 1, 1], [], []>, transpose_lhs_hint = false} : vector<2368x512xbf16>, vector<512x512xbf16>, vector<2368x512xf32> -> vector<2368x512xf32>
    %get3A_144 = arith.constant 0 : index
    %get3A_145 = arith.constant 0 : index
    %get3A_146 = vector.load %arg8[%get3A_144, %get3A_145] : memref<2368x512xf32, #tpu.memory_space<vmem>>, vector<2368x512xf32>
    %add3A_147 = arith.addf %get3A_146, %dot_general3A_143 : vector<2368x512xf32>
    %swap3A_148 = arith.constant 0 : index
    %swap3A_149 = arith.constant 0 : index
    %swap3A_150 = vector.load %arg8[%swap3A_148, %swap3A_149] : memref<2368x512xf32, #tpu.memory_space<vmem>>, vector<2368x512xf32>
    tpu.vector_store %arg8[%swap3A_148, %swap3A_149], %add3A_147 {strides = array<i32>} : memref<2368x512xf32, #tpu.memory_space<vmem>>, vector<2368x512xf32>,
    %slice3A_151 = vector.extract_strided_slice %slice3A_116 {offsets = [2, 0, 0], sizes = [8, 296, 512], strides = [1, 1, 1]} : vector<10x296x512xbf16> to vector<8x296x512xbf16>
    %reshape3A_152 = vector.shape_cast %slice3A_151 : vector<8x296x512xbf16> to vector<2368x512xbf16>
    %get3A_153 = arith.constant 2 : index
    %get3A_154 = arith.constant 2 : index
    %get3A_155 = arith.constant 0 : index
    %get3A_156 = arith.constant 0 : index
    %get3A_157 = vector.load %arg4[%get3A_153, %get3A_154, %get3A_155, %get3A_156] : memref<3x3x512x512xbf16, #tpu.memory_space<vmem>>, vector<1x1x512x512xbf16>
    %get3A_158 = vector.shape_cast %get3A_157 : vector<1x1x512x512xbf16> to vector<512x512xbf16>
    %dot_general3A_159 = arith.constant dense<0.000000e+00> : vector<2368x512xf32>
    %dot_general3A_160 = tpu.matmul %reshape3A_152, %get3A_158, %dot_general3A_159 {dimension_numbers = #tpu.dot_dimension_numbers<[1], [0], [0], [1], [0, 0, 1, 1], [], []>, transpose_lhs_hint = false} : vector<2368x512xbf16>, vector<512x512xbf16>, vector<2368x512xf32> -> vector<2368x512xf32>
    %get3A_161 = arith.constant 0 : index
    %get3A_162 = arith.constant 0 : index
    %get3A_163 = vector.load %arg8[%get3A_161, %get3A_162] : memref<2368x512xf32, #tpu.memory_space<vmem>>, vector<2368x512xf32>
    %add3A_164 = arith.addf %get3A_163, %dot_general3A_160 : vector<2368x512xf32>
    %swap3A_165 = arith.constant 0 : index
    %swap3A_166 = arith.constant 0 : index
    %swap3A_167 = vector.load %arg8[%swap3A_165, %swap3A_166] : memref<2368x512xf32, #tpu.memory_space<vmem>>, vector<2368x512xf32>
    tpu.vector_store %arg8[%swap3A_165, %swap3A_166], %add3A_164 {strides = array<i32>} : memref<2368x512xf32, #tpu.memory_space<vmem>>, vector<2368x512xf32>,
    %get3A_168 = arith.constant 0 : index
    %get3A_169 = arith.constant 0 : index
    %get3A_170 = vector.load %arg8[%get3A_168, %get3A_169] : memref<2368x512xf32, #tpu.memory_space<vmem>>, vector<2368x512xf32>
    %get3A_171 = arith.constant 0 : index
    %get3A_172 = vector.load %arg5[%get3A_171] : memref<512xf32, #tpu.memory_space<vmem>>, vector<512xf32>
    %broadcast_in_dim3A_173 = vector.shape_cast %get3A_172 : vector<512xf32> to vector<1x512xf32>
    %mul3A = vector.broadcast %broadcast_in_dim3A_173 : vector<1x512xf32> to vector<2368x512xf32>
    %mul3A_174 = arith.mulf %get3A_170, %mul3A : vector<2368x512xf32>
    %get3A_175 = arith.constant 0 : index
    %get3A_176 = vector.load %arg6[%get3A_175] : memref<512xf32, #tpu.memory_space<vmem>>, vector<512xf32>
    %broadcast_in_dim3A_177 = vector.shape_cast %get3A_176 : vector<512xf32> to vector<1x512xf32>
    %add3A_178 = vector.broadcast %broadcast_in_dim3A_177 : vector<1x512xf32> to vector<2368x512xf32>
    %add3A_179 = arith.addf %mul3A_174, %add3A_178 : vector<2368x512xf32>
    %max3A = arith.constant 0.000000e+00 : f32
    %max3A_180 = vector.broadcast %max3A : f32 to vector<2368x512xf32>
    %max3A_181 = arith.maximumf %add3A_179, %max3A_180 : vector<2368x512xf32>
    %reshape3A_182 = vector.shape_cast %max3A_181 : vector<2368x512xf32> to vector<8x296x512xf32>
    %convert_element_type3A = arith.truncf %reshape3A_182 : vector<8x296x512xf32> to vector<8x296x512xbf16>
    %swap3A_183 = arith.constant 0 : index
    %swap3A_184 = arith.constant 0 : index
    %swap3A_185 = arith.constant 0 : index
    %swap3A_186 = vector.load %arg7[%swap3A_183, %swap3A_184, %swap3A_185] : memref<8x296x512xbf16, #tpu.memory_space<vmem>>, vector<8x296x512xbf16>
    tpu.vector_store %arg7[%swap3A_183, %swap3A_184, %swap3A_185], %convert_element_type3A {strides = array<i32>} : memref<8x296x512xbf16, #tpu.memory_space<vmem>>, vector<8x296x512xbf16>,
    return
  }
  func.func @transform_0(%arg0: i32) -> (i32, i32, i32) {
    %mul3A = arith.constant 8 : i32
    %mul3A_0 = arith.muli %arg0, %mul3A : i32
    %sub3A = arith.constant 1 : i32
    %sub3A_1 = arith.subi %mul3A_0, %sub3A : i32
    %max3A = arith.constant 0 : i32
    %max3A_2 = arith.maxsi %sub3A_1, %max3A : i32
    %c0_i32 = arith.constant 0 : i32
    %c0_i32_3 = arith.constant 0 : i32
    %c0_i32_4 = arith.constant 0 : i32
    return %max3A_2, %c0_i32, %c0_i32_3 : i32, i32, i32
  }
  func.func @transform_1(%arg0: i32) -> (i32, i32, i32) {
    %c0_i32 = arith.constant 0 : i32
    %c0_i32_0 = arith.constant 0 : i32
    %c0_i32_1 = arith.constant 0 : i32
    return %arg0, %c0_i32, %c0_i32_0 : i32, i32, i32
  }
  func.func @transform_2(%arg0: i32) -> (i32, i32, i32) {
    %mul3A = arith.constant 8 : i32
    %mul3A_0 = arith.muli %arg0, %mul3A : i32
    %add3A = arith.constant 8 : i32
    %add3A_1 = arith.addi %mul3A_0, %add3A : i32
    %min3A = arith.constant 295 : i32
    %min3A_2 = arith.minsi %add3A_1, %min3A : i32
    %c0_i32 = arith.constant 0 : i32
    %c0_i32_3 = arith.constant 0 : i32
    %c0_i32_4 = arith.constant 0 : i32
    return %min3A_2, %c0_i32, %c0_i32_3 : i32, i32, i32
  }
  func.func @transform_3(%arg0: i32) -> (i32, i32, i32, i32) {
    %c0_i32 = arith.constant 0 : i32
    %c0_i32_0 = arith.constant 0 : i32
    %c0_i32_1 = arith.constant 0 : i32
    %c0_i32_2 = arith.constant 0 : i32
    %c0_i32_3 = arith.constant 0 : i32
    return %c0_i32, %c0_i32_0, %c0_i32_1, %c0_i32_2 : i32, i32, i32, i32
  }
  func.func @transform_4(%arg0: i32) -> i32 {
    %c0_i32 = arith.constant 0 : i32
    %c0_i32_0 = arith.constant 0 : i32
    return %c0_i32 : i32
  }
  func.func @transform_5(%arg0: i32) -> i32 {
    %c0_i32 = arith.constant 0 : i32
    %c0_i32_0 = arith.constant 0 : i32
    return %c0_i32 : i32
  }
  func.func @transform_6(%arg0: i32) -> (i32, i32, i32) {
    %c0_i32 = arith.constant 0 : i32
    %c0_i32_0 = arith.constant 0 : i32
    %c0_i32_1 = arith.constant 0 : i32
    return %arg0, %c0_i32, %c0_i32_0 : i32, i32, i32
  }
}

module attributes {stable_mosaic.version = 14 : i64} {
  func.func @body(%arg0: i32, %arg1: memref<1x296x512xbf16, #tpu.memory_space<vmem>>, %arg2: memref<8x296x512xbf16, #tpu.memory_space<vmem>>, %arg3: memref<1x296x512xbf16, #tpu.memory_space<vmem>>, %arg4: memref<3x3x512x256xbf16, #tpu.memory_space<vmem>>, %arg5: memref<256xf32, #tpu.memory_space<vmem>>, %arg6: memref<256xf32, #tpu.memory_space<vmem>>, %arg7: memref<8x296x256xbf16, #tpu.memory_space<vmem>>, %arg8: memref<2368x256xf32, #tpu.memory_space<vmem>>) attributes {dimension_semantics = [#tpu.dimension_semantics<arbitrary>], iteration_bounds = array<i64: 37>, scalar_prefetch = 0 : i64, scratch_operands = 1 : i64, tpu.core_type = #tpu.core_type<tc>, window_params = [{transform_indices = @transform_0, window_bounds = array<i64: 1, 296, 512>}, {transform_indices = @transform_1, window_bounds = array<i64: 8, 296, 512>}, {transform_indices = @transform_2, window_bounds = array<i64: 1, 296, 512>}, {pipeline_mode = #tpu.pipeline_mode<synchronous>, transform_indices = @transform_3, window_bounds = array<i64: 3, 3, 512, 256>}, {pipeline_mode = #tpu.pipeline_mode<synchronous>, transform_indices = @transform_4, window_bounds = array<i64: 256>}, {pipeline_mode = #tpu.pipeline_mode<synchronous>, transform_indices = @transform_5, window_bounds = array<i64: 256>}, {transform_indices = @transform_6, window_bounds = array<i64: 8, 296, 256>}]} {
    %get3A = arith.constant 0 : index
    %get3A_0 = arith.constant 0 : index
    %get3A_1 = arith.constant 0 : index
    %get3A_2 = vector.load %arg1[%get3A, %get3A_0, %get3A_1] : memref<1x296x512xbf16, #tpu.memory_space<vmem>>, vector<1x296x512xbf16>
    %get3A_3 = arith.constant 0 : index
    %get3A_4 = arith.constant 0 : index
    %get3A_5 = arith.constant 0 : index
    %get3A_6 = vector.load %arg2[%get3A_3, %get3A_4, %get3A_5] : memref<8x296x512xbf16, #tpu.memory_space<vmem>>, vector<8x296x512xbf16>
    %get3A_7 = arith.constant 0 : index
    %get3A_8 = arith.constant 0 : index
    %get3A_9 = arith.constant 0 : index
    %get3A_10 = vector.load %arg3[%get3A_7, %get3A_8, %get3A_9] : memref<1x296x512xbf16, #tpu.memory_space<vmem>>, vector<1x296x512xbf16>
    %eq3A = arith.constant 0 : i32
    %eq3A_11 = arith.cmpi eq, %arg0, %eq3A : i32
    %broadcast_in_dim3A = arith.constant 0.000000e+00 : bf16
    %broadcast_in_dim3A_12 = vector.broadcast %broadcast_in_dim3A : bf16 to vector<1x296x512xbf16>
    %select_n3A = arith.select %eq3A_11, %broadcast_in_dim3A_12, %get3A_2 : vector<1x296x512xbf16>
    %eq3A_13 = arith.constant 36 : i32
    %eq3A_14 = arith.cmpi eq, %arg0, %eq3A_13 : i32
    %broadcast_in_dim3A_15 = arith.constant 0.000000e+00 : bf16
    %broadcast_in_dim3A_16 = vector.broadcast %broadcast_in_dim3A_15 : bf16 to vector<1x296x512xbf16>
    %select_n3A_17 = arith.select %eq3A_14, %broadcast_in_dim3A_16, %get3A_10 : vector<1x296x512xbf16>
    %concatenate3A = tpu.concatenate %select_n3A, %get3A_6, %select_n3A_17 in 0 : vector<1x296x512xbf16>, vector<8x296x512xbf16>, vector<1x296x512xbf16> -> vector<10x296x512xbf16>
    %broadcast_in_dim3A_18 = arith.constant 0.000000e+00 : bf16
    %broadcast_in_dim3A_19 = vector.broadcast %broadcast_in_dim3A_18 : bf16 to vector<10x1x512xbf16>
    %concatenate3A_20 = tpu.concatenate %broadcast_in_dim3A_19, %concatenate3A, %broadcast_in_dim3A_19 in 1 : vector<10x1x512xbf16>, vector<10x296x512xbf16>, vector<10x1x512xbf16> -> vector<10x298x512xbf16>
    %slice3A = vector.extract_strided_slice %concatenate3A_20 {offsets = [0, 0, 0], sizes = [10, 296, 512], strides = [1, 1, 1]} : vector<10x298x512xbf16> to vector<10x296x512xbf16>
    %slice3A_21 = vector.extract_strided_slice %slice3A {offsets = [0, 0, 0], sizes = [8, 296, 512], strides = [1, 1, 1]} : vector<10x296x512xbf16> to vector<8x296x512xbf16>
    %reshape3A = vector.shape_cast %slice3A_21 : vector<8x296x512xbf16> to vector<2368x512xbf16>
    %get3A_22 = arith.constant 0 : index
    %get3A_23 = arith.constant 0 : index
    %get3A_24 = arith.constant 0 : index
    %get3A_25 = arith.constant 0 : index
    %get3A_26 = vector.load %arg4[%get3A_22, %get3A_23, %get3A_24, %get3A_25] : memref<3x3x512x256xbf16, #tpu.memory_space<vmem>>, vector<1x1x512x256xbf16>
    %get3A_27 = vector.shape_cast %get3A_26 : vector<1x1x512x256xbf16> to vector<512x256xbf16>
    %dot_general3A = arith.constant dense<0.000000e+00> : vector<2368x256xf32>
    %dot_general3A_28 = tpu.matmul %reshape3A, %get3A_27, %dot_general3A {dimension_numbers = #tpu.dot_dimension_numbers<[1], [0], [0], [1], [0, 0, 1, 1], [], []>, transpose_lhs_hint = false} : vector<2368x512xbf16>, vector<512x256xbf16>, vector<2368x256xf32> -> vector<2368x256xf32>
    %swap3A = arith.constant 0 : index
    %swap3A_29 = arith.constant 0 : index
    %swap3A_30 = vector.load %arg8[%swap3A, %swap3A_29] : memref<2368x256xf32, #tpu.memory_space<vmem>>, vector<2368x256xf32>
    tpu.vector_store %arg8[%swap3A, %swap3A_29], %dot_general3A_28 {strides = array<i32>} : memref<2368x256xf32, #tpu.memory_space<vmem>>, vector<2368x256xf32>,
    %slice3A_31 = vector.extract_strided_slice %slice3A {offsets = [1, 0, 0], sizes = [8, 296, 512], strides = [1, 1, 1]} : vector<10x296x512xbf16> to vector<8x296x512xbf16>
    %reshape3A_32 = vector.shape_cast %slice3A_31 : vector<8x296x512xbf16> to vector<2368x512xbf16>
    %get3A_33 = arith.constant 1 : index
    %get3A_34 = arith.constant 0 : index
    %get3A_35 = arith.constant 0 : index
    %get3A_36 = arith.constant 0 : index
    %get3A_37 = vector.load %arg4[%get3A_33, %get3A_34, %get3A_35, %get3A_36] : memref<3x3x512x256xbf16, #tpu.memory_space<vmem>>, vector<1x1x512x256xbf16>
    %get3A_38 = vector.shape_cast %get3A_37 : vector<1x1x512x256xbf16> to vector<512x256xbf16>
    %dot_general3A_39 = arith.constant dense<0.000000e+00> : vector<2368x256xf32>
    %dot_general3A_40 = tpu.matmul %reshape3A_32, %get3A_38, %dot_general3A_39 {dimension_numbers = #tpu.dot_dimension_numbers<[1], [0], [0], [1], [0, 0, 1, 1], [], []>, transpose_lhs_hint = false} : vector<2368x512xbf16>, vector<512x256xbf16>, vector<2368x256xf32> -> vector<2368x256xf32>
    %get3A_41 = arith.constant 0 : index
    %get3A_42 = arith.constant 0 : index
    %get3A_43 = vector.load %arg8[%get3A_41, %get3A_42] : memref<2368x256xf32, #tpu.memory_space<vmem>>, vector<2368x256xf32>
    %add3A = arith.addf %get3A_43, %dot_general3A_40 : vector<2368x256xf32>
    %swap3A_44 = arith.constant 0 : index
    %swap3A_45 = arith.constant 0 : index
    %swap3A_46 = vector.load %arg8[%swap3A_44, %swap3A_45] : memref<2368x256xf32, #tpu.memory_space<vmem>>, vector<2368x256xf32>
    tpu.vector_store %arg8[%swap3A_44, %swap3A_45], %add3A {strides = array<i32>} : memref<2368x256xf32, #tpu.memory_space<vmem>>, vector<2368x256xf32>,
    %slice3A_47 = vector.extract_strided_slice %slice3A {offsets = [2, 0, 0], sizes = [8, 296, 512], strides = [1, 1, 1]} : vector<10x296x512xbf16> to vector<8x296x512xbf16>
    %reshape3A_48 = vector.shape_cast %slice3A_47 : vector<8x296x512xbf16> to vector<2368x512xbf16>
    %get3A_49 = arith.constant 2 : index
    %get3A_50 = arith.constant 0 : index
    %get3A_51 = arith.constant 0 : index
    %get3A_52 = arith.constant 0 : index
    %get3A_53 = vector.load %arg4[%get3A_49, %get3A_50, %get3A_51, %get3A_52] : memref<3x3x512x256xbf16, #tpu.memory_space<vmem>>, vector<1x1x512x256xbf16>
    %get3A_54 = vector.shape_cast %get3A_53 : vector<1x1x512x256xbf16> to vector<512x256xbf16>
    %dot_general3A_55 = arith.constant dense<0.000000e+00> : vector<2368x256xf32>
    %dot_general3A_56 = tpu.matmul %reshape3A_48, %get3A_54, %dot_general3A_55 {dimension_numbers = #tpu.dot_dimension_numbers<[1], [0], [0], [1], [0, 0, 1, 1], [], []>, transpose_lhs_hint = false} : vector<2368x512xbf16>, vector<512x256xbf16>, vector<2368x256xf32> -> vector<2368x256xf32>
    %get3A_57 = arith.constant 0 : index
    %get3A_58 = arith.constant 0 : index
    %get3A_59 = vector.load %arg8[%get3A_57, %get3A_58] : memref<2368x256xf32, #tpu.memory_space<vmem>>, vector<2368x256xf32>
    %add3A_60 = arith.addf %get3A_59, %dot_general3A_56 : vector<2368x256xf32>
    %swap3A_61 = arith.constant 0 : index
    %swap3A_62 = arith.constant 0 : index
    %swap3A_63 = vector.load %arg8[%swap3A_61, %swap3A_62] : memref<2368x256xf32, #tpu.memory_space<vmem>>, vector<2368x256xf32>
    tpu.vector_store %arg8[%swap3A_61, %swap3A_62], %add3A_60 {strides = array<i32>} : memref<2368x256xf32, #tpu.memory_space<vmem>>, vector<2368x256xf32>,
    %slice3A_64 = vector.extract_strided_slice %concatenate3A_20 {offsets = [0, 1, 0], sizes = [10, 296, 512], strides = [1, 1, 1]} : vector<10x298x512xbf16> to vector<10x296x512xbf16>
    %slice3A_65 = vector.extract_strided_slice %slice3A_64 {offsets = [0, 0, 0], sizes = [8, 296, 512], strides = [1, 1, 1]} : vector<10x296x512xbf16> to vector<8x296x512xbf16>
    %reshape3A_66 = vector.shape_cast %slice3A_65 : vector<8x296x512xbf16> to vector<2368x512xbf16>
    %get3A_67 = arith.constant 0 : index
    %get3A_68 = arith.constant 1 : index
    %get3A_69 = arith.constant 0 : index
    %get3A_70 = arith.constant 0 : index
    %get3A_71 = vector.load %arg4[%get3A_67, %get3A_68, %get3A_69, %get3A_70] : memref<3x3x512x256xbf16, #tpu.memory_space<vmem>>, vector<1x1x512x256xbf16>
    %get3A_72 = vector.shape_cast %get3A_71 : vector<1x1x512x256xbf16> to vector<512x256xbf16>
    %dot_general3A_73 = arith.constant dense<0.000000e+00> : vector<2368x256xf32>
    %dot_general3A_74 = tpu.matmul %reshape3A_66, %get3A_72, %dot_general3A_73 {dimension_numbers = #tpu.dot_dimension_numbers<[1], [0], [0], [1], [0, 0, 1, 1], [], []>, transpose_lhs_hint = false} : vector<2368x512xbf16>, vector<512x256xbf16>, vector<2368x256xf32> -> vector<2368x256xf32>
    %get3A_75 = arith.constant 0 : index
    %get3A_76 = arith.constant 0 : index
    %get3A_77 = vector.load %arg8[%get3A_75, %get3A_76] : memref<2368x256xf32, #tpu.memory_space<vmem>>, vector<2368x256xf32>
    %add3A_78 = arith.addf %get3A_77, %dot_general3A_74 : vector<2368x256xf32>
    %swap3A_79 = arith.constant 0 : index
    %swap3A_80 = arith.constant 0 : index
    %swap3A_81 = vector.load %arg8[%swap3A_79, %swap3A_80] : memref<2368x256xf32, #tpu.memory_space<vmem>>, vector<2368x256xf32>
    tpu.vector_store %arg8[%swap3A_79, %swap3A_80], %add3A_78 {strides = array<i32>} : memref<2368x256xf32, #tpu.memory_space<vmem>>, vector<2368x256xf32>,
    %slice3A_82 = vector.extract_strided_slice %slice3A_64 {offsets = [1, 0, 0], sizes = [8, 296, 512], strides = [1, 1, 1]} : vector<10x296x512xbf16> to vector<8x296x512xbf16>
    %reshape3A_83 = vector.shape_cast %slice3A_82 : vector<8x296x512xbf16> to vector<2368x512xbf16>
    %get3A_84 = arith.constant 1 : index
    %get3A_85 = arith.constant 1 : index
    %get3A_86 = arith.constant 0 : index
    %get3A_87 = arith.constant 0 : index
    %get3A_88 = vector.load %arg4[%get3A_84, %get3A_85, %get3A_86, %get3A_87] : memref<3x3x512x256xbf16, #tpu.memory_space<vmem>>, vector<1x1x512x256xbf16>
    %get3A_89 = vector.shape_cast %get3A_88 : vector<1x1x512x256xbf16> to vector<512x256xbf16>
    %dot_general3A_90 = arith.constant dense<0.000000e+00> : vector<2368x256xf32>
    %dot_general3A_91 = tpu.matmul %reshape3A_83, %get3A_89, %dot_general3A_90 {dimension_numbers = #tpu.dot_dimension_numbers<[1], [0], [0], [1], [0, 0, 1, 1], [], []>, transpose_lhs_hint = false} : vector<2368x512xbf16>, vector<512x256xbf16>, vector<2368x256xf32> -> vector<2368x256xf32>
    %get3A_92 = arith.constant 0 : index
    %get3A_93 = arith.constant 0 : index
    %get3A_94 = vector.load %arg8[%get3A_92, %get3A_93] : memref<2368x256xf32, #tpu.memory_space<vmem>>, vector<2368x256xf32>
    %add3A_95 = arith.addf %get3A_94, %dot_general3A_91 : vector<2368x256xf32>
    %swap3A_96 = arith.constant 0 : index
    %swap3A_97 = arith.constant 0 : index
    %swap3A_98 = vector.load %arg8[%swap3A_96, %swap3A_97] : memref<2368x256xf32, #tpu.memory_space<vmem>>, vector<2368x256xf32>
    tpu.vector_store %arg8[%swap3A_96, %swap3A_97], %add3A_95 {strides = array<i32>} : memref<2368x256xf32, #tpu.memory_space<vmem>>, vector<2368x256xf32>,
    %slice3A_99 = vector.extract_strided_slice %slice3A_64 {offsets = [2, 0, 0], sizes = [8, 296, 512], strides = [1, 1, 1]} : vector<10x296x512xbf16> to vector<8x296x512xbf16>
    %reshape3A_100 = vector.shape_cast %slice3A_99 : vector<8x296x512xbf16> to vector<2368x512xbf16>
    %get3A_101 = arith.constant 2 : index
    %get3A_102 = arith.constant 1 : index
    %get3A_103 = arith.constant 0 : index
    %get3A_104 = arith.constant 0 : index
    %get3A_105 = vector.load %arg4[%get3A_101, %get3A_102, %get3A_103, %get3A_104] : memref<3x3x512x256xbf16, #tpu.memory_space<vmem>>, vector<1x1x512x256xbf16>
    %get3A_106 = vector.shape_cast %get3A_105 : vector<1x1x512x256xbf16> to vector<512x256xbf16>
    %dot_general3A_107 = arith.constant dense<0.000000e+00> : vector<2368x256xf32>
    %dot_general3A_108 = tpu.matmul %reshape3A_100, %get3A_106, %dot_general3A_107 {dimension_numbers = #tpu.dot_dimension_numbers<[1], [0], [0], [1], [0, 0, 1, 1], [], []>, transpose_lhs_hint = false} : vector<2368x512xbf16>, vector<512x256xbf16>, vector<2368x256xf32> -> vector<2368x256xf32>
    %get3A_109 = arith.constant 0 : index
    %get3A_110 = arith.constant 0 : index
    %get3A_111 = vector.load %arg8[%get3A_109, %get3A_110] : memref<2368x256xf32, #tpu.memory_space<vmem>>, vector<2368x256xf32>
    %add3A_112 = arith.addf %get3A_111, %dot_general3A_108 : vector<2368x256xf32>
    %swap3A_113 = arith.constant 0 : index
    %swap3A_114 = arith.constant 0 : index
    %swap3A_115 = vector.load %arg8[%swap3A_113, %swap3A_114] : memref<2368x256xf32, #tpu.memory_space<vmem>>, vector<2368x256xf32>
    tpu.vector_store %arg8[%swap3A_113, %swap3A_114], %add3A_112 {strides = array<i32>} : memref<2368x256xf32, #tpu.memory_space<vmem>>, vector<2368x256xf32>,
    %slice3A_116 = vector.extract_strided_slice %concatenate3A_20 {offsets = [0, 2, 0], sizes = [10, 296, 512], strides = [1, 1, 1]} : vector<10x298x512xbf16> to vector<10x296x512xbf16>
    %slice3A_117 = vector.extract_strided_slice %slice3A_116 {offsets = [0, 0, 0], sizes = [8, 296, 512], strides = [1, 1, 1]} : vector<10x296x512xbf16> to vector<8x296x512xbf16>
    %reshape3A_118 = vector.shape_cast %slice3A_117 : vector<8x296x512xbf16> to vector<2368x512xbf16>
    %get3A_119 = arith.constant 0 : index
    %get3A_120 = arith.constant 2 : index
    %get3A_121 = arith.constant 0 : index
    %get3A_122 = arith.constant 0 : index
    %get3A_123 = vector.load %arg4[%get3A_119, %get3A_120, %get3A_121, %get3A_122] : memref<3x3x512x256xbf16, #tpu.memory_space<vmem>>, vector<1x1x512x256xbf16>
    %get3A_124 = vector.shape_cast %get3A_123 : vector<1x1x512x256xbf16> to vector<512x256xbf16>
    %dot_general3A_125 = arith.constant dense<0.000000e+00> : vector<2368x256xf32>
    %dot_general3A_126 = tpu.matmul %reshape3A_118, %get3A_124, %dot_general3A_125 {dimension_numbers = #tpu.dot_dimension_numbers<[1], [0], [0], [1], [0, 0, 1, 1], [], []>, transpose_lhs_hint = false} : vector<2368x512xbf16>, vector<512x256xbf16>, vector<2368x256xf32> -> vector<2368x256xf32>
    %get3A_127 = arith.constant 0 : index
    %get3A_128 = arith.constant 0 : index
    %get3A_129 = vector.load %arg8[%get3A_127, %get3A_128] : memref<2368x256xf32, #tpu.memory_space<vmem>>, vector<2368x256xf32>
    %add3A_130 = arith.addf %get3A_129, %dot_general3A_126 : vector<2368x256xf32>
    %swap3A_131 = arith.constant 0 : index
    %swap3A_132 = arith.constant 0 : index
    %swap3A_133 = vector.load %arg8[%swap3A_131, %swap3A_132] : memref<2368x256xf32, #tpu.memory_space<vmem>>, vector<2368x256xf32>
    tpu.vector_store %arg8[%swap3A_131, %swap3A_132], %add3A_130 {strides = array<i32>} : memref<2368x256xf32, #tpu.memory_space<vmem>>, vector<2368x256xf32>,
    %slice3A_134 = vector.extract_strided_slice %slice3A_116 {offsets = [1, 0, 0], sizes = [8, 296, 512], strides = [1, 1, 1]} : vector<10x296x512xbf16> to vector<8x296x512xbf16>
    %reshape3A_135 = vector.shape_cast %slice3A_134 : vector<8x296x512xbf16> to vector<2368x512xbf16>
    %get3A_136 = arith.constant 1 : index
    %get3A_137 = arith.constant 2 : index
    %get3A_138 = arith.constant 0 : index
    %get3A_139 = arith.constant 0 : index
    %get3A_140 = vector.load %arg4[%get3A_136, %get3A_137, %get3A_138, %get3A_139] : memref<3x3x512x256xbf16, #tpu.memory_space<vmem>>, vector<1x1x512x256xbf16>
    %get3A_141 = vector.shape_cast %get3A_140 : vector<1x1x512x256xbf16> to vector<512x256xbf16>
    %dot_general3A_142 = arith.constant dense<0.000000e+00> : vector<2368x256xf32>
    %dot_general3A_143 = tpu.matmul %reshape3A_135, %get3A_141, %dot_general3A_142 {dimension_numbers = #tpu.dot_dimension_numbers<[1], [0], [0], [1], [0, 0, 1, 1], [], []>, transpose_lhs_hint = false} : vector<2368x512xbf16>, vector<512x256xbf16>, vector<2368x256xf32> -> vector<2368x256xf32>
    %get3A_144 = arith.constant 0 : index
    %get3A_145 = arith.constant 0 : index
    %get3A_146 = vector.load %arg8[%get3A_144, %get3A_145] : memref<2368x256xf32, #tpu.memory_space<vmem>>, vector<2368x256xf32>
    %add3A_147 = arith.addf %get3A_146, %dot_general3A_143 : vector<2368x256xf32>
    %swap3A_148 = arith.constant 0 : index
    %swap3A_149 = arith.constant 0 : index
    %swap3A_150 = vector.load %arg8[%swap3A_148, %swap3A_149] : memref<2368x256xf32, #tpu.memory_space<vmem>>, vector<2368x256xf32>
    tpu.vector_store %arg8[%swap3A_148, %swap3A_149], %add3A_147 {strides = array<i32>} : memref<2368x256xf32, #tpu.memory_space<vmem>>, vector<2368x256xf32>,
    %slice3A_151 = vector.extract_strided_slice %slice3A_116 {offsets = [2, 0, 0], sizes = [8, 296, 512], strides = [1, 1, 1]} : vector<10x296x512xbf16> to vector<8x296x512xbf16>
    %reshape3A_152 = vector.shape_cast %slice3A_151 : vector<8x296x512xbf16> to vector<2368x512xbf16>
    %get3A_153 = arith.constant 2 : index
    %get3A_154 = arith.constant 2 : index
    %get3A_155 = arith.constant 0 : index
    %get3A_156 = arith.constant 0 : index
    %get3A_157 = vector.load %arg4[%get3A_153, %get3A_154, %get3A_155, %get3A_156] : memref<3x3x512x256xbf16, #tpu.memory_space<vmem>>, vector<1x1x512x256xbf16>
    %get3A_158 = vector.shape_cast %get3A_157 : vector<1x1x512x256xbf16> to vector<512x256xbf16>
    %dot_general3A_159 = arith.constant dense<0.000000e+00> : vector<2368x256xf32>
    %dot_general3A_160 = tpu.matmul %reshape3A_152, %get3A_158, %dot_general3A_159 {dimension_numbers = #tpu.dot_dimension_numbers<[1], [0], [0], [1], [0, 0, 1, 1], [], []>, transpose_lhs_hint = false} : vector<2368x512xbf16>, vector<512x256xbf16>, vector<2368x256xf32> -> vector<2368x256xf32>
    %get3A_161 = arith.constant 0 : index
    %get3A_162 = arith.constant 0 : index
    %get3A_163 = vector.load %arg8[%get3A_161, %get3A_162] : memref<2368x256xf32, #tpu.memory_space<vmem>>, vector<2368x256xf32>
    %add3A_164 = arith.addf %get3A_163, %dot_general3A_160 : vector<2368x256xf32>
    %swap3A_165 = arith.constant 0 : index
    %swap3A_166 = arith.constant 0 : index
    %swap3A_167 = vector.load %arg8[%swap3A_165, %swap3A_166] : memref<2368x256xf32, #tpu.memory_space<vmem>>, vector<2368x256xf32>
    tpu.vector_store %arg8[%swap3A_165, %swap3A_166], %add3A_164 {strides = array<i32>} : memref<2368x256xf32, #tpu.memory_space<vmem>>, vector<2368x256xf32>,
    %get3A_168 = arith.constant 0 : index
    %get3A_169 = arith.constant 0 : index
    %get3A_170 = vector.load %arg8[%get3A_168, %get3A_169] : memref<2368x256xf32, #tpu.memory_space<vmem>>, vector<2368x256xf32>
    %get3A_171 = arith.constant 0 : index
    %get3A_172 = vector.load %arg5[%get3A_171] : memref<256xf32, #tpu.memory_space<vmem>>, vector<256xf32>
    %broadcast_in_dim3A_173 = vector.shape_cast %get3A_172 : vector<256xf32> to vector<1x256xf32>
    %mul3A = vector.broadcast %broadcast_in_dim3A_173 : vector<1x256xf32> to vector<2368x256xf32>
    %mul3A_174 = arith.mulf %get3A_170, %mul3A : vector<2368x256xf32>
    %get3A_175 = arith.constant 0 : index
    %get3A_176 = vector.load %arg6[%get3A_175] : memref<256xf32, #tpu.memory_space<vmem>>, vector<256xf32>
    %broadcast_in_dim3A_177 = vector.shape_cast %get3A_176 : vector<256xf32> to vector<1x256xf32>
    %add3A_178 = vector.broadcast %broadcast_in_dim3A_177 : vector<1x256xf32> to vector<2368x256xf32>
    %add3A_179 = arith.addf %mul3A_174, %add3A_178 : vector<2368x256xf32>
    %max3A = arith.constant 0.000000e+00 : f32
    %max3A_180 = vector.broadcast %max3A : f32 to vector<2368x256xf32>
    %max3A_181 = arith.maximumf %add3A_179, %max3A_180 : vector<2368x256xf32>
    %reshape3A_182 = vector.shape_cast %max3A_181 : vector<2368x256xf32> to vector<8x296x256xf32>
    %convert_element_type3A = arith.truncf %reshape3A_182 : vector<8x296x256xf32> to vector<8x296x256xbf16>
    %swap3A_183 = arith.constant 0 : index
    %swap3A_184 = arith.constant 0 : index
    %swap3A_185 = arith.constant 0 : index
    %swap3A_186 = vector.load %arg7[%swap3A_183, %swap3A_184, %swap3A_185] : memref<8x296x256xbf16, #tpu.memory_space<vmem>>, vector<8x296x256xbf16>
    tpu.vector_store %arg7[%swap3A_183, %swap3A_184, %swap3A_185], %convert_element_type3A {strides = array<i32>} : memref<8x296x256xbf16, #tpu.memory_space<vmem>>, vector<8x296x256xbf16>,
    return
  }
  func.func @transform_0(%arg0: i32) -> (i32, i32, i32) {
    %mul3A = arith.constant 8 : i32
    %mul3A_0 = arith.muli %arg0, %mul3A : i32
    %sub3A = arith.constant 1 : i32
    %sub3A_1 = arith.subi %mul3A_0, %sub3A : i32
    %max3A = arith.constant 0 : i32
    %max3A_2 = arith.maxsi %sub3A_1, %max3A : i32
    %c0_i32 = arith.constant 0 : i32
    %c0_i32_3 = arith.constant 0 : i32
    %c0_i32_4 = arith.constant 0 : i32
    return %max3A_2, %c0_i32, %c0_i32_3 : i32, i32, i32
  }
  func.func @transform_1(%arg0: i32) -> (i32, i32, i32) {
    %c0_i32 = arith.constant 0 : i32
    %c0_i32_0 = arith.constant 0 : i32
    %c0_i32_1 = arith.constant 0 : i32
    return %arg0, %c0_i32, %c0_i32_0 : i32, i32, i32
  }
  func.func @transform_2(%arg0: i32) -> (i32, i32, i32) {
    %mul3A = arith.constant 8 : i32
    %mul3A_0 = arith.muli %arg0, %mul3A : i32
    %add3A = arith.constant 8 : i32
    %add3A_1 = arith.addi %mul3A_0, %add3A : i32
    %min3A = arith.constant 295 : i32
    %min3A_2 = arith.minsi %add3A_1, %min3A : i32
    %c0_i32 = arith.constant 0 : i32
    %c0_i32_3 = arith.constant 0 : i32
    %c0_i32_4 = arith.constant 0 : i32
    return %min3A_2, %c0_i32, %c0_i32_3 : i32, i32, i32
  }
  func.func @transform_3(%arg0: i32) -> (i32, i32, i32, i32) {
    %c0_i32 = arith.constant 0 : i32
    %c0_i32_0 = arith.constant 0 : i32
    %c0_i32_1 = arith.constant 0 : i32
    %c0_i32_2 = arith.constant 0 : i32
    %c0_i32_3 = arith.constant 0 : i32
    return %c0_i32, %c0_i32_0, %c0_i32_1, %c0_i32_2 : i32, i32, i32, i32
  }
  func.func @transform_4(%arg0: i32) -> i32 {
    %c0_i32 = arith.constant 0 : i32
    %c0_i32_0 = arith.constant 0 : i32
    return %c0_i32 : i32
  }
  func.func @transform_5(%arg0: i32) -> i32 {
    %c0_i32 = arith.constant 0 : i32
    %c0_i32_0 = arith.constant 0 : i32
    return %c0_i32 : i32
  }
  func.func @transform_6(%arg0: i32) -> (i32, i32, i32) {
    %c0_i32 = arith.constant 0 : i32
    %c0_i32_0 = arith.constant 0 : i32
    %c0_i32_1 = arith.constant 0 : i32
    return %arg0, %c0_i32, %c0_i32_0 : i32, i32, i32
  }
}

module attributes {stable_mosaic.version = 14 : i64} {
  func.func @_conv4_body(%arg0: i32, %arg1: memref<1x296x256xbf16, #tpu.memory_space<vmem>>, %arg2: memref<8x296x256xbf16, #tpu.memory_space<vmem>>, %arg3: memref<1x296x256xbf16, #tpu.memory_space<vmem>>, %arg4: memref<3x3x256x256xbf16, #tpu.memory_space<vmem>>, %arg5: memref<256xf32, #tpu.memory_space<vmem>>, %arg6: memref<256xf32, #tpu.memory_space<vmem>>, %arg7: memref<8x296x256xf32, #tpu.memory_space<vmem>>, %arg8: memref<8x296x256xf32, #tpu.memory_space<vmem>>, %arg9: memref<8x296x256xf32, #tpu.memory_space<vmem>>, %arg10: memref<1x1xf32, #tpu.memory_space<vmem>>, %arg11: memref<2368x256xf32, #tpu.memory_space<vmem>>) attributes {dimension_semantics = [#tpu.dimension_semantics<arbitrary>], iteration_bounds = array<i64: 37>, scalar_prefetch = 0 : i64, scratch_operands = 1 : i64, tpu.core_type = #tpu.core_type<tc>, window_params = [{transform_indices = @transform_0, window_bounds = array<i64: 1, 296, 256>}, {transform_indices = @transform_1, window_bounds = array<i64: 8, 296, 256>}, {transform_indices = @transform_2, window_bounds = array<i64: 1, 296, 256>}, {pipeline_mode = #tpu.pipeline_mode<synchronous>, transform_indices = @transform_3, window_bounds = array<i64: 3, 3, 256, 256>}, {pipeline_mode = #tpu.pipeline_mode<synchronous>, transform_indices = @transform_4, window_bounds = array<i64: 256>}, {pipeline_mode = #tpu.pipeline_mode<synchronous>, transform_indices = @transform_5, window_bounds = array<i64: 256>}, {transform_indices = @transform_6, window_bounds = array<i64: 8, 296, 256>}, {transform_indices = @transform_7, window_bounds = array<i64: 8, 296, 256>}, {transform_indices = @transform_8, window_bounds = array<i64: 8, 296, 256>}, {pipeline_mode = #tpu.pipeline_mode<synchronous>, transform_indices = @transform_9, window_bounds = array<i64: 1, 1>}]} {
    %get3A = arith.constant 0 : index
    %get3A_0 = arith.constant 0 : index
    %get3A_1 = arith.constant 0 : index
    %get3A_2 = vector.load %arg1[%get3A, %get3A_0, %get3A_1] : memref<1x296x256xbf16, #tpu.memory_space<vmem>>, vector<1x296x256xbf16>
    %get3A_3 = arith.constant 0 : index
    %get3A_4 = arith.constant 0 : index
    %get3A_5 = arith.constant 0 : index
    %get3A_6 = vector.load %arg2[%get3A_3, %get3A_4, %get3A_5] : memref<8x296x256xbf16, #tpu.memory_space<vmem>>, vector<8x296x256xbf16>
    %get3A_7 = arith.constant 0 : index
    %get3A_8 = arith.constant 0 : index
    %get3A_9 = arith.constant 0 : index
    %get3A_10 = vector.load %arg3[%get3A_7, %get3A_8, %get3A_9] : memref<1x296x256xbf16, #tpu.memory_space<vmem>>, vector<1x296x256xbf16>
    %eq3A = arith.constant 0 : i32
    %eq3A_11 = arith.cmpi eq, %arg0, %eq3A : i32
    %broadcast_in_dim3A = arith.constant 0.000000e+00 : bf16
    %broadcast_in_dim3A_12 = vector.broadcast %broadcast_in_dim3A : bf16 to vector<1x296x256xbf16>
    %select_n3A = arith.select %eq3A_11, %broadcast_in_dim3A_12, %get3A_2 : vector<1x296x256xbf16>
    %eq3A_13 = arith.constant 36 : i32
    %eq3A_14 = arith.cmpi eq, %arg0, %eq3A_13 : i32
    %broadcast_in_dim3A_15 = arith.constant 0.000000e+00 : bf16
    %broadcast_in_dim3A_16 = vector.broadcast %broadcast_in_dim3A_15 : bf16 to vector<1x296x256xbf16>
    %select_n3A_17 = arith.select %eq3A_14, %broadcast_in_dim3A_16, %get3A_10 : vector<1x296x256xbf16>
    %concatenate3A = tpu.concatenate %select_n3A, %get3A_6, %select_n3A_17 in 0 : vector<1x296x256xbf16>, vector<8x296x256xbf16>, vector<1x296x256xbf16> -> vector<10x296x256xbf16>
    %broadcast_in_dim3A_18 = arith.constant 0.000000e+00 : bf16
    %broadcast_in_dim3A_19 = vector.broadcast %broadcast_in_dim3A_18 : bf16 to vector<10x1x256xbf16>
    %concatenate3A_20 = tpu.concatenate %broadcast_in_dim3A_19, %concatenate3A, %broadcast_in_dim3A_19 in 1 : vector<10x1x256xbf16>, vector<10x296x256xbf16>, vector<10x1x256xbf16> -> vector<10x298x256xbf16>
    %slice3A = vector.extract_strided_slice %concatenate3A_20 {offsets = [0, 0, 0], sizes = [10, 296, 256], strides = [1, 1, 1]} : vector<10x298x256xbf16> to vector<10x296x256xbf16>
    %slice3A_21 = vector.extract_strided_slice %slice3A {offsets = [0, 0, 0], sizes = [8, 296, 256], strides = [1, 1, 1]} : vector<10x296x256xbf16> to vector<8x296x256xbf16>
    %reshape3A = vector.shape_cast %slice3A_21 : vector<8x296x256xbf16> to vector<2368x256xbf16>
    %get3A_22 = arith.constant 0 : index
    %get3A_23 = arith.constant 0 : index
    %get3A_24 = arith.constant 0 : index
    %get3A_25 = arith.constant 0 : index
    %get3A_26 = vector.load %arg4[%get3A_22, %get3A_23, %get3A_24, %get3A_25] : memref<3x3x256x256xbf16, #tpu.memory_space<vmem>>, vector<1x1x256x256xbf16>
    %get3A_27 = vector.shape_cast %get3A_26 : vector<1x1x256x256xbf16> to vector<256x256xbf16>
    %dot_general3A = arith.constant dense<0.000000e+00> : vector<2368x256xf32>
    %dot_general3A_28 = tpu.matmul %reshape3A, %get3A_27, %dot_general3A {dimension_numbers = #tpu.dot_dimension_numbers<[1], [0], [0], [1], [0, 0, 1, 1], [], []>, transpose_lhs_hint = false} : vector<2368x256xbf16>, vector<256x256xbf16>, vector<2368x256xf32> -> vector<2368x256xf32>
    %swap3A = arith.constant 0 : index
    %swap3A_29 = arith.constant 0 : index
    %swap3A_30 = vector.load %arg11[%swap3A, %swap3A_29] : memref<2368x256xf32, #tpu.memory_space<vmem>>, vector<2368x256xf32>
    tpu.vector_store %arg11[%swap3A, %swap3A_29], %dot_general3A_28 {strides = array<i32>} : memref<2368x256xf32, #tpu.memory_space<vmem>>, vector<2368x256xf32>,
    %slice3A_31 = vector.extract_strided_slice %slice3A {offsets = [1, 0, 0], sizes = [8, 296, 256], strides = [1, 1, 1]} : vector<10x296x256xbf16> to vector<8x296x256xbf16>
    %reshape3A_32 = vector.shape_cast %slice3A_31 : vector<8x296x256xbf16> to vector<2368x256xbf16>
    %get3A_33 = arith.constant 1 : index
    %get3A_34 = arith.constant 0 : index
    %get3A_35 = arith.constant 0 : index
    %get3A_36 = arith.constant 0 : index
    %get3A_37 = vector.load %arg4[%get3A_33, %get3A_34, %get3A_35, %get3A_36] : memref<3x3x256x256xbf16, #tpu.memory_space<vmem>>, vector<1x1x256x256xbf16>
    %get3A_38 = vector.shape_cast %get3A_37 : vector<1x1x256x256xbf16> to vector<256x256xbf16>
    %dot_general3A_39 = arith.constant dense<0.000000e+00> : vector<2368x256xf32>
    %dot_general3A_40 = tpu.matmul %reshape3A_32, %get3A_38, %dot_general3A_39 {dimension_numbers = #tpu.dot_dimension_numbers<[1], [0], [0], [1], [0, 0, 1, 1], [], []>, transpose_lhs_hint = false} : vector<2368x256xbf16>, vector<256x256xbf16>, vector<2368x256xf32> -> vector<2368x256xf32>
    %get3A_41 = arith.constant 0 : index
    %get3A_42 = arith.constant 0 : index
    %get3A_43 = vector.load %arg11[%get3A_41, %get3A_42] : memref<2368x256xf32, #tpu.memory_space<vmem>>, vector<2368x256xf32>
    %add3A = arith.addf %get3A_43, %dot_general3A_40 : vector<2368x256xf32>
    %swap3A_44 = arith.constant 0 : index
    %swap3A_45 = arith.constant 0 : index
    %swap3A_46 = vector.load %arg11[%swap3A_44, %swap3A_45] : memref<2368x256xf32, #tpu.memory_space<vmem>>, vector<2368x256xf32>
    tpu.vector_store %arg11[%swap3A_44, %swap3A_45], %add3A {strides = array<i32>} : memref<2368x256xf32, #tpu.memory_space<vmem>>, vector<2368x256xf32>,
    %slice3A_47 = vector.extract_strided_slice %slice3A {offsets = [2, 0, 0], sizes = [8, 296, 256], strides = [1, 1, 1]} : vector<10x296x256xbf16> to vector<8x296x256xbf16>
    %reshape3A_48 = vector.shape_cast %slice3A_47 : vector<8x296x256xbf16> to vector<2368x256xbf16>
    %get3A_49 = arith.constant 2 : index
    %get3A_50 = arith.constant 0 : index
    %get3A_51 = arith.constant 0 : index
    %get3A_52 = arith.constant 0 : index
    %get3A_53 = vector.load %arg4[%get3A_49, %get3A_50, %get3A_51, %get3A_52] : memref<3x3x256x256xbf16, #tpu.memory_space<vmem>>, vector<1x1x256x256xbf16>
    %get3A_54 = vector.shape_cast %get3A_53 : vector<1x1x256x256xbf16> to vector<256x256xbf16>
    %dot_general3A_55 = arith.constant dense<0.000000e+00> : vector<2368x256xf32>
    %dot_general3A_56 = tpu.matmul %reshape3A_48, %get3A_54, %dot_general3A_55 {dimension_numbers = #tpu.dot_dimension_numbers<[1], [0], [0], [1], [0, 0, 1, 1], [], []>, transpose_lhs_hint = false} : vector<2368x256xbf16>, vector<256x256xbf16>, vector<2368x256xf32> -> vector<2368x256xf32>
    %get3A_57 = arith.constant 0 : index
    %get3A_58 = arith.constant 0 : index
    %get3A_59 = vector.load %arg11[%get3A_57, %get3A_58] : memref<2368x256xf32, #tpu.memory_space<vmem>>, vector<2368x256xf32>
    %add3A_60 = arith.addf %get3A_59, %dot_general3A_56 : vector<2368x256xf32>
    %swap3A_61 = arith.constant 0 : index
    %swap3A_62 = arith.constant 0 : index
    %swap3A_63 = vector.load %arg11[%swap3A_61, %swap3A_62] : memref<2368x256xf32, #tpu.memory_space<vmem>>, vector<2368x256xf32>
    tpu.vector_store %arg11[%swap3A_61, %swap3A_62], %add3A_60 {strides = array<i32>} : memref<2368x256xf32, #tpu.memory_space<vmem>>, vector<2368x256xf32>,
    %slice3A_64 = vector.extract_strided_slice %concatenate3A_20 {offsets = [0, 1, 0], sizes = [10, 296, 256], strides = [1, 1, 1]} : vector<10x298x256xbf16> to vector<10x296x256xbf16>
    %slice3A_65 = vector.extract_strided_slice %slice3A_64 {offsets = [0, 0, 0], sizes = [8, 296, 256], strides = [1, 1, 1]} : vector<10x296x256xbf16> to vector<8x296x256xbf16>
    %reshape3A_66 = vector.shape_cast %slice3A_65 : vector<8x296x256xbf16> to vector<2368x256xbf16>
    %get3A_67 = arith.constant 0 : index
    %get3A_68 = arith.constant 1 : index
    %get3A_69 = arith.constant 0 : index
    %get3A_70 = arith.constant 0 : index
    %get3A_71 = vector.load %arg4[%get3A_67, %get3A_68, %get3A_69, %get3A_70] : memref<3x3x256x256xbf16, #tpu.memory_space<vmem>>, vector<1x1x256x256xbf16>
    %get3A_72 = vector.shape_cast %get3A_71 : vector<1x1x256x256xbf16> to vector<256x256xbf16>
    %dot_general3A_73 = arith.constant dense<0.000000e+00> : vector<2368x256xf32>
    %dot_general3A_74 = tpu.matmul %reshape3A_66, %get3A_72, %dot_general3A_73 {dimension_numbers = #tpu.dot_dimension_numbers<[1], [0], [0], [1], [0, 0, 1, 1], [], []>, transpose_lhs_hint = false} : vector<2368x256xbf16>, vector<256x256xbf16>, vector<2368x256xf32> -> vector<2368x256xf32>
    %get3A_75 = arith.constant 0 : index
    %get3A_76 = arith.constant 0 : index
    %get3A_77 = vector.load %arg11[%get3A_75, %get3A_76] : memref<2368x256xf32, #tpu.memory_space<vmem>>, vector<2368x256xf32>
    %add3A_78 = arith.addf %get3A_77, %dot_general3A_74 : vector<2368x256xf32>
    %swap3A_79 = arith.constant 0 : index
    %swap3A_80 = arith.constant 0 : index
    %swap3A_81 = vector.load %arg11[%swap3A_79, %swap3A_80] : memref<2368x256xf32, #tpu.memory_space<vmem>>, vector<2368x256xf32>
    tpu.vector_store %arg11[%swap3A_79, %swap3A_80], %add3A_78 {strides = array<i32>} : memref<2368x256xf32, #tpu.memory_space<vmem>>, vector<2368x256xf32>,
    %slice3A_82 = vector.extract_strided_slice %slice3A_64 {offsets = [1, 0, 0], sizes = [8, 296, 256], strides = [1, 1, 1]} : vector<10x296x256xbf16> to vector<8x296x256xbf16>
    %reshape3A_83 = vector.shape_cast %slice3A_82 : vector<8x296x256xbf16> to vector<2368x256xbf16>
    %get3A_84 = arith.constant 1 : index
    %get3A_85 = arith.constant 1 : index
    %get3A_86 = arith.constant 0 : index
    %get3A_87 = arith.constant 0 : index
    %get3A_88 = vector.load %arg4[%get3A_84, %get3A_85, %get3A_86, %get3A_87] : memref<3x3x256x256xbf16, #tpu.memory_space<vmem>>, vector<1x1x256x256xbf16>
    %get3A_89 = vector.shape_cast %get3A_88 : vector<1x1x256x256xbf16> to vector<256x256xbf16>
    %dot_general3A_90 = arith.constant dense<0.000000e+00> : vector<2368x256xf32>
    %dot_general3A_91 = tpu.matmul %reshape3A_83, %get3A_89, %dot_general3A_90 {dimension_numbers = #tpu.dot_dimension_numbers<[1], [0], [0], [1], [0, 0, 1, 1], [], []>, transpose_lhs_hint = false} : vector<2368x256xbf16>, vector<256x256xbf16>, vector<2368x256xf32> -> vector<2368x256xf32>
    %get3A_92 = arith.constant 0 : index
    %get3A_93 = arith.constant 0 : index
    %get3A_94 = vector.load %arg11[%get3A_92, %get3A_93] : memref<2368x256xf32, #tpu.memory_space<vmem>>, vector<2368x256xf32>
    %add3A_95 = arith.addf %get3A_94, %dot_general3A_91 : vector<2368x256xf32>
    %swap3A_96 = arith.constant 0 : index
    %swap3A_97 = arith.constant 0 : index
    %swap3A_98 = vector.load %arg11[%swap3A_96, %swap3A_97] : memref<2368x256xf32, #tpu.memory_space<vmem>>, vector<2368x256xf32>
    tpu.vector_store %arg11[%swap3A_96, %swap3A_97], %add3A_95 {strides = array<i32>} : memref<2368x256xf32, #tpu.memory_space<vmem>>, vector<2368x256xf32>,
    %slice3A_99 = vector.extract_strided_slice %slice3A_64 {offsets = [2, 0, 0], sizes = [8, 296, 256], strides = [1, 1, 1]} : vector<10x296x256xbf16> to vector<8x296x256xbf16>
    %reshape3A_100 = vector.shape_cast %slice3A_99 : vector<8x296x256xbf16> to vector<2368x256xbf16>
    %get3A_101 = arith.constant 2 : index
    %get3A_102 = arith.constant 1 : index
    %get3A_103 = arith.constant 0 : index
    %get3A_104 = arith.constant 0 : index
    %get3A_105 = vector.load %arg4[%get3A_101, %get3A_102, %get3A_103, %get3A_104] : memref<3x3x256x256xbf16, #tpu.memory_space<vmem>>, vector<1x1x256x256xbf16>
    %get3A_106 = vector.shape_cast %get3A_105 : vector<1x1x256x256xbf16> to vector<256x256xbf16>
    %dot_general3A_107 = arith.constant dense<0.000000e+00> : vector<2368x256xf32>
    %dot_general3A_108 = tpu.matmul %reshape3A_100, %get3A_106, %dot_general3A_107 {dimension_numbers = #tpu.dot_dimension_numbers<[1], [0], [0], [1], [0, 0, 1, 1], [], []>, transpose_lhs_hint = false} : vector<2368x256xbf16>, vector<256x256xbf16>, vector<2368x256xf32> -> vector<2368x256xf32>
    %get3A_109 = arith.constant 0 : index
    %get3A_110 = arith.constant 0 : index
    %get3A_111 = vector.load %arg11[%get3A_109, %get3A_110] : memref<2368x256xf32, #tpu.memory_space<vmem>>, vector<2368x256xf32>
    %add3A_112 = arith.addf %get3A_111, %dot_general3A_108 : vector<2368x256xf32>
    %swap3A_113 = arith.constant 0 : index
    %swap3A_114 = arith.constant 0 : index
    %swap3A_115 = vector.load %arg11[%swap3A_113, %swap3A_114] : memref<2368x256xf32, #tpu.memory_space<vmem>>, vector<2368x256xf32>
    tpu.vector_store %arg11[%swap3A_113, %swap3A_114], %add3A_112 {strides = array<i32>} : memref<2368x256xf32, #tpu.memory_space<vmem>>, vector<2368x256xf32>,
    %slice3A_116 = vector.extract_strided_slice %concatenate3A_20 {offsets = [0, 2, 0], sizes = [10, 296, 256], strides = [1, 1, 1]} : vector<10x298x256xbf16> to vector<10x296x256xbf16>
    %slice3A_117 = vector.extract_strided_slice %slice3A_116 {offsets = [0, 0, 0], sizes = [8, 296, 256], strides = [1, 1, 1]} : vector<10x296x256xbf16> to vector<8x296x256xbf16>
    %reshape3A_118 = vector.shape_cast %slice3A_117 : vector<8x296x256xbf16> to vector<2368x256xbf16>
    %get3A_119 = arith.constant 0 : index
    %get3A_120 = arith.constant 2 : index
    %get3A_121 = arith.constant 0 : index
    %get3A_122 = arith.constant 0 : index
    %get3A_123 = vector.load %arg4[%get3A_119, %get3A_120, %get3A_121, %get3A_122] : memref<3x3x256x256xbf16, #tpu.memory_space<vmem>>, vector<1x1x256x256xbf16>
    %get3A_124 = vector.shape_cast %get3A_123 : vector<1x1x256x256xbf16> to vector<256x256xbf16>
    %dot_general3A_125 = arith.constant dense<0.000000e+00> : vector<2368x256xf32>
    %dot_general3A_126 = tpu.matmul %reshape3A_118, %get3A_124, %dot_general3A_125 {dimension_numbers = #tpu.dot_dimension_numbers<[1], [0], [0], [1], [0, 0, 1, 1], [], []>, transpose_lhs_hint = false} : vector<2368x256xbf16>, vector<256x256xbf16>, vector<2368x256xf32> -> vector<2368x256xf32>
    %get3A_127 = arith.constant 0 : index
    %get3A_128 = arith.constant 0 : index
    %get3A_129 = vector.load %arg11[%get3A_127, %get3A_128] : memref<2368x256xf32, #tpu.memory_space<vmem>>, vector<2368x256xf32>
    %add3A_130 = arith.addf %get3A_129, %dot_general3A_126 : vector<2368x256xf32>
    %swap3A_131 = arith.constant 0 : index
    %swap3A_132 = arith.constant 0 : index
    %swap3A_133 = vector.load %arg11[%swap3A_131, %swap3A_132] : memref<2368x256xf32, #tpu.memory_space<vmem>>, vector<2368x256xf32>
    tpu.vector_store %arg11[%swap3A_131, %swap3A_132], %add3A_130 {strides = array<i32>} : memref<2368x256xf32, #tpu.memory_space<vmem>>, vector<2368x256xf32>,
    %slice3A_134 = vector.extract_strided_slice %slice3A_116 {offsets = [1, 0, 0], sizes = [8, 296, 256], strides = [1, 1, 1]} : vector<10x296x256xbf16> to vector<8x296x256xbf16>
    %reshape3A_135 = vector.shape_cast %slice3A_134 : vector<8x296x256xbf16> to vector<2368x256xbf16>
    %get3A_136 = arith.constant 1 : index
    %get3A_137 = arith.constant 2 : index
    %get3A_138 = arith.constant 0 : index
    %get3A_139 = arith.constant 0 : index
    %get3A_140 = vector.load %arg4[%get3A_136, %get3A_137, %get3A_138, %get3A_139] : memref<3x3x256x256xbf16, #tpu.memory_space<vmem>>, vector<1x1x256x256xbf16>
    %get3A_141 = vector.shape_cast %get3A_140 : vector<1x1x256x256xbf16> to vector<256x256xbf16>
    %dot_general3A_142 = arith.constant dense<0.000000e+00> : vector<2368x256xf32>
    %dot_general3A_143 = tpu.matmul %reshape3A_135, %get3A_141, %dot_general3A_142 {dimension_numbers = #tpu.dot_dimension_numbers<[1], [0], [0], [1], [0, 0, 1, 1], [], []>, transpose_lhs_hint = false} : vector<2368x256xbf16>, vector<256x256xbf16>, vector<2368x256xf32> -> vector<2368x256xf32>
    %get3A_144 = arith.constant 0 : index
    %get3A_145 = arith.constant 0 : index
    %get3A_146 = vector.load %arg11[%get3A_144, %get3A_145] : memref<2368x256xf32, #tpu.memory_space<vmem>>, vector<2368x256xf32>
    %add3A_147 = arith.addf %get3A_146, %dot_general3A_143 : vector<2368x256xf32>
    %swap3A_148 = arith.constant 0 : index
    %swap3A_149 = arith.constant 0 : index
    %swap3A_150 = vector.load %arg11[%swap3A_148, %swap3A_149] : memref<2368x256xf32, #tpu.memory_space<vmem>>, vector<2368x256xf32>
    tpu.vector_store %arg11[%swap3A_148, %swap3A_149], %add3A_147 {strides = array<i32>} : memref<2368x256xf32, #tpu.memory_space<vmem>>, vector<2368x256xf32>,
    %slice3A_151 = vector.extract_strided_slice %slice3A_116 {offsets = [2, 0, 0], sizes = [8, 296, 256], strides = [1, 1, 1]} : vector<10x296x256xbf16> to vector<8x296x256xbf16>
    %reshape3A_152 = vector.shape_cast %slice3A_151 : vector<8x296x256xbf16> to vector<2368x256xbf16>
    %get3A_153 = arith.constant 2 : index
    %get3A_154 = arith.constant 2 : index
    %get3A_155 = arith.constant 0 : index
    %get3A_156 = arith.constant 0 : index
    %get3A_157 = vector.load %arg4[%get3A_153, %get3A_154, %get3A_155, %get3A_156] : memref<3x3x256x256xbf16, #tpu.memory_space<vmem>>, vector<1x1x256x256xbf16>
    %get3A_158 = vector.shape_cast %get3A_157 : vector<1x1x256x256xbf16> to vector<256x256xbf16>
    %dot_general3A_159 = arith.constant dense<0.000000e+00> : vector<2368x256xf32>
    %dot_general3A_160 = tpu.matmul %reshape3A_152, %get3A_158, %dot_general3A_159 {dimension_numbers = #tpu.dot_dimension_numbers<[1], [0], [0], [1], [0, 0, 1, 1], [], []>, transpose_lhs_hint = false} : vector<2368x256xbf16>, vector<256x256xbf16>, vector<2368x256xf32> -> vector<2368x256xf32>
    %get3A_161 = arith.constant 0 : index
    %get3A_162 = arith.constant 0 : index
    %get3A_163 = vector.load %arg11[%get3A_161, %get3A_162] : memref<2368x256xf32, #tpu.memory_space<vmem>>, vector<2368x256xf32>
    %add3A_164 = arith.addf %get3A_163, %dot_general3A_160 : vector<2368x256xf32>
    %swap3A_165 = arith.constant 0 : index
    %swap3A_166 = arith.constant 0 : index
    %swap3A_167 = vector.load %arg11[%swap3A_165, %swap3A_166] : memref<2368x256xf32, #tpu.memory_space<vmem>>, vector<2368x256xf32>
    tpu.vector_store %arg11[%swap3A_165, %swap3A_166], %add3A_164 {strides = array<i32>} : memref<2368x256xf32, #tpu.memory_space<vmem>>, vector<2368x256xf32>,
    %get3A_168 = arith.constant 0 : index
    %get3A_169 = arith.constant 0 : index
    %get3A_170 = vector.load %arg11[%get3A_168, %get3A_169] : memref<2368x256xf32, #tpu.memory_space<vmem>>, vector<2368x256xf32>
    %get3A_171 = arith.constant 0 : index
    %get3A_172 = vector.load %arg5[%get3A_171] : memref<256xf32, #tpu.memory_space<vmem>>, vector<256xf32>
    %broadcast_in_dim3A_173 = vector.shape_cast %get3A_172 : vector<256xf32> to vector<1x256xf32>
    %mul3A = vector.broadcast %broadcast_in_dim3A_173 : vector<1x256xf32> to vector<2368x256xf32>
    %mul3A_174 = arith.mulf %get3A_170, %mul3A : vector<2368x256xf32>
    %get3A_175 = arith.constant 0 : index
    %get3A_176 = vector.load %arg6[%get3A_175] : memref<256xf32, #tpu.memory_space<vmem>>, vector<256xf32>
    %broadcast_in_dim3A_177 = vector.shape_cast %get3A_176 : vector<256xf32> to vector<1x256xf32>
    %add3A_178 = vector.broadcast %broadcast_in_dim3A_177 : vector<1x256xf32> to vector<2368x256xf32>
    %add3A_179 = arith.addf %mul3A_174, %add3A_178 : vector<2368x256xf32>
    %max3A = arith.constant 0.000000e+00 : f32
    %max3A_180 = vector.broadcast %max3A : f32 to vector<2368x256xf32>
    %max3A_181 = arith.maximumf %add3A_179, %max3A_180 : vector<2368x256xf32>
    %reshape3A_182 = vector.shape_cast %max3A_181 : vector<2368x256xf32> to vector<8x296x256xf32>
    %swap3A_183 = arith.constant 0 : index
    %swap3A_184 = arith.constant 0 : index
    %swap3A_185 = arith.constant 0 : index
    %swap3A_186 = vector.load %arg8[%swap3A_183, %swap3A_184, %swap3A_185] : memref<8x296x256xf32, #tpu.memory_space<vmem>>, vector<8x296x256xf32>
    tpu.vector_store %arg8[%swap3A_183, %swap3A_184, %swap3A_185], %reshape3A_182 {strides = array<i32>} : memref<8x296x256xf32, #tpu.memory_space<vmem>>, vector<8x296x256xf32>,
    %get3A_187 = arith.constant 0 : index
    %get3A_188 = arith.constant 0 : index
    %get3A_189 = arith.constant 0 : index
    %get3A_190 = vector.load %arg7[%get3A_187, %get3A_188, %get3A_189] : memref<8x296x256xf32, #tpu.memory_space<vmem>>, vector<8x296x256xf32>
    %add3A_191 = arith.addf %reshape3A_182, %get3A_190 : vector<8x296x256xf32>
    %swap3A_192 = arith.constant 0 : index
    %swap3A_193 = arith.constant 0 : index
    %swap3A_194 = arith.constant 0 : index
    %swap3A_195 = vector.load %arg9[%swap3A_192, %swap3A_193, %swap3A_194] : memref<8x296x256xf32, #tpu.memory_space<vmem>>, vector<8x296x256xf32>
    tpu.vector_store %arg9[%swap3A_192, %swap3A_193, %swap3A_194], %add3A_191 {strides = array<i32>} : memref<8x296x256xf32, #tpu.memory_space<vmem>>, vector<8x296x256xf32>,
    %eq3A_196 = arith.constant 0 : i32
    %eq3A_197 = arith.cmpi eq, %arg0, %eq3A_196 : i32
    %convert_element_type3A = arith.extui %eq3A_197 : i1 to i32
    %cond3A = arith.constant 0 : i32
    %cond3A_198 = arith.cmpi ne, %convert_element_type3A, %cond3A : i32
    scf.if %cond3A_198 {
      %broadcast_in_dim3A_211 = arith.constant 0.000000e+00 : f32
      %broadcast_in_dim3A_212 = vector.broadcast %broadcast_in_dim3A_211 : f32 to vector<1x1xf32>
      %swap3A_213 = arith.constant 0 : index
      %swap3A_214 = arith.constant 0 : index
      %swap3A_215 = vector.load %arg10[%swap3A_213, %swap3A_214] : memref<1x1xf32, #tpu.memory_space<vmem>>, vector<1x1xf32>
      tpu.vector_store %arg10[%swap3A_213, %swap3A_214], %broadcast_in_dim3A_212 {strides = array<i32>} : memref<1x1xf32, #tpu.memory_space<vmem>>, vector<1x1xf32>,
    } else {
    }
    %get3A_199 = arith.constant 0 : index
    %get3A_200 = arith.constant 0 : index
    %get3A_201 = vector.load %arg10[%get3A_199, %get3A_200] : memref<1x1xf32, #tpu.memory_space<vmem>>, vector<1x1xf32>
    %reduce_sum3A = vector.shape_cast %max3A_181 : vector<2368x256xf32> to vector<1x2368x256xf32>
    %reduce_sum3A_202 = arith.constant dense<0.000000e+00> : vector<1xf32>
    %reduce_sum3A_203 = vector.multi_reduction <add>, %reduce_sum3A, %reduce_sum3A_202 [1, 2] : vector<1x2368x256xf32> to vector<1xf32>
    %reduce_sum3A_204 = vector.shape_cast %reduce_sum3A_203 : vector<1xf32> to vector<1x1x1xf32>
    %reduce_sum3A_205 = vector.extract %reduce_sum3A_204[0, 0, 0] : f32 from vector<1x1x1xf32>
    %reshape3A_206 = vector.broadcast %reduce_sum3A_205 : f32 to vector<1x1xf32>
    %add3A_207 = arith.addf %get3A_201, %reshape3A_206 : vector<1x1xf32>
    %swap3A_208 = arith.constant 0 : index
    %swap3A_209 = arith.constant 0 : index
    %swap3A_210 = vector.load %arg10[%swap3A_208, %swap3A_209] : memref<1x1xf32, #tpu.memory_space<vmem>>, vector<1x1xf32>
    tpu.vector_store %arg10[%swap3A_208, %swap3A_209], %add3A_207 {strides = array<i32>} : memref<1x1xf32, #tpu.memory_space<vmem>>, vector<1x1xf32>,
    return
  }
  func.func @transform_0(%arg0: i32) -> (i32, i32, i32) {
    %mul3A = arith.constant 8 : i32
    %mul3A_0 = arith.muli %arg0, %mul3A : i32
    %sub3A = arith.constant 1 : i32
    %sub3A_1 = arith.subi %mul3A_0, %sub3A : i32
    %max3A = arith.constant 0 : i32
    %max3A_2 = arith.maxsi %sub3A_1, %max3A : i32
    %c0_i32 = arith.constant 0 : i32
    %c0_i32_3 = arith.constant 0 : i32
    %c0_i32_4 = arith.constant 0 : i32
    return %max3A_2, %c0_i32, %c0_i32_3 : i32, i32, i32
  }
  func.func @transform_1(%arg0: i32) -> (i32, i32, i32) {
    %c0_i32 = arith.constant 0 : i32
    %c0_i32_0 = arith.constant 0 : i32
    %c0_i32_1 = arith.constant 0 : i32
    return %arg0, %c0_i32, %c0_i32_0 : i32, i32, i32
  }
  func.func @transform_2(%arg0: i32) -> (i32, i32, i32) {
    %mul3A = arith.constant 8 : i32
    %mul3A_0 = arith.muli %arg0, %mul3A : i32
    %add3A = arith.constant 8 : i32
    %add3A_1 = arith.addi %mul3A_0, %add3A : i32
    %min3A = arith.constant 295 : i32
    %min3A_2 = arith.minsi %add3A_1, %min3A : i32
    %c0_i32 = arith.constant 0 : i32
    %c0_i32_3 = arith.constant 0 : i32
    %c0_i32_4 = arith.constant 0 : i32
    return %min3A_2, %c0_i32, %c0_i32_3 : i32, i32, i32
  }
  func.func @transform_3(%arg0: i32) -> (i32, i32, i32, i32) {
    %c0_i32 = arith.constant 0 : i32
    %c0_i32_0 = arith.constant 0 : i32
    %c0_i32_1 = arith.constant 0 : i32
    %c0_i32_2 = arith.constant 0 : i32
    %c0_i32_3 = arith.constant 0 : i32
    return %c0_i32, %c0_i32_0, %c0_i32_1, %c0_i32_2 : i32, i32, i32, i32
  }
  func.func @transform_4(%arg0: i32) -> i32 {
    %c0_i32 = arith.constant 0 : i32
    %c0_i32_0 = arith.constant 0 : i32
    return %c0_i32 : i32
  }
  func.func @transform_5(%arg0: i32) -> i32 {
    %c0_i32 = arith.constant 0 : i32
    %c0_i32_0 = arith.constant 0 : i32
    return %c0_i32 : i32
  }
  func.func @transform_6(%arg0: i32) -> (i32, i32, i32) {
    %c0_i32 = arith.constant 0 : i32
    %c0_i32_0 = arith.constant 0 : i32
    %c0_i32_1 = arith.constant 0 : i32
    return %arg0, %c0_i32, %c0_i32_0 : i32, i32, i32
  }
  func.func @transform_7(%arg0: i32) -> (i32, i32, i32) {
    %c0_i32 = arith.constant 0 : i32
    %c0_i32_0 = arith.constant 0 : i32
    %c0_i32_1 = arith.constant 0 : i32
    return %arg0, %c0_i32, %c0_i32_0 : i32, i32, i32
  }
  func.func @transform_8(%arg0: i32) -> (i32, i32, i32) {
    %c0_i32 = arith.constant 0 : i32
    %c0_i32_0 = arith.constant 0 : i32
    %c0_i32_1 = arith.constant 0 : i32
    return %arg0, %c0_i32, %c0_i32_0 : i32, i32, i32
  }
  func.func @transform_9(%arg0: i32) -> (i32, i32) {
    %c0_i32 = arith.constant 0 : i32
    %c0_i32_0 = arith.constant 0 : i32
    %c0_i32_1 = arith.constant 0 : i32
    return %c0_i32, %c0_i32_0 : i32, i32
  }
}

module attributes {stable_mosaic.version = 14 : i64} {
  func.func @body(%arg0: i32, %arg1: memref<1x296x256xf32, #tpu.memory_space<vmem>>, %arg2: memref<8x296x256xf32, #tpu.memory_space<vmem>>, %arg3: memref<1x296x256xf32, #tpu.memory_space<vmem>>, %arg4: memref<3x3x256x256xbf16, #tpu.memory_space<vmem>>, %arg5: memref<256xf32, #tpu.memory_space<vmem>>, %arg6: memref<256xf32, #tpu.memory_space<vmem>>, %arg7: memref<8x296x256xbf16, #tpu.memory_space<vmem>>, %arg8: memref<2368x256xf32, #tpu.memory_space<vmem>>) attributes {dimension_semantics = [#tpu.dimension_semantics<arbitrary>], iteration_bounds = array<i64: 37>, scalar_prefetch = 0 : i64, scratch_operands = 1 : i64, tpu.core_type = #tpu.core_type<tc>, window_params = [{transform_indices = @transform_0, window_bounds = array<i64: 1, 296, 256>}, {transform_indices = @transform_1, window_bounds = array<i64: 8, 296, 256>}, {transform_indices = @transform_2, window_bounds = array<i64: 1, 296, 256>}, {pipeline_mode = #tpu.pipeline_mode<synchronous>, transform_indices = @transform_3, window_bounds = array<i64: 3, 3, 256, 256>}, {pipeline_mode = #tpu.pipeline_mode<synchronous>, transform_indices = @transform_4, window_bounds = array<i64: 256>}, {pipeline_mode = #tpu.pipeline_mode<synchronous>, transform_indices = @transform_5, window_bounds = array<i64: 256>}, {transform_indices = @transform_6, window_bounds = array<i64: 8, 296, 256>}]} {
    %get3A = arith.constant 0 : index
    %get3A_0 = arith.constant 0 : index
    %get3A_1 = arith.constant 0 : index
    %get3A_2 = vector.load %arg1[%get3A, %get3A_0, %get3A_1] : memref<1x296x256xf32, #tpu.memory_space<vmem>>, vector<1x296x256xf32>
    %convert_element_type3A = arith.truncf %get3A_2 : vector<1x296x256xf32> to vector<1x296x256xbf16>
    %get3A_3 = arith.constant 0 : index
    %get3A_4 = arith.constant 0 : index
    %get3A_5 = arith.constant 0 : index
    %get3A_6 = vector.load %arg2[%get3A_3, %get3A_4, %get3A_5] : memref<8x296x256xf32, #tpu.memory_space<vmem>>, vector<8x296x256xf32>
    %convert_element_type3A_7 = arith.truncf %get3A_6 : vector<8x296x256xf32> to vector<8x296x256xbf16>
    %get3A_8 = arith.constant 0 : index
    %get3A_9 = arith.constant 0 : index
    %get3A_10 = arith.constant 0 : index
    %get3A_11 = vector.load %arg3[%get3A_8, %get3A_9, %get3A_10] : memref<1x296x256xf32, #tpu.memory_space<vmem>>, vector<1x296x256xf32>
    %convert_element_type3A_12 = arith.truncf %get3A_11 : vector<1x296x256xf32> to vector<1x296x256xbf16>
    %eq3A = arith.constant 0 : i32
    %eq3A_13 = arith.cmpi eq, %arg0, %eq3A : i32
    %broadcast_in_dim3A = arith.constant 0.000000e+00 : bf16
    %broadcast_in_dim3A_14 = vector.broadcast %broadcast_in_dim3A : bf16 to vector<1x296x256xbf16>
    %select_n3A = arith.select %eq3A_13, %broadcast_in_dim3A_14, %convert_element_type3A : vector<1x296x256xbf16>
    %eq3A_15 = arith.constant 36 : i32
    %eq3A_16 = arith.cmpi eq, %arg0, %eq3A_15 : i32
    %broadcast_in_dim3A_17 = arith.constant 0.000000e+00 : bf16
    %broadcast_in_dim3A_18 = vector.broadcast %broadcast_in_dim3A_17 : bf16 to vector<1x296x256xbf16>
    %select_n3A_19 = arith.select %eq3A_16, %broadcast_in_dim3A_18, %convert_element_type3A_12 : vector<1x296x256xbf16>
    %concatenate3A = tpu.concatenate %select_n3A, %convert_element_type3A_7, %select_n3A_19 in 0 : vector<1x296x256xbf16>, vector<8x296x256xbf16>, vector<1x296x256xbf16> -> vector<10x296x256xbf16>
    %broadcast_in_dim3A_20 = arith.constant 0.000000e+00 : bf16
    %broadcast_in_dim3A_21 = vector.broadcast %broadcast_in_dim3A_20 : bf16 to vector<10x1x256xbf16>
    %concatenate3A_22 = tpu.concatenate %broadcast_in_dim3A_21, %concatenate3A, %broadcast_in_dim3A_21 in 1 : vector<10x1x256xbf16>, vector<10x296x256xbf16>, vector<10x1x256xbf16> -> vector<10x298x256xbf16>
    %slice3A = vector.extract_strided_slice %concatenate3A_22 {offsets = [0, 0, 0], sizes = [10, 296, 256], strides = [1, 1, 1]} : vector<10x298x256xbf16> to vector<10x296x256xbf16>
    %slice3A_23 = vector.extract_strided_slice %slice3A {offsets = [0, 0, 0], sizes = [8, 296, 256], strides = [1, 1, 1]} : vector<10x296x256xbf16> to vector<8x296x256xbf16>
    %reshape3A = vector.shape_cast %slice3A_23 : vector<8x296x256xbf16> to vector<2368x256xbf16>
    %get3A_24 = arith.constant 0 : index
    %get3A_25 = arith.constant 0 : index
    %get3A_26 = arith.constant 0 : index
    %get3A_27 = arith.constant 0 : index
    %get3A_28 = vector.load %arg4[%get3A_24, %get3A_25, %get3A_26, %get3A_27] : memref<3x3x256x256xbf16, #tpu.memory_space<vmem>>, vector<1x1x256x256xbf16>
    %get3A_29 = vector.shape_cast %get3A_28 : vector<1x1x256x256xbf16> to vector<256x256xbf16>
    %dot_general3A = arith.constant dense<0.000000e+00> : vector<2368x256xf32>
    %dot_general3A_30 = tpu.matmul %reshape3A, %get3A_29, %dot_general3A {dimension_numbers = #tpu.dot_dimension_numbers<[1], [0], [0], [1], [0, 0, 1, 1], [], []>, transpose_lhs_hint = false} : vector<2368x256xbf16>, vector<256x256xbf16>, vector<2368x256xf32> -> vector<2368x256xf32>
    %swap3A = arith.constant 0 : index
    %swap3A_31 = arith.constant 0 : index
    %swap3A_32 = vector.load %arg8[%swap3A, %swap3A_31] : memref<2368x256xf32, #tpu.memory_space<vmem>>, vector<2368x256xf32>
    tpu.vector_store %arg8[%swap3A, %swap3A_31], %dot_general3A_30 {strides = array<i32>} : memref<2368x256xf32, #tpu.memory_space<vmem>>, vector<2368x256xf32>,
    %slice3A_33 = vector.extract_strided_slice %slice3A {offsets = [1, 0, 0], sizes = [8, 296, 256], strides = [1, 1, 1]} : vector<10x296x256xbf16> to vector<8x296x256xbf16>
    %reshape3A_34 = vector.shape_cast %slice3A_33 : vector<8x296x256xbf16> to vector<2368x256xbf16>
    %get3A_35 = arith.constant 1 : index
    %get3A_36 = arith.constant 0 : index
    %get3A_37 = arith.constant 0 : index
    %get3A_38 = arith.constant 0 : index
    %get3A_39 = vector.load %arg4[%get3A_35, %get3A_36, %get3A_37, %get3A_38] : memref<3x3x256x256xbf16, #tpu.memory_space<vmem>>, vector<1x1x256x256xbf16>
    %get3A_40 = vector.shape_cast %get3A_39 : vector<1x1x256x256xbf16> to vector<256x256xbf16>
    %dot_general3A_41 = arith.constant dense<0.000000e+00> : vector<2368x256xf32>
    %dot_general3A_42 = tpu.matmul %reshape3A_34, %get3A_40, %dot_general3A_41 {dimension_numbers = #tpu.dot_dimension_numbers<[1], [0], [0], [1], [0, 0, 1, 1], [], []>, transpose_lhs_hint = false} : vector<2368x256xbf16>, vector<256x256xbf16>, vector<2368x256xf32> -> vector<2368x256xf32>
    %get3A_43 = arith.constant 0 : index
    %get3A_44 = arith.constant 0 : index
    %get3A_45 = vector.load %arg8[%get3A_43, %get3A_44] : memref<2368x256xf32, #tpu.memory_space<vmem>>, vector<2368x256xf32>
    %add3A = arith.addf %get3A_45, %dot_general3A_42 : vector<2368x256xf32>
    %swap3A_46 = arith.constant 0 : index
    %swap3A_47 = arith.constant 0 : index
    %swap3A_48 = vector.load %arg8[%swap3A_46, %swap3A_47] : memref<2368x256xf32, #tpu.memory_space<vmem>>, vector<2368x256xf32>
    tpu.vector_store %arg8[%swap3A_46, %swap3A_47], %add3A {strides = array<i32>} : memref<2368x256xf32, #tpu.memory_space<vmem>>, vector<2368x256xf32>,
    %slice3A_49 = vector.extract_strided_slice %slice3A {offsets = [2, 0, 0], sizes = [8, 296, 256], strides = [1, 1, 1]} : vector<10x296x256xbf16> to vector<8x296x256xbf16>
    %reshape3A_50 = vector.shape_cast %slice3A_49 : vector<8x296x256xbf16> to vector<2368x256xbf16>
    %get3A_51 = arith.constant 2 : index
    %get3A_52 = arith.constant 0 : index
    %get3A_53 = arith.constant 0 : index
    %get3A_54 = arith.constant 0 : index
    %get3A_55 = vector.load %arg4[%get3A_51, %get3A_52, %get3A_53, %get3A_54] : memref<3x3x256x256xbf16, #tpu.memory_space<vmem>>, vector<1x1x256x256xbf16>
    %get3A_56 = vector.shape_cast %get3A_55 : vector<1x1x256x256xbf16> to vector<256x256xbf16>
    %dot_general3A_57 = arith.constant dense<0.000000e+00> : vector<2368x256xf32>
    %dot_general3A_58 = tpu.matmul %reshape3A_50, %get3A_56, %dot_general3A_57 {dimension_numbers = #tpu.dot_dimension_numbers<[1], [0], [0], [1], [0, 0, 1, 1], [], []>, transpose_lhs_hint = false} : vector<2368x256xbf16>, vector<256x256xbf16>, vector<2368x256xf32> -> vector<2368x256xf32>
    %get3A_59 = arith.constant 0 : index
    %get3A_60 = arith.constant 0 : index
    %get3A_61 = vector.load %arg8[%get3A_59, %get3A_60] : memref<2368x256xf32, #tpu.memory_space<vmem>>, vector<2368x256xf32>
    %add3A_62 = arith.addf %get3A_61, %dot_general3A_58 : vector<2368x256xf32>
    %swap3A_63 = arith.constant 0 : index
    %swap3A_64 = arith.constant 0 : index
    %swap3A_65 = vector.load %arg8[%swap3A_63, %swap3A_64] : memref<2368x256xf32, #tpu.memory_space<vmem>>, vector<2368x256xf32>
    tpu.vector_store %arg8[%swap3A_63, %swap3A_64], %add3A_62 {strides = array<i32>} : memref<2368x256xf32, #tpu.memory_space<vmem>>, vector<2368x256xf32>,
    %slice3A_66 = vector.extract_strided_slice %concatenate3A_22 {offsets = [0, 1, 0], sizes = [10, 296, 256], strides = [1, 1, 1]} : vector<10x298x256xbf16> to vector<10x296x256xbf16>
    %slice3A_67 = vector.extract_strided_slice %slice3A_66 {offsets = [0, 0, 0], sizes = [8, 296, 256], strides = [1, 1, 1]} : vector<10x296x256xbf16> to vector<8x296x256xbf16>
    %reshape3A_68 = vector.shape_cast %slice3A_67 : vector<8x296x256xbf16> to vector<2368x256xbf16>
    %get3A_69 = arith.constant 0 : index
    %get3A_70 = arith.constant 1 : index
    %get3A_71 = arith.constant 0 : index
    %get3A_72 = arith.constant 0 : index
    %get3A_73 = vector.load %arg4[%get3A_69, %get3A_70, %get3A_71, %get3A_72] : memref<3x3x256x256xbf16, #tpu.memory_space<vmem>>, vector<1x1x256x256xbf16>
    %get3A_74 = vector.shape_cast %get3A_73 : vector<1x1x256x256xbf16> to vector<256x256xbf16>
    %dot_general3A_75 = arith.constant dense<0.000000e+00> : vector<2368x256xf32>
    %dot_general3A_76 = tpu.matmul %reshape3A_68, %get3A_74, %dot_general3A_75 {dimension_numbers = #tpu.dot_dimension_numbers<[1], [0], [0], [1], [0, 0, 1, 1], [], []>, transpose_lhs_hint = false} : vector<2368x256xbf16>, vector<256x256xbf16>, vector<2368x256xf32> -> vector<2368x256xf32>
    %get3A_77 = arith.constant 0 : index
    %get3A_78 = arith.constant 0 : index
    %get3A_79 = vector.load %arg8[%get3A_77, %get3A_78] : memref<2368x256xf32, #tpu.memory_space<vmem>>, vector<2368x256xf32>
    %add3A_80 = arith.addf %get3A_79, %dot_general3A_76 : vector<2368x256xf32>
    %swap3A_81 = arith.constant 0 : index
    %swap3A_82 = arith.constant 0 : index
    %swap3A_83 = vector.load %arg8[%swap3A_81, %swap3A_82] : memref<2368x256xf32, #tpu.memory_space<vmem>>, vector<2368x256xf32>
    tpu.vector_store %arg8[%swap3A_81, %swap3A_82], %add3A_80 {strides = array<i32>} : memref<2368x256xf32, #tpu.memory_space<vmem>>, vector<2368x256xf32>,
    %slice3A_84 = vector.extract_strided_slice %slice3A_66 {offsets = [1, 0, 0], sizes = [8, 296, 256], strides = [1, 1, 1]} : vector<10x296x256xbf16> to vector<8x296x256xbf16>
    %reshape3A_85 = vector.shape_cast %slice3A_84 : vector<8x296x256xbf16> to vector<2368x256xbf16>
    %get3A_86 = arith.constant 1 : index
    %get3A_87 = arith.constant 1 : index
    %get3A_88 = arith.constant 0 : index
    %get3A_89 = arith.constant 0 : index
    %get3A_90 = vector.load %arg4[%get3A_86, %get3A_87, %get3A_88, %get3A_89] : memref<3x3x256x256xbf16, #tpu.memory_space<vmem>>, vector<1x1x256x256xbf16>
    %get3A_91 = vector.shape_cast %get3A_90 : vector<1x1x256x256xbf16> to vector<256x256xbf16>
    %dot_general3A_92 = arith.constant dense<0.000000e+00> : vector<2368x256xf32>
    %dot_general3A_93 = tpu.matmul %reshape3A_85, %get3A_91, %dot_general3A_92 {dimension_numbers = #tpu.dot_dimension_numbers<[1], [0], [0], [1], [0, 0, 1, 1], [], []>, transpose_lhs_hint = false} : vector<2368x256xbf16>, vector<256x256xbf16>, vector<2368x256xf32> -> vector<2368x256xf32>
    %get3A_94 = arith.constant 0 : index
    %get3A_95 = arith.constant 0 : index
    %get3A_96 = vector.load %arg8[%get3A_94, %get3A_95] : memref<2368x256xf32, #tpu.memory_space<vmem>>, vector<2368x256xf32>
    %add3A_97 = arith.addf %get3A_96, %dot_general3A_93 : vector<2368x256xf32>
    %swap3A_98 = arith.constant 0 : index
    %swap3A_99 = arith.constant 0 : index
    %swap3A_100 = vector.load %arg8[%swap3A_98, %swap3A_99] : memref<2368x256xf32, #tpu.memory_space<vmem>>, vector<2368x256xf32>
    tpu.vector_store %arg8[%swap3A_98, %swap3A_99], %add3A_97 {strides = array<i32>} : memref<2368x256xf32, #tpu.memory_space<vmem>>, vector<2368x256xf32>,
    %slice3A_101 = vector.extract_strided_slice %slice3A_66 {offsets = [2, 0, 0], sizes = [8, 296, 256], strides = [1, 1, 1]} : vector<10x296x256xbf16> to vector<8x296x256xbf16>
    %reshape3A_102 = vector.shape_cast %slice3A_101 : vector<8x296x256xbf16> to vector<2368x256xbf16>
    %get3A_103 = arith.constant 2 : index
    %get3A_104 = arith.constant 1 : index
    %get3A_105 = arith.constant 0 : index
    %get3A_106 = arith.constant 0 : index
    %get3A_107 = vector.load %arg4[%get3A_103, %get3A_104, %get3A_105, %get3A_106] : memref<3x3x256x256xbf16, #tpu.memory_space<vmem>>, vector<1x1x256x256xbf16>
    %get3A_108 = vector.shape_cast %get3A_107 : vector<1x1x256x256xbf16> to vector<256x256xbf16>
    %dot_general3A_109 = arith.constant dense<0.000000e+00> : vector<2368x256xf32>
    %dot_general3A_110 = tpu.matmul %reshape3A_102, %get3A_108, %dot_general3A_109 {dimension_numbers = #tpu.dot_dimension_numbers<[1], [0], [0], [1], [0, 0, 1, 1], [], []>, transpose_lhs_hint = false} : vector<2368x256xbf16>, vector<256x256xbf16>, vector<2368x256xf32> -> vector<2368x256xf32>
    %get3A_111 = arith.constant 0 : index
    %get3A_112 = arith.constant 0 : index
    %get3A_113 = vector.load %arg8[%get3A_111, %get3A_112] : memref<2368x256xf32, #tpu.memory_space<vmem>>, vector<2368x256xf32>
    %add3A_114 = arith.addf %get3A_113, %dot_general3A_110 : vector<2368x256xf32>
    %swap3A_115 = arith.constant 0 : index
    %swap3A_116 = arith.constant 0 : index
    %swap3A_117 = vector.load %arg8[%swap3A_115, %swap3A_116] : memref<2368x256xf32, #tpu.memory_space<vmem>>, vector<2368x256xf32>
    tpu.vector_store %arg8[%swap3A_115, %swap3A_116], %add3A_114 {strides = array<i32>} : memref<2368x256xf32, #tpu.memory_space<vmem>>, vector<2368x256xf32>,
    %slice3A_118 = vector.extract_strided_slice %concatenate3A_22 {offsets = [0, 2, 0], sizes = [10, 296, 256], strides = [1, 1, 1]} : vector<10x298x256xbf16> to vector<10x296x256xbf16>
    %slice3A_119 = vector.extract_strided_slice %slice3A_118 {offsets = [0, 0, 0], sizes = [8, 296, 256], strides = [1, 1, 1]} : vector<10x296x256xbf16> to vector<8x296x256xbf16>
    %reshape3A_120 = vector.shape_cast %slice3A_119 : vector<8x296x256xbf16> to vector<2368x256xbf16>
    %get3A_121 = arith.constant 0 : index
    %get3A_122 = arith.constant 2 : index
    %get3A_123 = arith.constant 0 : index
    %get3A_124 = arith.constant 0 : index
    %get3A_125 = vector.load %arg4[%get3A_121, %get3A_122, %get3A_123, %get3A_124] : memref<3x3x256x256xbf16, #tpu.memory_space<vmem>>, vector<1x1x256x256xbf16>
    %get3A_126 = vector.shape_cast %get3A_125 : vector<1x1x256x256xbf16> to vector<256x256xbf16>
    %dot_general3A_127 = arith.constant dense<0.000000e+00> : vector<2368x256xf32>
    %dot_general3A_128 = tpu.matmul %reshape3A_120, %get3A_126, %dot_general3A_127 {dimension_numbers = #tpu.dot_dimension_numbers<[1], [0], [0], [1], [0, 0, 1, 1], [], []>, transpose_lhs_hint = false} : vector<2368x256xbf16>, vector<256x256xbf16>, vector<2368x256xf32> -> vector<2368x256xf32>
    %get3A_129 = arith.constant 0 : index
    %get3A_130 = arith.constant 0 : index
    %get3A_131 = vector.load %arg8[%get3A_129, %get3A_130] : memref<2368x256xf32, #tpu.memory_space<vmem>>, vector<2368x256xf32>
    %add3A_132 = arith.addf %get3A_131, %dot_general3A_128 : vector<2368x256xf32>
    %swap3A_133 = arith.constant 0 : index
    %swap3A_134 = arith.constant 0 : index
    %swap3A_135 = vector.load %arg8[%swap3A_133, %swap3A_134] : memref<2368x256xf32, #tpu.memory_space<vmem>>, vector<2368x256xf32>
    tpu.vector_store %arg8[%swap3A_133, %swap3A_134], %add3A_132 {strides = array<i32>} : memref<2368x256xf32, #tpu.memory_space<vmem>>, vector<2368x256xf32>,
    %slice3A_136 = vector.extract_strided_slice %slice3A_118 {offsets = [1, 0, 0], sizes = [8, 296, 256], strides = [1, 1, 1]} : vector<10x296x256xbf16> to vector<8x296x256xbf16>
    %reshape3A_137 = vector.shape_cast %slice3A_136 : vector<8x296x256xbf16> to vector<2368x256xbf16>
    %get3A_138 = arith.constant 1 : index
    %get3A_139 = arith.constant 2 : index
    %get3A_140 = arith.constant 0 : index
    %get3A_141 = arith.constant 0 : index
    %get3A_142 = vector.load %arg4[%get3A_138, %get3A_139, %get3A_140, %get3A_141] : memref<3x3x256x256xbf16, #tpu.memory_space<vmem>>, vector<1x1x256x256xbf16>
    %get3A_143 = vector.shape_cast %get3A_142 : vector<1x1x256x256xbf16> to vector<256x256xbf16>
    %dot_general3A_144 = arith.constant dense<0.000000e+00> : vector<2368x256xf32>
    %dot_general3A_145 = tpu.matmul %reshape3A_137, %get3A_143, %dot_general3A_144 {dimension_numbers = #tpu.dot_dimension_numbers<[1], [0], [0], [1], [0, 0, 1, 1], [], []>, transpose_lhs_hint = false} : vector<2368x256xbf16>, vector<256x256xbf16>, vector<2368x256xf32> -> vector<2368x256xf32>
    %get3A_146 = arith.constant 0 : index
    %get3A_147 = arith.constant 0 : index
    %get3A_148 = vector.load %arg8[%get3A_146, %get3A_147] : memref<2368x256xf32, #tpu.memory_space<vmem>>, vector<2368x256xf32>
    %add3A_149 = arith.addf %get3A_148, %dot_general3A_145 : vector<2368x256xf32>
    %swap3A_150 = arith.constant 0 : index
    %swap3A_151 = arith.constant 0 : index
    %swap3A_152 = vector.load %arg8[%swap3A_150, %swap3A_151] : memref<2368x256xf32, #tpu.memory_space<vmem>>, vector<2368x256xf32>
    tpu.vector_store %arg8[%swap3A_150, %swap3A_151], %add3A_149 {strides = array<i32>} : memref<2368x256xf32, #tpu.memory_space<vmem>>, vector<2368x256xf32>,
    %slice3A_153 = vector.extract_strided_slice %slice3A_118 {offsets = [2, 0, 0], sizes = [8, 296, 256], strides = [1, 1, 1]} : vector<10x296x256xbf16> to vector<8x296x256xbf16>
    %reshape3A_154 = vector.shape_cast %slice3A_153 : vector<8x296x256xbf16> to vector<2368x256xbf16>
    %get3A_155 = arith.constant 2 : index
    %get3A_156 = arith.constant 2 : index
    %get3A_157 = arith.constant 0 : index
    %get3A_158 = arith.constant 0 : index
    %get3A_159 = vector.load %arg4[%get3A_155, %get3A_156, %get3A_157, %get3A_158] : memref<3x3x256x256xbf16, #tpu.memory_space<vmem>>, vector<1x1x256x256xbf16>
    %get3A_160 = vector.shape_cast %get3A_159 : vector<1x1x256x256xbf16> to vector<256x256xbf16>
    %dot_general3A_161 = arith.constant dense<0.000000e+00> : vector<2368x256xf32>
    %dot_general3A_162 = tpu.matmul %reshape3A_154, %get3A_160, %dot_general3A_161 {dimension_numbers = #tpu.dot_dimension_numbers<[1], [0], [0], [1], [0, 0, 1, 1], [], []>, transpose_lhs_hint = false} : vector<2368x256xbf16>, vector<256x256xbf16>, vector<2368x256xf32> -> vector<2368x256xf32>
    %get3A_163 = arith.constant 0 : index
    %get3A_164 = arith.constant 0 : index
    %get3A_165 = vector.load %arg8[%get3A_163, %get3A_164] : memref<2368x256xf32, #tpu.memory_space<vmem>>, vector<2368x256xf32>
    %add3A_166 = arith.addf %get3A_165, %dot_general3A_162 : vector<2368x256xf32>
    %swap3A_167 = arith.constant 0 : index
    %swap3A_168 = arith.constant 0 : index
    %swap3A_169 = vector.load %arg8[%swap3A_167, %swap3A_168] : memref<2368x256xf32, #tpu.memory_space<vmem>>, vector<2368x256xf32>
    tpu.vector_store %arg8[%swap3A_167, %swap3A_168], %add3A_166 {strides = array<i32>} : memref<2368x256xf32, #tpu.memory_space<vmem>>, vector<2368x256xf32>,
    %get3A_170 = arith.constant 0 : index
    %get3A_171 = arith.constant 0 : index
    %get3A_172 = vector.load %arg8[%get3A_170, %get3A_171] : memref<2368x256xf32, #tpu.memory_space<vmem>>, vector<2368x256xf32>
    %get3A_173 = arith.constant 0 : index
    %get3A_174 = vector.load %arg5[%get3A_173] : memref<256xf32, #tpu.memory_space<vmem>>, vector<256xf32>
    %broadcast_in_dim3A_175 = vector.shape_cast %get3A_174 : vector<256xf32> to vector<1x256xf32>
    %mul3A = vector.broadcast %broadcast_in_dim3A_175 : vector<1x256xf32> to vector<2368x256xf32>
    %mul3A_176 = arith.mulf %get3A_172, %mul3A : vector<2368x256xf32>
    %get3A_177 = arith.constant 0 : index
    %get3A_178 = vector.load %arg6[%get3A_177] : memref<256xf32, #tpu.memory_space<vmem>>, vector<256xf32>
    %broadcast_in_dim3A_179 = vector.shape_cast %get3A_178 : vector<256xf32> to vector<1x256xf32>
    %add3A_180 = vector.broadcast %broadcast_in_dim3A_179 : vector<1x256xf32> to vector<2368x256xf32>
    %add3A_181 = arith.addf %mul3A_176, %add3A_180 : vector<2368x256xf32>
    %max3A = arith.constant 0.000000e+00 : f32
    %max3A_182 = vector.broadcast %max3A : f32 to vector<2368x256xf32>
    %max3A_183 = arith.maximumf %add3A_181, %max3A_182 : vector<2368x256xf32>
    %reshape3A_184 = vector.shape_cast %max3A_183 : vector<2368x256xf32> to vector<8x296x256xf32>
    %convert_element_type3A_185 = arith.truncf %reshape3A_184 : vector<8x296x256xf32> to vector<8x296x256xbf16>
    %swap3A_186 = arith.constant 0 : index
    %swap3A_187 = arith.constant 0 : index
    %swap3A_188 = arith.constant 0 : index
    %swap3A_189 = vector.load %arg7[%swap3A_186, %swap3A_187, %swap3A_188] : memref<8x296x256xbf16, #tpu.memory_space<vmem>>, vector<8x296x256xbf16>
    tpu.vector_store %arg7[%swap3A_186, %swap3A_187, %swap3A_188], %convert_element_type3A_185 {strides = array<i32>} : memref<8x296x256xbf16, #tpu.memory_space<vmem>>, vector<8x296x256xbf16>,
    return
  }
  func.func @transform_0(%arg0: i32) -> (i32, i32, i32) {
    %mul3A = arith.constant 8 : i32
    %mul3A_0 = arith.muli %arg0, %mul3A : i32
    %sub3A = arith.constant 1 : i32
    %sub3A_1 = arith.subi %mul3A_0, %sub3A : i32
    %max3A = arith.constant 0 : i32
    %max3A_2 = arith.maxsi %sub3A_1, %max3A : i32
    %c0_i32 = arith.constant 0 : i32
    %c0_i32_3 = arith.constant 0 : i32
    %c0_i32_4 = arith.constant 0 : i32
    return %max3A_2, %c0_i32, %c0_i32_3 : i32, i32, i32
  }
  func.func @transform_1(%arg0: i32) -> (i32, i32, i32) {
    %c0_i32 = arith.constant 0 : i32
    %c0_i32_0 = arith.constant 0 : i32
    %c0_i32_1 = arith.constant 0 : i32
    return %arg0, %c0_i32, %c0_i32_0 : i32, i32, i32
  }
  func.func @transform_2(%arg0: i32) -> (i32, i32, i32) {
    %mul3A = arith.constant 8 : i32
    %mul3A_0 = arith.muli %arg0, %mul3A : i32
    %add3A = arith.constant 8 : i32
    %add3A_1 = arith.addi %mul3A_0, %add3A : i32
    %min3A = arith.constant 295 : i32
    %min3A_2 = arith.minsi %add3A_1, %min3A : i32
    %c0_i32 = arith.constant 0 : i32
    %c0_i32_3 = arith.constant 0 : i32
    %c0_i32_4 = arith.constant 0 : i32
    return %min3A_2, %c0_i32, %c0_i32_3 : i32, i32, i32
  }
  func.func @transform_3(%arg0: i32) -> (i32, i32, i32, i32) {
    %c0_i32 = arith.constant 0 : i32
    %c0_i32_0 = arith.constant 0 : i32
    %c0_i32_1 = arith.constant 0 : i32
    %c0_i32_2 = arith.constant 0 : i32
    %c0_i32_3 = arith.constant 0 : i32
    return %c0_i32, %c0_i32_0, %c0_i32_1, %c0_i32_2 : i32, i32, i32, i32
  }
  func.func @transform_4(%arg0: i32) -> i32 {
    %c0_i32 = arith.constant 0 : i32
    %c0_i32_0 = arith.constant 0 : i32
    return %c0_i32 : i32
  }
  func.func @transform_5(%arg0: i32) -> i32 {
    %c0_i32 = arith.constant 0 : i32
    %c0_i32_0 = arith.constant 0 : i32
    return %c0_i32 : i32
  }
  func.func @transform_6(%arg0: i32) -> (i32, i32, i32) {
    %c0_i32 = arith.constant 0 : i32
    %c0_i32_0 = arith.constant 0 : i32
    %c0_i32_1 = arith.constant 0 : i32
    return %arg0, %c0_i32, %c0_i32_0 : i32, i32, i32
  }
}

module attributes {stable_mosaic.version = 14 : i64} {
  func.func @body(%arg0: i32, %arg1: memref<1x296x256xbf16, #tpu.memory_space<vmem>>, %arg2: memref<8x296x256xbf16, #tpu.memory_space<vmem>>, %arg3: memref<1x296x256xbf16, #tpu.memory_space<vmem>>, %arg4: memref<3x3x256x256xbf16, #tpu.memory_space<vmem>>, %arg5: memref<256xf32, #tpu.memory_space<vmem>>, %arg6: memref<256xf32, #tpu.memory_space<vmem>>, %arg7: memref<8x296x256xbf16, #tpu.memory_space<vmem>>, %arg8: memref<2368x256xf32, #tpu.memory_space<vmem>>) attributes {dimension_semantics = [#tpu.dimension_semantics<arbitrary>], iteration_bounds = array<i64: 37>, scalar_prefetch = 0 : i64, scratch_operands = 1 : i64, tpu.core_type = #tpu.core_type<tc>, window_params = [{transform_indices = @transform_0, window_bounds = array<i64: 1, 296, 256>}, {transform_indices = @transform_1, window_bounds = array<i64: 8, 296, 256>}, {transform_indices = @transform_2, window_bounds = array<i64: 1, 296, 256>}, {pipeline_mode = #tpu.pipeline_mode<synchronous>, transform_indices = @transform_3, window_bounds = array<i64: 3, 3, 256, 256>}, {pipeline_mode = #tpu.pipeline_mode<synchronous>, transform_indices = @transform_4, window_bounds = array<i64: 256>}, {pipeline_mode = #tpu.pipeline_mode<synchronous>, transform_indices = @transform_5, window_bounds = array<i64: 256>}, {transform_indices = @transform_6, window_bounds = array<i64: 8, 296, 256>}]} {
    %get3A = arith.constant 0 : index
    %get3A_0 = arith.constant 0 : index
    %get3A_1 = arith.constant 0 : index
    %get3A_2 = vector.load %arg1[%get3A, %get3A_0, %get3A_1] : memref<1x296x256xbf16, #tpu.memory_space<vmem>>, vector<1x296x256xbf16>
    %get3A_3 = arith.constant 0 : index
    %get3A_4 = arith.constant 0 : index
    %get3A_5 = arith.constant 0 : index
    %get3A_6 = vector.load %arg2[%get3A_3, %get3A_4, %get3A_5] : memref<8x296x256xbf16, #tpu.memory_space<vmem>>, vector<8x296x256xbf16>
    %get3A_7 = arith.constant 0 : index
    %get3A_8 = arith.constant 0 : index
    %get3A_9 = arith.constant 0 : index
    %get3A_10 = vector.load %arg3[%get3A_7, %get3A_8, %get3A_9] : memref<1x296x256xbf16, #tpu.memory_space<vmem>>, vector<1x296x256xbf16>
    %eq3A = arith.constant 0 : i32
    %eq3A_11 = arith.cmpi eq, %arg0, %eq3A : i32
    %broadcast_in_dim3A = arith.constant 0.000000e+00 : bf16
    %broadcast_in_dim3A_12 = vector.broadcast %broadcast_in_dim3A : bf16 to vector<1x296x256xbf16>
    %select_n3A = arith.select %eq3A_11, %broadcast_in_dim3A_12, %get3A_2 : vector<1x296x256xbf16>
    %eq3A_13 = arith.constant 36 : i32
    %eq3A_14 = arith.cmpi eq, %arg0, %eq3A_13 : i32
    %broadcast_in_dim3A_15 = arith.constant 0.000000e+00 : bf16
    %broadcast_in_dim3A_16 = vector.broadcast %broadcast_in_dim3A_15 : bf16 to vector<1x296x256xbf16>
    %select_n3A_17 = arith.select %eq3A_14, %broadcast_in_dim3A_16, %get3A_10 : vector<1x296x256xbf16>
    %concatenate3A = tpu.concatenate %select_n3A, %get3A_6, %select_n3A_17 in 0 : vector<1x296x256xbf16>, vector<8x296x256xbf16>, vector<1x296x256xbf16> -> vector<10x296x256xbf16>
    %broadcast_in_dim3A_18 = arith.constant 0.000000e+00 : bf16
    %broadcast_in_dim3A_19 = vector.broadcast %broadcast_in_dim3A_18 : bf16 to vector<10x1x256xbf16>
    %concatenate3A_20 = tpu.concatenate %broadcast_in_dim3A_19, %concatenate3A, %broadcast_in_dim3A_19 in 1 : vector<10x1x256xbf16>, vector<10x296x256xbf16>, vector<10x1x256xbf16> -> vector<10x298x256xbf16>
    %slice3A = vector.extract_strided_slice %concatenate3A_20 {offsets = [0, 0, 0], sizes = [10, 296, 256], strides = [1, 1, 1]} : vector<10x298x256xbf16> to vector<10x296x256xbf16>
    %slice3A_21 = vector.extract_strided_slice %slice3A {offsets = [0, 0, 0], sizes = [8, 296, 256], strides = [1, 1, 1]} : vector<10x296x256xbf16> to vector<8x296x256xbf16>
    %reshape3A = vector.shape_cast %slice3A_21 : vector<8x296x256xbf16> to vector<2368x256xbf16>
    %get3A_22 = arith.constant 0 : index
    %get3A_23 = arith.constant 0 : index
    %get3A_24 = arith.constant 0 : index
    %get3A_25 = arith.constant 0 : index
    %get3A_26 = vector.load %arg4[%get3A_22, %get3A_23, %get3A_24, %get3A_25] : memref<3x3x256x256xbf16, #tpu.memory_space<vmem>>, vector<1x1x256x256xbf16>
    %get3A_27 = vector.shape_cast %get3A_26 : vector<1x1x256x256xbf16> to vector<256x256xbf16>
    %dot_general3A = arith.constant dense<0.000000e+00> : vector<2368x256xf32>
    %dot_general3A_28 = tpu.matmul %reshape3A, %get3A_27, %dot_general3A {dimension_numbers = #tpu.dot_dimension_numbers<[1], [0], [0], [1], [0, 0, 1, 1], [], []>, transpose_lhs_hint = false} : vector<2368x256xbf16>, vector<256x256xbf16>, vector<2368x256xf32> -> vector<2368x256xf32>
    %swap3A = arith.constant 0 : index
    %swap3A_29 = arith.constant 0 : index
    %swap3A_30 = vector.load %arg8[%swap3A, %swap3A_29] : memref<2368x256xf32, #tpu.memory_space<vmem>>, vector<2368x256xf32>
    tpu.vector_store %arg8[%swap3A, %swap3A_29], %dot_general3A_28 {strides = array<i32>} : memref<2368x256xf32, #tpu.memory_space<vmem>>, vector<2368x256xf32>,
    %slice3A_31 = vector.extract_strided_slice %slice3A {offsets = [1, 0, 0], sizes = [8, 296, 256], strides = [1, 1, 1]} : vector<10x296x256xbf16> to vector<8x296x256xbf16>
    %reshape3A_32 = vector.shape_cast %slice3A_31 : vector<8x296x256xbf16> to vector<2368x256xbf16>
    %get3A_33 = arith.constant 1 : index
    %get3A_34 = arith.constant 0 : index
    %get3A_35 = arith.constant 0 : index
    %get3A_36 = arith.constant 0 : index
    %get3A_37 = vector.load %arg4[%get3A_33, %get3A_34, %get3A_35, %get3A_36] : memref<3x3x256x256xbf16, #tpu.memory_space<vmem>>, vector<1x1x256x256xbf16>
    %get3A_38 = vector.shape_cast %get3A_37 : vector<1x1x256x256xbf16> to vector<256x256xbf16>
    %dot_general3A_39 = arith.constant dense<0.000000e+00> : vector<2368x256xf32>
    %dot_general3A_40 = tpu.matmul %reshape3A_32, %get3A_38, %dot_general3A_39 {dimension_numbers = #tpu.dot_dimension_numbers<[1], [0], [0], [1], [0, 0, 1, 1], [], []>, transpose_lhs_hint = false} : vector<2368x256xbf16>, vector<256x256xbf16>, vector<2368x256xf32> -> vector<2368x256xf32>
    %get3A_41 = arith.constant 0 : index
    %get3A_42 = arith.constant 0 : index
    %get3A_43 = vector.load %arg8[%get3A_41, %get3A_42] : memref<2368x256xf32, #tpu.memory_space<vmem>>, vector<2368x256xf32>
    %add3A = arith.addf %get3A_43, %dot_general3A_40 : vector<2368x256xf32>
    %swap3A_44 = arith.constant 0 : index
    %swap3A_45 = arith.constant 0 : index
    %swap3A_46 = vector.load %arg8[%swap3A_44, %swap3A_45] : memref<2368x256xf32, #tpu.memory_space<vmem>>, vector<2368x256xf32>
    tpu.vector_store %arg8[%swap3A_44, %swap3A_45], %add3A {strides = array<i32>} : memref<2368x256xf32, #tpu.memory_space<vmem>>, vector<2368x256xf32>,
    %slice3A_47 = vector.extract_strided_slice %slice3A {offsets = [2, 0, 0], sizes = [8, 296, 256], strides = [1, 1, 1]} : vector<10x296x256xbf16> to vector<8x296x256xbf16>
    %reshape3A_48 = vector.shape_cast %slice3A_47 : vector<8x296x256xbf16> to vector<2368x256xbf16>
    %get3A_49 = arith.constant 2 : index
    %get3A_50 = arith.constant 0 : index
    %get3A_51 = arith.constant 0 : index
    %get3A_52 = arith.constant 0 : index
    %get3A_53 = vector.load %arg4[%get3A_49, %get3A_50, %get3A_51, %get3A_52] : memref<3x3x256x256xbf16, #tpu.memory_space<vmem>>, vector<1x1x256x256xbf16>
    %get3A_54 = vector.shape_cast %get3A_53 : vector<1x1x256x256xbf16> to vector<256x256xbf16>
    %dot_general3A_55 = arith.constant dense<0.000000e+00> : vector<2368x256xf32>
    %dot_general3A_56 = tpu.matmul %reshape3A_48, %get3A_54, %dot_general3A_55 {dimension_numbers = #tpu.dot_dimension_numbers<[1], [0], [0], [1], [0, 0, 1, 1], [], []>, transpose_lhs_hint = false} : vector<2368x256xbf16>, vector<256x256xbf16>, vector<2368x256xf32> -> vector<2368x256xf32>
    %get3A_57 = arith.constant 0 : index
    %get3A_58 = arith.constant 0 : index
    %get3A_59 = vector.load %arg8[%get3A_57, %get3A_58] : memref<2368x256xf32, #tpu.memory_space<vmem>>, vector<2368x256xf32>
    %add3A_60 = arith.addf %get3A_59, %dot_general3A_56 : vector<2368x256xf32>
    %swap3A_61 = arith.constant 0 : index
    %swap3A_62 = arith.constant 0 : index
    %swap3A_63 = vector.load %arg8[%swap3A_61, %swap3A_62] : memref<2368x256xf32, #tpu.memory_space<vmem>>, vector<2368x256xf32>
    tpu.vector_store %arg8[%swap3A_61, %swap3A_62], %add3A_60 {strides = array<i32>} : memref<2368x256xf32, #tpu.memory_space<vmem>>, vector<2368x256xf32>,
    %slice3A_64 = vector.extract_strided_slice %concatenate3A_20 {offsets = [0, 1, 0], sizes = [10, 296, 256], strides = [1, 1, 1]} : vector<10x298x256xbf16> to vector<10x296x256xbf16>
    %slice3A_65 = vector.extract_strided_slice %slice3A_64 {offsets = [0, 0, 0], sizes = [8, 296, 256], strides = [1, 1, 1]} : vector<10x296x256xbf16> to vector<8x296x256xbf16>
    %reshape3A_66 = vector.shape_cast %slice3A_65 : vector<8x296x256xbf16> to vector<2368x256xbf16>
    %get3A_67 = arith.constant 0 : index
    %get3A_68 = arith.constant 1 : index
    %get3A_69 = arith.constant 0 : index
    %get3A_70 = arith.constant 0 : index
    %get3A_71 = vector.load %arg4[%get3A_67, %get3A_68, %get3A_69, %get3A_70] : memref<3x3x256x256xbf16, #tpu.memory_space<vmem>>, vector<1x1x256x256xbf16>
    %get3A_72 = vector.shape_cast %get3A_71 : vector<1x1x256x256xbf16> to vector<256x256xbf16>
    %dot_general3A_73 = arith.constant dense<0.000000e+00> : vector<2368x256xf32>
    %dot_general3A_74 = tpu.matmul %reshape3A_66, %get3A_72, %dot_general3A_73 {dimension_numbers = #tpu.dot_dimension_numbers<[1], [0], [0], [1], [0, 0, 1, 1], [], []>, transpose_lhs_hint = false} : vector<2368x256xbf16>, vector<256x256xbf16>, vector<2368x256xf32> -> vector<2368x256xf32>
    %get3A_75 = arith.constant 0 : index
    %get3A_76 = arith.constant 0 : index
    %get3A_77 = vector.load %arg8[%get3A_75, %get3A_76] : memref<2368x256xf32, #tpu.memory_space<vmem>>, vector<2368x256xf32>
    %add3A_78 = arith.addf %get3A_77, %dot_general3A_74 : vector<2368x256xf32>
    %swap3A_79 = arith.constant 0 : index
    %swap3A_80 = arith.constant 0 : index
    %swap3A_81 = vector.load %arg8[%swap3A_79, %swap3A_80] : memref<2368x256xf32, #tpu.memory_space<vmem>>, vector<2368x256xf32>
    tpu.vector_store %arg8[%swap3A_79, %swap3A_80], %add3A_78 {strides = array<i32>} : memref<2368x256xf32, #tpu.memory_space<vmem>>, vector<2368x256xf32>,
    %slice3A_82 = vector.extract_strided_slice %slice3A_64 {offsets = [1, 0, 0], sizes = [8, 296, 256], strides = [1, 1, 1]} : vector<10x296x256xbf16> to vector<8x296x256xbf16>
    %reshape3A_83 = vector.shape_cast %slice3A_82 : vector<8x296x256xbf16> to vector<2368x256xbf16>
    %get3A_84 = arith.constant 1 : index
    %get3A_85 = arith.constant 1 : index
    %get3A_86 = arith.constant 0 : index
    %get3A_87 = arith.constant 0 : index
    %get3A_88 = vector.load %arg4[%get3A_84, %get3A_85, %get3A_86, %get3A_87] : memref<3x3x256x256xbf16, #tpu.memory_space<vmem>>, vector<1x1x256x256xbf16>
    %get3A_89 = vector.shape_cast %get3A_88 : vector<1x1x256x256xbf16> to vector<256x256xbf16>
    %dot_general3A_90 = arith.constant dense<0.000000e+00> : vector<2368x256xf32>
    %dot_general3A_91 = tpu.matmul %reshape3A_83, %get3A_89, %dot_general3A_90 {dimension_numbers = #tpu.dot_dimension_numbers<[1], [0], [0], [1], [0, 0, 1, 1], [], []>, transpose_lhs_hint = false} : vector<2368x256xbf16>, vector<256x256xbf16>, vector<2368x256xf32> -> vector<2368x256xf32>
    %get3A_92 = arith.constant 0 : index
    %get3A_93 = arith.constant 0 : index
    %get3A_94 = vector.load %arg8[%get3A_92, %get3A_93] : memref<2368x256xf32, #tpu.memory_space<vmem>>, vector<2368x256xf32>
    %add3A_95 = arith.addf %get3A_94, %dot_general3A_91 : vector<2368x256xf32>
    %swap3A_96 = arith.constant 0 : index
    %swap3A_97 = arith.constant 0 : index
    %swap3A_98 = vector.load %arg8[%swap3A_96, %swap3A_97] : memref<2368x256xf32, #tpu.memory_space<vmem>>, vector<2368x256xf32>
    tpu.vector_store %arg8[%swap3A_96, %swap3A_97], %add3A_95 {strides = array<i32>} : memref<2368x256xf32, #tpu.memory_space<vmem>>, vector<2368x256xf32>,
    %slice3A_99 = vector.extract_strided_slice %slice3A_64 {offsets = [2, 0, 0], sizes = [8, 296, 256], strides = [1, 1, 1]} : vector<10x296x256xbf16> to vector<8x296x256xbf16>
    %reshape3A_100 = vector.shape_cast %slice3A_99 : vector<8x296x256xbf16> to vector<2368x256xbf16>
    %get3A_101 = arith.constant 2 : index
    %get3A_102 = arith.constant 1 : index
    %get3A_103 = arith.constant 0 : index
    %get3A_104 = arith.constant 0 : index
    %get3A_105 = vector.load %arg4[%get3A_101, %get3A_102, %get3A_103, %get3A_104] : memref<3x3x256x256xbf16, #tpu.memory_space<vmem>>, vector<1x1x256x256xbf16>
    %get3A_106 = vector.shape_cast %get3A_105 : vector<1x1x256x256xbf16> to vector<256x256xbf16>
    %dot_general3A_107 = arith.constant dense<0.000000e+00> : vector<2368x256xf32>
    %dot_general3A_108 = tpu.matmul %reshape3A_100, %get3A_106, %dot_general3A_107 {dimension_numbers = #tpu.dot_dimension_numbers<[1], [0], [0], [1], [0, 0, 1, 1], [], []>, transpose_lhs_hint = false} : vector<2368x256xbf16>, vector<256x256xbf16>, vector<2368x256xf32> -> vector<2368x256xf32>
    %get3A_109 = arith.constant 0 : index
    %get3A_110 = arith.constant 0 : index
    %get3A_111 = vector.load %arg8[%get3A_109, %get3A_110] : memref<2368x256xf32, #tpu.memory_space<vmem>>, vector<2368x256xf32>
    %add3A_112 = arith.addf %get3A_111, %dot_general3A_108 : vector<2368x256xf32>
    %swap3A_113 = arith.constant 0 : index
    %swap3A_114 = arith.constant 0 : index
    %swap3A_115 = vector.load %arg8[%swap3A_113, %swap3A_114] : memref<2368x256xf32, #tpu.memory_space<vmem>>, vector<2368x256xf32>
    tpu.vector_store %arg8[%swap3A_113, %swap3A_114], %add3A_112 {strides = array<i32>} : memref<2368x256xf32, #tpu.memory_space<vmem>>, vector<2368x256xf32>,
    %slice3A_116 = vector.extract_strided_slice %concatenate3A_20 {offsets = [0, 2, 0], sizes = [10, 296, 256], strides = [1, 1, 1]} : vector<10x298x256xbf16> to vector<10x296x256xbf16>
    %slice3A_117 = vector.extract_strided_slice %slice3A_116 {offsets = [0, 0, 0], sizes = [8, 296, 256], strides = [1, 1, 1]} : vector<10x296x256xbf16> to vector<8x296x256xbf16>
    %reshape3A_118 = vector.shape_cast %slice3A_117 : vector<8x296x256xbf16> to vector<2368x256xbf16>
    %get3A_119 = arith.constant 0 : index
    %get3A_120 = arith.constant 2 : index
    %get3A_121 = arith.constant 0 : index
    %get3A_122 = arith.constant 0 : index
    %get3A_123 = vector.load %arg4[%get3A_119, %get3A_120, %get3A_121, %get3A_122] : memref<3x3x256x256xbf16, #tpu.memory_space<vmem>>, vector<1x1x256x256xbf16>
    %get3A_124 = vector.shape_cast %get3A_123 : vector<1x1x256x256xbf16> to vector<256x256xbf16>
    %dot_general3A_125 = arith.constant dense<0.000000e+00> : vector<2368x256xf32>
    %dot_general3A_126 = tpu.matmul %reshape3A_118, %get3A_124, %dot_general3A_125 {dimension_numbers = #tpu.dot_dimension_numbers<[1], [0], [0], [1], [0, 0, 1, 1], [], []>, transpose_lhs_hint = false} : vector<2368x256xbf16>, vector<256x256xbf16>, vector<2368x256xf32> -> vector<2368x256xf32>
    %get3A_127 = arith.constant 0 : index
    %get3A_128 = arith.constant 0 : index
    %get3A_129 = vector.load %arg8[%get3A_127, %get3A_128] : memref<2368x256xf32, #tpu.memory_space<vmem>>, vector<2368x256xf32>
    %add3A_130 = arith.addf %get3A_129, %dot_general3A_126 : vector<2368x256xf32>
    %swap3A_131 = arith.constant 0 : index
    %swap3A_132 = arith.constant 0 : index
    %swap3A_133 = vector.load %arg8[%swap3A_131, %swap3A_132] : memref<2368x256xf32, #tpu.memory_space<vmem>>, vector<2368x256xf32>
    tpu.vector_store %arg8[%swap3A_131, %swap3A_132], %add3A_130 {strides = array<i32>} : memref<2368x256xf32, #tpu.memory_space<vmem>>, vector<2368x256xf32>,
    %slice3A_134 = vector.extract_strided_slice %slice3A_116 {offsets = [1, 0, 0], sizes = [8, 296, 256], strides = [1, 1, 1]} : vector<10x296x256xbf16> to vector<8x296x256xbf16>
    %reshape3A_135 = vector.shape_cast %slice3A_134 : vector<8x296x256xbf16> to vector<2368x256xbf16>
    %get3A_136 = arith.constant 1 : index
    %get3A_137 = arith.constant 2 : index
    %get3A_138 = arith.constant 0 : index
    %get3A_139 = arith.constant 0 : index
    %get3A_140 = vector.load %arg4[%get3A_136, %get3A_137, %get3A_138, %get3A_139] : memref<3x3x256x256xbf16, #tpu.memory_space<vmem>>, vector<1x1x256x256xbf16>
    %get3A_141 = vector.shape_cast %get3A_140 : vector<1x1x256x256xbf16> to vector<256x256xbf16>
    %dot_general3A_142 = arith.constant dense<0.000000e+00> : vector<2368x256xf32>
    %dot_general3A_143 = tpu.matmul %reshape3A_135, %get3A_141, %dot_general3A_142 {dimension_numbers = #tpu.dot_dimension_numbers<[1], [0], [0], [1], [0, 0, 1, 1], [], []>, transpose_lhs_hint = false} : vector<2368x256xbf16>, vector<256x256xbf16>, vector<2368x256xf32> -> vector<2368x256xf32>
    %get3A_144 = arith.constant 0 : index
    %get3A_145 = arith.constant 0 : index
    %get3A_146 = vector.load %arg8[%get3A_144, %get3A_145] : memref<2368x256xf32, #tpu.memory_space<vmem>>, vector<2368x256xf32>
    %add3A_147 = arith.addf %get3A_146, %dot_general3A_143 : vector<2368x256xf32>
    %swap3A_148 = arith.constant 0 : index
    %swap3A_149 = arith.constant 0 : index
    %swap3A_150 = vector.load %arg8[%swap3A_148, %swap3A_149] : memref<2368x256xf32, #tpu.memory_space<vmem>>, vector<2368x256xf32>
    tpu.vector_store %arg8[%swap3A_148, %swap3A_149], %add3A_147 {strides = array<i32>} : memref<2368x256xf32, #tpu.memory_space<vmem>>, vector<2368x256xf32>,
    %slice3A_151 = vector.extract_strided_slice %slice3A_116 {offsets = [2, 0, 0], sizes = [8, 296, 256], strides = [1, 1, 1]} : vector<10x296x256xbf16> to vector<8x296x256xbf16>
    %reshape3A_152 = vector.shape_cast %slice3A_151 : vector<8x296x256xbf16> to vector<2368x256xbf16>
    %get3A_153 = arith.constant 2 : index
    %get3A_154 = arith.constant 2 : index
    %get3A_155 = arith.constant 0 : index
    %get3A_156 = arith.constant 0 : index
    %get3A_157 = vector.load %arg4[%get3A_153, %get3A_154, %get3A_155, %get3A_156] : memref<3x3x256x256xbf16, #tpu.memory_space<vmem>>, vector<1x1x256x256xbf16>
    %get3A_158 = vector.shape_cast %get3A_157 : vector<1x1x256x256xbf16> to vector<256x256xbf16>
    %dot_general3A_159 = arith.constant dense<0.000000e+00> : vector<2368x256xf32>
    %dot_general3A_160 = tpu.matmul %reshape3A_152, %get3A_158, %dot_general3A_159 {dimension_numbers = #tpu.dot_dimension_numbers<[1], [0], [0], [1], [0, 0, 1, 1], [], []>, transpose_lhs_hint = false} : vector<2368x256xbf16>, vector<256x256xbf16>, vector<2368x256xf32> -> vector<2368x256xf32>
    %get3A_161 = arith.constant 0 : index
    %get3A_162 = arith.constant 0 : index
    %get3A_163 = vector.load %arg8[%get3A_161, %get3A_162] : memref<2368x256xf32, #tpu.memory_space<vmem>>, vector<2368x256xf32>
    %add3A_164 = arith.addf %get3A_163, %dot_general3A_160 : vector<2368x256xf32>
    %swap3A_165 = arith.constant 0 : index
    %swap3A_166 = arith.constant 0 : index
    %swap3A_167 = vector.load %arg8[%swap3A_165, %swap3A_166] : memref<2368x256xf32, #tpu.memory_space<vmem>>, vector<2368x256xf32>
    tpu.vector_store %arg8[%swap3A_165, %swap3A_166], %add3A_164 {strides = array<i32>} : memref<2368x256xf32, #tpu.memory_space<vmem>>, vector<2368x256xf32>,
    %get3A_168 = arith.constant 0 : index
    %get3A_169 = arith.constant 0 : index
    %get3A_170 = vector.load %arg8[%get3A_168, %get3A_169] : memref<2368x256xf32, #tpu.memory_space<vmem>>, vector<2368x256xf32>
    %get3A_171 = arith.constant 0 : index
    %get3A_172 = vector.load %arg5[%get3A_171] : memref<256xf32, #tpu.memory_space<vmem>>, vector<256xf32>
    %broadcast_in_dim3A_173 = vector.shape_cast %get3A_172 : vector<256xf32> to vector<1x256xf32>
    %mul3A = vector.broadcast %broadcast_in_dim3A_173 : vector<1x256xf32> to vector<2368x256xf32>
    %mul3A_174 = arith.mulf %get3A_170, %mul3A : vector<2368x256xf32>
    %get3A_175 = arith.constant 0 : index
    %get3A_176 = vector.load %arg6[%get3A_175] : memref<256xf32, #tpu.memory_space<vmem>>, vector<256xf32>
    %broadcast_in_dim3A_177 = vector.shape_cast %get3A_176 : vector<256xf32> to vector<1x256xf32>
    %add3A_178 = vector.broadcast %broadcast_in_dim3A_177 : vector<1x256xf32> to vector<2368x256xf32>
    %add3A_179 = arith.addf %mul3A_174, %add3A_178 : vector<2368x256xf32>
    %max3A = arith.constant 0.000000e+00 : f32
    %max3A_180 = vector.broadcast %max3A : f32 to vector<2368x256xf32>
    %max3A_181 = arith.maximumf %add3A_179, %max3A_180 : vector<2368x256xf32>
    %reshape3A_182 = vector.shape_cast %max3A_181 : vector<2368x256xf32> to vector<8x296x256xf32>
    %convert_element_type3A = arith.truncf %reshape3A_182 : vector<8x296x256xf32> to vector<8x296x256xbf16>
    %swap3A_183 = arith.constant 0 : index
    %swap3A_184 = arith.constant 0 : index
    %swap3A_185 = arith.constant 0 : index
    %swap3A_186 = vector.load %arg7[%swap3A_183, %swap3A_184, %swap3A_185] : memref<8x296x256xbf16, #tpu.memory_space<vmem>>, vector<8x296x256xbf16>
    tpu.vector_store %arg7[%swap3A_183, %swap3A_184, %swap3A_185], %convert_element_type3A {strides = array<i32>} : memref<8x296x256xbf16, #tpu.memory_space<vmem>>, vector<8x296x256xbf16>,
    return
  }
  func.func @transform_0(%arg0: i32) -> (i32, i32, i32) {
    %mul3A = arith.constant 8 : i32
    %mul3A_0 = arith.muli %arg0, %mul3A : i32
    %sub3A = arith.constant 1 : i32
    %sub3A_1 = arith.subi %mul3A_0, %sub3A : i32
    %max3A = arith.constant 0 : i32
    %max3A_2 = arith.maxsi %sub3A_1, %max3A : i32
    %c0_i32 = arith.constant 0 : i32
    %c0_i32_3 = arith.constant 0 : i32
    %c0_i32_4 = arith.constant 0 : i32
    return %max3A_2, %c0_i32, %c0_i32_3 : i32, i32, i32
  }
  func.func @transform_1(%arg0: i32) -> (i32, i32, i32) {
    %c0_i32 = arith.constant 0 : i32
    %c0_i32_0 = arith.constant 0 : i32
    %c0_i32_1 = arith.constant 0 : i32
    return %arg0, %c0_i32, %c0_i32_0 : i32, i32, i32
  }
  func.func @transform_2(%arg0: i32) -> (i32, i32, i32) {
    %mul3A = arith.constant 8 : i32
    %mul3A_0 = arith.muli %arg0, %mul3A : i32
    %add3A = arith.constant 8 : i32
    %add3A_1 = arith.addi %mul3A_0, %add3A : i32
    %min3A = arith.constant 295 : i32
    %min3A_2 = arith.minsi %add3A_1, %min3A : i32
    %c0_i32 = arith.constant 0 : i32
    %c0_i32_3 = arith.constant 0 : i32
    %c0_i32_4 = arith.constant 0 : i32
    return %min3A_2, %c0_i32, %c0_i32_3 : i32, i32, i32
  }
  func.func @transform_3(%arg0: i32) -> (i32, i32, i32, i32) {
    %c0_i32 = arith.constant 0 : i32
    %c0_i32_0 = arith.constant 0 : i32
    %c0_i32_1 = arith.constant 0 : i32
    %c0_i32_2 = arith.constant 0 : i32
    %c0_i32_3 = arith.constant 0 : i32
    return %c0_i32, %c0_i32_0, %c0_i32_1, %c0_i32_2 : i32, i32, i32, i32
  }
  func.func @transform_4(%arg0: i32) -> i32 {
    %c0_i32 = arith.constant 0 : i32
    %c0_i32_0 = arith.constant 0 : i32
    return %c0_i32 : i32
  }
  func.func @transform_5(%arg0: i32) -> i32 {
    %c0_i32 = arith.constant 0 : i32
    %c0_i32_0 = arith.constant 0 : i32
    return %c0_i32 : i32
  }
  func.func @transform_6(%arg0: i32) -> (i32, i32, i32) {
    %c0_i32 = arith.constant 0 : i32
    %c0_i32_0 = arith.constant 0 : i32
    %c0_i32_1 = arith.constant 0 : i32
    return %arg0, %c0_i32, %c0_i32_0 : i32, i32, i32
  }
}

module attributes {stable_mosaic.version = 14 : i64} {
  func.func @_ow4_body(%arg0: i32, %arg1: memref<8x296x256xbf16, #tpu.memory_space<vmem>>, %arg2: memref<256x256xbf16, #tpu.memory_space<vmem>>, %arg3: memref<256xf32, #tpu.memory_space<vmem>>, %arg4: memref<8x296x256xf32, #tpu.memory_space<vmem>>) attributes {dimension_semantics = [#tpu.dimension_semantics<arbitrary>], iteration_bounds = array<i64: 37>, scalar_prefetch = 0 : i64, scratch_operands = 0 : i64, tpu.core_type = #tpu.core_type<tc>, window_params = [{transform_indices = @transform_0, window_bounds = array<i64: 8, 296, 256>}, {pipeline_mode = #tpu.pipeline_mode<synchronous>, transform_indices = @transform_1, window_bounds = array<i64: 256, 256>}, {pipeline_mode = #tpu.pipeline_mode<synchronous>, transform_indices = @transform_2, window_bounds = array<i64: 256>}, {transform_indices = @transform_3, window_bounds = array<i64: 8, 296, 256>}]} {
    %get3A = arith.constant 0 : index
    %get3A_0 = arith.constant 0 : index
    %get3A_1 = arith.constant 0 : index
    %get3A_2 = vector.load %arg1[%get3A, %get3A_0, %get3A_1] : memref<8x296x256xbf16, #tpu.memory_space<vmem>>, vector<8x296x256xbf16>
    %reshape3A = vector.shape_cast %get3A_2 : vector<8x296x256xbf16> to vector<2368x256xbf16>
    %get3A_3 = arith.constant 0 : index
    %get3A_4 = arith.constant 0 : index
    %get3A_5 = vector.load %arg2[%get3A_3, %get3A_4] : memref<256x256xbf16, #tpu.memory_space<vmem>>, vector<256x256xbf16>
    %dot_general3A = arith.constant dense<0.000000e+00> : vector<2368x256xf32>
    %dot_general3A_6 = tpu.matmul %reshape3A, %get3A_5, %dot_general3A {dimension_numbers = #tpu.dot_dimension_numbers<[1], [0], [0], [1], [0, 0, 1, 1], [], []>, transpose_lhs_hint = false} : vector<2368x256xbf16>, vector<256x256xbf16>, vector<2368x256xf32> -> vector<2368x256xf32>
    %get3A_7 = arith.constant 0 : index
    %get3A_8 = vector.load %arg3[%get3A_7] : memref<256xf32, #tpu.memory_space<vmem>>, vector<256xf32>
    %broadcast_in_dim3A = vector.shape_cast %get3A_8 : vector<256xf32> to vector<1x256xf32>
    %add3A = vector.broadcast %broadcast_in_dim3A : vector<1x256xf32> to vector<2368x256xf32>
    %add3A_9 = arith.addf %dot_general3A_6, %add3A : vector<2368x256xf32>
    %reshape3A_10 = vector.shape_cast %add3A_9 : vector<2368x256xf32> to vector<8x296x256xf32>
    %swap3A = arith.constant 0 : index
    %swap3A_11 = arith.constant 0 : index
    %swap3A_12 = arith.constant 0 : index
    %swap3A_13 = vector.load %arg4[%swap3A, %swap3A_11, %swap3A_12] : memref<8x296x256xf32, #tpu.memory_space<vmem>>, vector<8x296x256xf32>
    tpu.vector_store %arg4[%swap3A, %swap3A_11, %swap3A_12], %reshape3A_10 {strides = array<i32>} : memref<8x296x256xf32, #tpu.memory_space<vmem>>, vector<8x296x256xf32>,
    return
  }
  func.func @transform_0(%arg0: i32) -> (i32, i32, i32) {
    %c0_i32 = arith.constant 0 : i32
    %c0_i32_0 = arith.constant 0 : i32
    %c0_i32_1 = arith.constant 0 : i32
    return %arg0, %c0_i32, %c0_i32_0 : i32, i32, i32
  }
  func.func @transform_1(%arg0: i32) -> (i32, i32) {
    %c0_i32 = arith.constant 0 : i32
    %c0_i32_0 = arith.constant 0 : i32
    %c0_i32_1 = arith.constant 0 : i32
    return %c0_i32, %c0_i32_0 : i32, i32
  }
  func.func @transform_2(%arg0: i32) -> i32 {
    %c0_i32 = arith.constant 0 : i32
    %c0_i32_0 = arith.constant 0 : i32
    return %c0_i32 : i32
  }
  func.func @transform_3(%arg0: i32) -> (i32, i32, i32) {
    %c0_i32 = arith.constant 0 : i32
    %c0_i32_0 = arith.constant 0 : i32
    %c0_i32_1 = arith.constant 0 : i32
    return %arg0, %c0_i32, %c0_i32_0 : i32, i32, i32
  }
}

</mosaic_0001>

<sc_bundles>
// kernel: kernel.14.cloned.1.call-start
scs
__scs_entry_jumppad:
0x0: {  	(pc) =	sbr.rel $0x88, $3  }
0x1: {  	(tag) =	ssettag $0x0;
	lr =	simm.s32 $0x1  }
0x2: {  	[smem:$0x3F82] =	sst lr;
	_ =	strace $0xD0000000  }
0x3: {  	_ = 	snop  }
0x4: {  	_ = 	snop  }
0x5: {  	_ = 	snop  }
0x6: {  	_ = 	snop  }
0x7: {  	_ = 	snop  }
__scs_overlays_trampoline_lowered:
0x8: {  	[smem:$0x3F91] =	sst s0  }
0x9: {  	[smem:$0x3F92] =	sst s1  }
0xa: {  	[smem:$0x3F93] =	sst s2  }
0xb: {  	[smem:$0x3F94] =	sst s3  }
0xc: {  	[smem:$0x3F95] =	sst s4  }
0xd: {  	[smem:$0x3F96] =	sst s5  }
0xe: {  	[smem:$0x3F97] =	sst s6  }
0xf: {  	[smem:$0x3F98] =	sst s7  }
0x10: {  	[smem:$0x3F99] =	sst s8  }
0x11: {  	[smem:$0x3F9A] =	sst s9;
	s0 =	simm.s32 @!p0 $0x0  }
0x12: {  	s1 =	sld [smem:$0x3F80];
	s0 =	simm.s32 @p0 $0x1  }
0x13: {  	[smem:$0x3F9B] =	sst s0;
	s0 =	simm.s32 @!p1 $0x0  }
0x14: {  	s2 =	sld [smem:$0x3F7F];
	s0 =	simm.s32 @p1 $0x1  }
0x15: {  	[smem:$0x3F9C] =	sst s0;
	s0 =	simm.s32 @!p2 $0x0  }
0x16: {  	s3 =	sld [smem:$0x3FDB];
	s0 =	simm.s32 @p2 $0x1  }
0x17: {  	s4 =	simm.s32 $0x1BF5;
	[smem:$0x3F9E] =	sst s0  }
0x18: {  	s0 =	sld [smem:$0x3F81];
	_ =	swait.ge [sflag:s4], $0x0  }
0x19: {  	s7 =	sld [smem:$0x3F82]  }
0x1a: {  	s8 =	sadd.s32 $0xFFFFE003, lr  }
0x1b: {  	s9 =	sadd.s32 $0xFFFFFEF7, lr;
	s5 =	simm.s32 $0xFFFFFFFF;
	p2 =	slt.u32 s8, $0xFFFFF086  }
0x1c: {  	p1 =	slt.u32 s9, $0xF7A;
	s5 =	simm.s32 @!p2 $0x0  }
0x1d: {  	s5 =	simm.s32 @p1 $0x1;
	p0 =	seq.s32 s7, s2  }
0x1e: {  	s7 =	smul.u32 @!p0 $0xF7A, s2;
	p2 =	seq.s32 @!p0 s5, $0x0  }
0x1f: {  	s9 =	smul.u32 $0xF7A, s1;
	s8 =	simm.s32 @!p0 $0x1BF5;
	p2 =	por !p2, p0  }
0x20: {  	[sflag:s8] =	ssyncset.s32 @!p0 $0xFFFFF086;
	s6 =	sadd.s32 @!p0 s3, s7;
	s7 =	simm.s32 @!p0 $0x108  }
0x21: {  	s3 =	sadd.s32 s3, s9;
	s6 =	sadd.s32 @!p0 $0x88, s6;
	s7 =	simm.s32 @p2 $0x1082  }
0x22: {  	[simem:s7], [sflag:s8] =	dma.local @!p0 [hbm:s6], $0xF7A  }
0x23: {  	s9 =	sor.u32 $0xD0000000, s2;
	s6 =	simm.s32 $0x108;
	_ =	swait.ge @!p0 [sflag:s8], $0x0  }
0x24: {  	s3 =	sadd.s32 $0x88, s3;
	s6 =	simm.s32 @!p1 $0x1082;
	[sflag:s4] =	ssyncset.s32 $0xFFFFF086  }
0x25: {  	[simem:s6], [sflag:s4] =	dma.local [hbm:s3], $0xF7A  }
0x26: {  	[smem:$0x3F82] =	sst s1;
	(tag) =	ssettag s2;
	_ =	strace s9  }
0x27: {  	s1 =	sld [smem:$0x3F92]  }
0x28: {  	s2 =	sld [smem:$0x3F93]  }
0x29: {  	s4 =	sld [smem:$0x3F95]  }
0x2a: {  	p0 =	seq.s32 s5, $0x0;
	s5 =	sld [smem:$0x3F96]  }
0x2b: {  	s6 =	sld [smem:$0x3F97]  }
0x2c: {  	s7 =	sld [smem:$0x3F98]  }
0x2d: {  	s3 =	simm.s32 $0x108;
	s8 =	sld [smem:$0x3F99]  }
0x2e: {  	s3 =	simm.s32 @!p0 $0x1082;
	s9 =	sld [smem:$0x3F9A]  }
0x2f: {  	lr =	sadd.s32 s0, s3;
	s0 =	sld [smem:$0x3F91]  }
0x30: {  	s3 =	sld [smem:$0x3F94]  }
0x31: {  	[smem:$0x3F9D] =	sst s10  }
0x32: {  	s10 =	sld [smem:$0x3F9B];
	_ =	sdelay $0x3  }
0x33: {  	p0 =	seq.s32 s10, $0x1;
	s10 =	sld [smem:$0x3F9D];
	_ =	sdelay $0x3  }
0x34: {  	[smem:$0x3F9D] =	sst s10  }
0x35: {  	s10 =	sld [smem:$0x3F9C];
	_ =	sdelay $0x3  }
0x36: {  	p1 =	seq.s32 s10, $0x1;
	s10 =	sld [smem:$0x3F9D];
	_ =	sdelay $0x3  }
0x37: {  	[smem:$0x3F9D] =	sst s10  }
0x38: {  	s10 =	sld [smem:$0x3F9E]  }
0x39: {  	_ = 	snop;
	(pc) =	sbr.ind lr, $3  }
0x3a: {  	_ = 	snop  }
0x3b: {  	_ = 	snop  }
0x3c: {  	p2 =	seq.s32 s10, $0x1;
	s10 =	sld [smem:$0x3F9D]  }
0x3d: {  	_ =	shalt  }
0x3e: {  	_ =	shalt  }
0x3f: {  	_ =	shalt  }
0x40: {  	_ =	shalt  }
0x41: {  	_ =	shalt  }
0x42: {  	_ =	shalt  }
0x43: {  	_ =	shalt  }
0x44: {  	_ =	shalt  }
0x45: {  	_ =	shalt  }
0x46: {  	_ =	shalt  }
0x47: {  	_ =	shalt  }
0x48: {  	_ =	shalt  }
0x49: {  	_ =	shalt  }
0x4a: {  	_ =	shalt  }
0x4b: {  	_ =	shalt  }
0x4c: {  	_ =	shalt  }
0x4d: {  	_ =	shalt  }
0x4e: {  	_ =	shalt  }
0x4f: {  	_ =	shalt  }
0x50: {  	_ =	shalt  }
0x51: {  	_ =	shalt  }
0x52: {  	_ =	shalt  }
0x53: {  	_ =	shalt  }
0x54: {  	_ =	shalt  }
0x55: {  	_ =	shalt  }
0x56: {  	_ =	shalt  }
0x57: {  	_ =	shalt  }
0x58: {  	_ =	shalt  }
0x59: {  	_ =	shalt  }
0x5a: {  	_ =	shalt  }
0x5b: {  	_ =	shalt  }
0x5c: {  	_ =	shalt  }
0x5d: {  	_ =	shalt  }
0x5e: {  	_ =	shalt  }
0x5f: {  	_ =	shalt  }
0x60: {  	_ =	shalt  }
0x61: {  	_ =	shalt  }
0x62: {  	_ =	shalt  }
0x63: {  	_ =	shalt  }
0x64: {  	_ =	shalt  }
0x65: {  	_ =	shalt  }
0x66: {  	_ =	shalt  }
0x67: {  	_ =	shalt  }
0x68: {  	_ =	shalt  }
0x69: {  	_ =	shalt  }
0x6a: {  	_ =	shalt  }
0x6b: {  	_ =	shalt  }
0x6c: {  	_ =	shalt  }
0x6d: {  	_ =	shalt  }
0x6e: {  	_ =	shalt  }
0x6f: {  	_ =	shalt  }
0x70: {  	_ =	shalt  }
0x71: {  	_ =	shalt  }
0x72: {  	_ =	shalt  }
0x73: {  	_ =	shalt  }
0x74: {  	_ =	shalt  }
0x75: {  	_ =	shalt  }
0x76: {  	_ =	shalt  }
0x77: {  	_ =	shalt  }
0x78: {  	_ =	shalt  }
0x79: {  	_ =	shalt  }
0x7a: {  	_ =	shalt  }
0x7b: {  	_ =	shalt  }
0x7c: {  	_ =	shalt  }
0x7d: {  	_ =	shalt  }
0x7e: {  	_ =	shalt  }
0x7f: {  	_ =	shalt  }
0x80: {  	_ =	shalt  }
0x81: {  	_ =	shalt  }
0x82: {  	_ =	shalt  }
0x83: {  	_ =	shalt  }
0x84: {  	_ =	shalt  }
0x85: {  	_ =	shalt  }
0x86: {  	_ =	shalt  }
0x87: {  	_ =	shalt  }
.Lfunc_end0:
.L_simem_size_0:
called_computation_lowered:
.L_overlay_start_0:
0x88: {  	s2 =	sld [smem:$0x3FD9]  }
0x89: {  	s3 =	sld [smem:$0x3FFE];
	_ =	sdelay $0x1  }
0x8a: {  	s1 =	srdreg.scid  }
0x8b: {  	s0 =	sand.u32 $0x1, s1  }
0x8c: {  	s15 =	sshll.u32 s0, $0xA;
	s2 =	sadd.s32 s3, s2  }
0x8d: {  	s2 =	sadd.s32 s2, s15  }
0x8e: {  	[smem:$0x3FA9] =	sst s2  }
0x8f: {  	_ = 	snop  }
0x90: {  	s2 =	sld [smem:$0x3FD0];
	_ =	sdelay $0x1  }
0x91: {  	s16 =	sld [smem:$0x3FC7]  }
0x92: {  	s5 =	simm.s32 $0xA;
	s6 =	simm.s32 $0x10;
	s4 =	sld [smem:$0x3FB8]  }
0x93: {  	[smem:s6], [sflag:s5] =	dma.local [hbm:s2], $0x1  }
0x94: {  	_ =	swait.eq [sflag:s5], $0x1  }
0x95: {  	s17 =	sld [smem:$0x10];
	[sflag:s5] =	ssyncset.done $0x0  }
0x96: {  	s18 =	sld [smem:$0x11];
	[sflag:s5] =	ssyncadd.s32 $0xFFFFFFFF  }
0x97: {  	s19 =	sld [smem:$0x12];
	(tm) =	ssettm $0x1  }
0x98: {  	s7 =	sld [smem:$0x3FFB];
	_ =	sdelay $0x3  }
0x99: {  	_ =	strace s7  }
0x9a: {  	s7 =	sld [smem:$0x3FFC];
	_ =	sdelay $0x3  }
0x9b: {  	_ =	strace s7  }
0x9c: {  	s7 =	sld [smem:$0x3FFD];
	_ =	sdelay $0x3  }
0x9d: {  	_ =	strace s7  }
0x9e: {  	_ =	strace $0x8FFFFFFF  }
0x9f: {  	s20 =	sld [smem:$0x3FDB];
	_ =	sdelay $0x1  }
0xa0: {  	s8 =	simm.s32 $_scs_section_size  }
0xa1: {  	s9 =	simm.s32 $_size__tile_overlayer_lowered;
	s10 =	simm.s32 $_tile_overlayer_lowered  }
0xa2: {  	s23 =	simm.s32 $0x1BFF;
	s22 =	sshll.u32 s10, $0x1;
	s7 =	sadd.s32 s8, s20  }
0xa3: {  	s11 =	simm.s32 $0x0;
	s21 =	sshll.u32 s9, $0x1;
	s9 =	sadd.s32 s22, s7  }
0xa4: {  	[timem:s11], [sflag:s23] =	dma.local [hbm:s9], s21  }
0xa5: {  	_ =	swait.ge [sflag:s23], s21  }
0xa6: {  	s8 =	ssub.s32 $0x0, s21;
	[sflag:s23] =	ssyncset.done $0x0  }
0xa7: {  	[sflag:s23] =	ssyncadd.s32 s8;
	_ =	sdelay $0x1  }
0xa8: {  	s24 =	simm.s32 $0x1B8B  }
0xa9: {  	_ =	swait.ge [sflag:s24], $0x1  }
0xaa: {  	[sflag:s24] =	ssyncset.done $0x0  }
0xab: {  	s25 =	simm.s32 $0x1B8E;
	[sflag:s24] =	ssyncadd.s32 $0xFFFFFFFF  }
0xac: {  	s26 =	simm.s32 $execute0_lowered;
	[smem:$0x3FD2] =	sst s25  }
0xad: {  	s8 =	sshll.u32 s26, $0x1;
	_ =	strace $0x80000046;
	[dreg:$0x1] =	wrdreg $0xFFFFFFFF  }
0xae: {  	s28 =	simm.s32 $_size_execute0_lowered;
	s7 =	sadd.s32 s7, s8;
	[dreg:$0x0] =	wrdreg $0x0  }
0xaf: {  	s8 =	sshll.u32 s28, $0x1;
	[dreg:$0x2] =	wrdreg s7  }
0xb0: {  	[dreg:$0x3] =	wrdreg s8  }
0xb1: {  	[dreg:$0x4] =	wrdreg $0xC0  }
0xb2: {  	_ =	task [dreg:s11], $0x5FFFF  }
0xb3: {  	[dreg:$0x1] =	wrdreg $0xFFFFFFFF  }
0xb4: {  	[dreg:$0x0] =	wrdreg $0x60  }
0xb5: {  	[dreg:$0x2] =	wrdreg s4  }
0xb6: {  	[dreg:$0x3] =	wrdreg s17  }
0xb7: {  	[dreg:$0x4] =	wrdreg s16  }
0xb8: {  	[dreg:$0x5] =	wrdreg s19  }
0xb9: {  	[dreg:$0x6] =	wrdreg s18  }
0xba: {  	[dreg:$0x7] =	wrdreg $0x9  }
0xbb: {  	_ =	task.clear_ibuf [dreg:s11], $0x8FFFF;
	_ =	strace $0x90000046  }
0xbc: {  	s29 =	simm.s32 $0x9;
	_ =	strace $0x80000048  }
0xbd: {  	_ =	swait.ge [sflag:s29], $0x1  }
0xbe: {  	[sflag:s29] =	ssyncadd.s32 $0xFFFFFFFF  }
0xbf: {  	_ =	strace $0x90000048  }
0xc0: {  	_ =	sfence  }
0xc1: {  	s30 =	sld [smem:$0x0];
	_ =	sdelay $0x2  }
0xc2: {  	s31 =	sshll.u32 s1, $0xD;
	s1 =	sshrl.u32 s1, $0x2  }
0xc3: {  	s3 =	sand.u32 $0x4000, s31;
	s1 =	sadd.s32 s1, s30  }
0xc4: {  	s0 =	sor.u32 s3, s0;
	s1 =	sshll.u32 s1, $0x11  }
0xc5: {  	s0 =	sor.u32 s1, s0  }
0xc6: {  	s0 =	sadd.s32 $0x8F2B, s0  }
0xc7: {  	[sflag:s0] =	ssyncadd.remote.s32 $0x1  }
0xc8: {  	_ =	sfence.sel $0xFFFF  }
0xc9: {  	[dreg:$0x0] =	wrdreg $0xFFFFFFFF;
	(pc) =	sbr.abs _section_cstart, $3  }
0xca: {  	[dreg:$0x1] =	wrdreg $0xFFFFFFFF  }
0xcb: {  	_ =	task.clear_ibuf [dreg:s11], $0x2FFFF;
	_ =	strace $0x9FFFFFFF  }
0xcc: {  	(tm) =	ssettm $0x7FFFFFFF  }
0xcd: {  	_ =	shalt  }
tec
execute0_lowered:
.L_overlay_start_1:
0x0: {  	(tag) =	ssettag $0x1  }
0x1: {  	s1 =	rddreg [dreg:$0x0]  }
0x2: {  	s2 =	rddreg [dreg:$0x1]  }
0x3: {  	s5 =	rddreg [dreg:$0x2];
	s3 =	srdreg.scid  }
0x4: {  	s10 =	rddreg [dreg:$0x3];
	s0 =	stileid.u32;
	s11 =	sand.u32 $0x1, s3  }
0x5: {  	s12 =	rddreg [dreg:$0x4];
	s7 =	sshll.u32 s0, $0x6;
	s6 =	sshll.u32 s11, $0xA  }
0x6: {  	s4 =	simm.s32 $0x0;
	s3 =	rddreg [dreg:$0x5];
	s13 =	sor.u32 s7, s6  }
0x7: {  	[smem:$0x7FF] =	sst s4;
	s6 =	sshrl.u32 s13, $0x3  }
0x8: {  	_ =	strace $0x80000047;
	s6 =	sadd.s32 s5, s6;
	s5 =	simm.s32 $0x2  }
0x9: {  	[tilespmem:s4], [sflag:$0x2] =	stream.linear.gather [hbm4b:s6+s4], $0x40, $0x38;
	[tilespmem:$0x4080] =	vst v63  }
0xa: {  	_ =	swait.ge [sflag:s5], $0x40  }
0xb: {  	s8 =	simm.s32 $0x80;
	[sflag:s5] =	ssyncset.done $0x0  }
0xc: {  	s9 =	simm.s32 $0x1;
	s7 =	simm.s32 $0x40;
	[sflag:s5] =	ssyncadd.s32 $0xFFFFFFC0  }
0xd: {  	[tilespmem:s8], [sflag:$0x1] =	stream.indirect.gather [hbm4b:s1+s7], $0x80, s4, s7, $0xb8;
	[tilespmem:$0x4080] =	vst v63  }
0xe: {  	_ =	swait.ge [sflag:s9], $0x2000  }
0xf: {  	s13 =	sshll.u32 s13, $0x4;
	[sflag:s9] =	ssyncset.done $0x0  }
0x10: {  	s14 =	ssub.s32 $0x2, s11;
	s10 =	sadd.s32 s10, s13;
	[sflag:s9] =	ssyncadd.s32 $0xFFFFE000  }
0x11: {  	[hbm4b:s10+s4] =	stream.linear.scatter [tilespmem:s8], [sflag:$0x2], $0x2000, $0x38;
	[tilespmem:$0x4080] =	vst v63  }
0x12: {  	s15 =	sshrl.u32 s14, $0x1;
	_ =	swait.ge [sflag:s5], $0x2000  }
0x13: {  	s14 =	ssub.s32 s14, s15;
	[sflag:s5] =	ssyncset.done $0x0  }
0x14: {  	s11 =	simm.s32 $0x2080;
	s31 =	smax.u32 s14, $0x1;
	[sflag:s5] =	ssyncadd.s32 $0xFFFFE000  }
0x15: {  	[tilespmem:s11], [sflag:$0x1] =	stream.indirect.gather [hbm4b:s2+s7], $0x80, s4, s7, $0xb8;
	[tilespmem:$0x4080] =	vst v63  }
0x16: {  	p0 =	sne.s32 s31, $0x1;
	_ =	swait.ge [sflag:s9], $0x2000  }
.Ltmp0:
0x17: {  	[sflag:s9] =	ssyncset.done $0x0;
	(pc) =	sbr.rel @!p0 .LBB2_2-.Ltmp0, $4  }
0x18: {  	s12 =	sadd.s32 s12, s13;
	[sflag:s9] =	ssyncadd.s32 $0xFFFFE000  }
0x19: {  	[hbm4b:s12+s4] =	stream.linear.scatter [tilespmem:s11], [sflag:$0x2], $0x2000, $0x38;
	[tilespmem:$0x4080] =	vst v63  }
0x1a: {  	_ =	swait.ge [sflag:s5], $0x2000  }
0x1b: {  	s13 =	sadd.s32 $0xFFFFFFFF, s31;
	[sflag:s5] =	ssyncset.done $0x0  }
.LBB2_1:
0x1c: {  	p0 =	sne.s32 s13, $0x1;
	s13 =	sadd.s32 $0xFFFFFFFF, s13;
	[sflag:s5] =	ssyncadd.s32 $0xFFFFE000  }
0x1d: {  	[tilespmem:s4], [sflag:$0x2] =	stream.linear.gather [hbm4b:s6+s4], $0x40, $0x38;
	[tilespmem:$0x4080] =	vst v63  }
0x1e: {  	_ =	swait.ge [sflag:s5], $0x40  }
0x1f: {  	[sflag:s5] =	ssyncset.done $0x0  }
0x20: {  	[sflag:s5] =	ssyncadd.s32 $0xFFFFFFC0  }
0x21: {  	[tilespmem:s8], [sflag:$0x1] =	stream.indirect.gather [hbm4b:s1+s7], $0x80, s4, s7, $0xb8;
	[tilespmem:$0x4080] =	vst v63  }
0x22: {  	_ =	swait.ge [sflag:s9], $0x2000  }
0x23: {  	[sflag:s9] =	ssyncset.done $0x0  }
0x24: {  	[sflag:s9] =	ssyncadd.s32 $0xFFFFE000  }
0x25: {  	[hbm4b:s10+s4] =	stream.linear.scatter [tilespmem:s8], [sflag:$0x2], $0x2000, $0x38;
	[tilespmem:$0x4080] =	vst v63  }
0x26: {  	_ =	swait.ge [sflag:s5], $0x2000  }
0x27: {  	[sflag:s5] =	ssyncset.done $0x0  }
0x28: {  	[sflag:s5] =	ssyncadd.s32 $0xFFFFE000  }
0x29: {  	[tilespmem:s11], [sflag:$0x1] =	stream.indirect.gather [hbm4b:s2+s7], $0x80, s4, s7, $0xb8;
	[tilespmem:$0x4080] =	vst v63  }
0x2a: {  	_ =	swait.ge [sflag:s9], $0x2000  }
.Ltmp1:
0x2b: {  	[sflag:s9] =	ssyncset.done $0x0;
	(pc) =	sbr.rel @p0 .LBB2_1-.Ltmp1, $4  }
0x2c: {  	[sflag:s9] =	ssyncadd.s32 $0xFFFFE000  }
0x2d: {  	[hbm4b:s12+s4] =	stream.linear.scatter [tilespmem:s11], [sflag:$0x2], $0x2000, $0x38;
	[tilespmem:$0x4080] =	vst v63  }
0x2e: {  	_ =	swait.ge [sflag:s5], $0x2000  }
0x2f: {  	[sflag:s5] =	ssyncset.done $0x0  }
.LBB2_2:
0x30: {  	[sflag:s5] =	ssyncadd.s32 $0xFFFFE000  }
0x31: {  	_ =	sfence.sel $0x180000  }
0x32: {  	[bflag:$0x0] =	sbarrier.arrive $0xFFFF  }
0x33: {  	p0 =	sne.s32 s0, $0x0;
	_ =	strace $0x90000047  }
0x34: {  	s0 =	sadd.s32 @!p0 $0x100000, s3;
	[bflag:$0x2] =	sbarrier.arrive $0xFFFF  }
0x35: {  	[sflag:s0] =	ssyncadd.tile.s32 @!p0 $0x1;
	_ =	shalt  }
.Lfunc_end2:
_tile_overlayer_lowered:
.L_overlay_start_2:
0x36: {  	(tag) =	ssettag $0x2  }
0x37: {  	s0 =	rddreg [dreg:$0x0];
	s2 =	stileid.u32  }
0x38: {  	s1 =	rddreg [dreg:$0x1];
	p0 =	sne.s32 s2, $0x0  }
0x39: {  	s3 =	rddreg [dreg:$0x2];
	[bflag:$0x3] =	sbarrier.arrive $0xFFFF;
	s2 =	simm.s32 @!p0 $0x1C02  }
0x3a: {  	[timem:s3], [sflag:s2] =	dma.local @!p0 [hbm:s0], s1  }
0x3b: {  	s0 =	simm.s32 @!p0 $0x2  }
0x3c: {  	_ =	swait.ge @!p0 [sflag:s0], s1  }
0x3d: {  	s1 =	ssub.s32 @!p0 $0x0, s1;
	[sflag:s0] =	ssyncset.done @!p0 $0x0  }
0x3e: {  	[sflag:s0] =	ssyncadd.s32 @!p0 s1  }
0x3f: {  	[bflag:$0x3] =	sbarrier.arrive $0xFFFF  }
0x40: {  	_ =	shalt  }

// kernel: kernel.17.cloned.1.call-start
scs
__scs_entry_jumppad:
0x0: {  	(pc) =	sbr.rel $0x88, $3  }
0x1: {  	(tag) =	ssettag $0x0;
	lr =	simm.s32 $0x1  }
0x2: {  	[smem:$0x3F82] =	sst lr;
	_ =	strace $0xD0000000  }
0x3: {  	_ = 	snop  }
0x4: {  	_ = 	snop  }
0x5: {  	_ = 	snop  }
0x6: {  	_ = 	snop  }
0x7: {  	_ = 	snop  }
__scs_overlays_trampoline_lowered:
0x8: {  	[smem:$0x3F91] =	sst s0  }
0x9: {  	[smem:$0x3F92] =	sst s1  }
0xa: {  	[smem:$0x3F93] =	sst s2  }
0xb: {  	[smem:$0x3F94] =	sst s3  }
0xc: {  	[smem:$0x3F95] =	sst s4  }
0xd: {  	[smem:$0x3F96] =	sst s5  }
0xe: {  	[smem:$0x3F97] =	sst s6  }
0xf: {  	[smem:$0x3F98] =	sst s7  }
0x10: {  	[smem:$0x3F99] =	sst s8  }
0x11: {  	[smem:$0x3F9A] =	sst s9;
	s0 =	simm.s32 @!p0 $0x0  }
0x12: {  	s1 =	sld [smem:$0x3F80];
	s0 =	simm.s32 @p0 $0x1  }
0x13: {  	[smem:$0x3F9B] =	sst s0;
	s0 =	simm.s32 @!p1 $0x0  }
0x14: {  	s2 =	sld [smem:$0x3F7F];
	s0 =	simm.s32 @p1 $0x1  }
0x15: {  	[smem:$0x3F9C] =	sst s0;
	s0 =	simm.s32 @!p2 $0x0  }
0x16: {  	s3 =	sld [smem:$0x3FDB];
	s0 =	simm.s32 @p2 $0x1  }
0x17: {  	s4 =	simm.s32 $0x1BF5;
	[smem:$0x3F9E] =	sst s0  }
0x18: {  	s0 =	sld [smem:$0x3F81];
	_ =	swait.ge [sflag:s4], $0x0  }
0x19: {  	s7 =	sld [smem:$0x3F82]  }
0x1a: {  	s8 =	sadd.s32 $0xFFFFE003, lr  }
0x1b: {  	s9 =	sadd.s32 $0xFFFFFEF7, lr;
	s5 =	simm.s32 $0xFFFFFFFF;
	p2 =	slt.u32 s8, $0xFFFFF086  }
0x1c: {  	p1 =	slt.u32 s9, $0xF7A;
	s5 =	simm.s32 @!p2 $0x0  }
0x1d: {  	s5 =	simm.s32 @p1 $0x1;
	p0 =	seq.s32 s7, s2  }
0x1e: {  	s7 =	smul.u32 @!p0 $0xF7A, s2;
	p2 =	seq.s32 @!p0 s5, $0x0  }
0x1f: {  	s9 =	smul.u32 $0xF7A, s1;
	s8 =	simm.s32 @!p0 $0x1BF5;
	p2 =	por !p2, p0  }
0x20: {  	[sflag:s8] =	ssyncset.s32 @!p0 $0xFFFFF086;
	s6 =	sadd.s32 @!p0 s3, s7;
	s7 =	simm.s32 @!p0 $0x108  }
0x21: {  	s3 =	sadd.s32 s3, s9;
	s6 =	sadd.s32 @!p0 $0x88, s6;
	s7 =	simm.s32 @p2 $0x1082  }
0x22: {  	[simem:s7], [sflag:s8] =	dma.local @!p0 [hbm:s6], $0xF7A  }
0x23: {  	s9 =	sor.u32 $0xD0000000, s2;
	s6 =	simm.s32 $0x108;
	_ =	swait.ge @!p0 [sflag:s8], $0x0  }
0x24: {  	s3 =	sadd.s32 $0x88, s3;
	s6 =	simm.s32 @!p1 $0x1082;
	[sflag:s4] =	ssyncset.s32 $0xFFFFF086  }
0x25: {  	[simem:s6], [sflag:s4] =	dma.local [hbm:s3], $0xF7A  }
0x26: {  	[smem:$0x3F82] =	sst s1;
	(tag) =	ssettag s2;
	_ =	strace s9  }
0x27: {  	s1 =	sld [smem:$0x3F92]  }
0x28: {  	s2 =	sld [smem:$0x3F93]  }
0x29: {  	s4 =	sld [smem:$0x3F95]  }
0x2a: {  	p0 =	seq.s32 s5, $0x0;
	s5 =	sld [smem:$0x3F96]  }
0x2b: {  	s6 =	sld [smem:$0x3F97]  }
0x2c: {  	s7 =	sld [smem:$0x3F98]  }
0x2d: {  	s3 =	simm.s32 $0x108;
	s8 =	sld [smem:$0x3F99]  }
0x2e: {  	s3 =	simm.s32 @!p0 $0x1082;
	s9 =	sld [smem:$0x3F9A]  }
0x2f: {  	lr =	sadd.s32 s0, s3;
	s0 =	sld [smem:$0x3F91]  }
0x30: {  	s3 =	sld [smem:$0x3F94]  }
0x31: {  	[smem:$0x3F9D] =	sst s10  }
0x32: {  	s10 =	sld [smem:$0x3F9B];
	_ =	sdelay $0x3  }
0x33: {  	p0 =	seq.s32 s10, $0x1;
	s10 =	sld [smem:$0x3F9D];
	_ =	sdelay $0x3  }
0x34: {  	[smem:$0x3F9D] =	sst s10  }
0x35: {  	s10 =	sld [smem:$0x3F9C];
	_ =	sdelay $0x3  }
0x36: {  	p1 =	seq.s32 s10, $0x1;
	s10 =	sld [smem:$0x3F9D];
	_ =	sdelay $0x3  }
0x37: {  	[smem:$0x3F9D] =	sst s10  }
0x38: {  	s10 =	sld [smem:$0x3F9E]  }
0x39: {  	_ = 	snop;
	(pc) =	sbr.ind lr, $3  }
0x3a: {  	_ = 	snop  }
0x3b: {  	_ = 	snop  }
0x3c: {  	p2 =	seq.s32 s10, $0x1;
	s10 =	sld [smem:$0x3F9D]  }
0x3d: {  	_ =	shalt  }
0x3e: {  	_ =	shalt  }
0x3f: {  	_ =	shalt  }
0x40: {  	_ =	shalt  }
0x41: {  	_ =	shalt  }
0x42: {  	_ =	shalt  }
0x43: {  	_ =	shalt  }
0x44: {  	_ =	shalt  }
0x45: {  	_ =	shalt  }
0x46: {  	_ =	shalt  }
0x47: {  	_ =	shalt  }
0x48: {  	_ =	shalt  }
0x49: {  	_ =	shalt  }
0x4a: {  	_ =	shalt  }
0x4b: {  	_ =	shalt  }
0x4c: {  	_ =	shalt  }
0x4d: {  	_ =	shalt  }
0x4e: {  	_ =	shalt  }
0x4f: {  	_ =	shalt  }
0x50: {  	_ =	shalt  }
0x51: {  	_ =	shalt  }
0x52: {  	_ =	shalt  }
0x53: {  	_ =	shalt  }
0x54: {  	_ =	shalt  }
0x55: {  	_ =	shalt  }
0x56: {  	_ =	shalt  }
0x57: {  	_ =	shalt  }
0x58: {  	_ =	shalt  }
0x59: {  	_ =	shalt  }
0x5a: {  	_ =	shalt  }
0x5b: {  	_ =	shalt  }
0x5c: {  	_ =	shalt  }
0x5d: {  	_ =	shalt  }
0x5e: {  	_ =	shalt  }
0x5f: {  	_ =	shalt  }
0x60: {  	_ =	shalt  }
0x61: {  	_ =	shalt  }
0x62: {  	_ =	shalt  }
0x63: {  	_ =	shalt  }
0x64: {  	_ =	shalt  }
0x65: {  	_ =	shalt  }
0x66: {  	_ =	shalt  }
0x67: {  	_ =	shalt  }
0x68: {  	_ =	shalt  }
0x69: {  	_ =	shalt  }
0x6a: {  	_ =	shalt  }
0x6b: {  	_ =	shalt  }
0x6c: {  	_ =	shalt  }
0x6d: {  	_ =	shalt  }
0x6e: {  	_ =	shalt  }
0x6f: {  	_ =	shalt  }
0x70: {  	_ =	shalt  }
0x71: {  	_ =	shalt  }
0x72: {  	_ =	shalt  }
0x73: {  	_ =	shalt  }
0x74: {  	_ =	shalt  }
0x75: {  	_ =	shalt  }
0x76: {  	_ =	shalt  }
0x77: {  	_ =	shalt  }
0x78: {  	_ =	shalt  }
0x79: {  	_ =	shalt  }
0x7a: {  	_ =	shalt  }
0x7b: {  	_ =	shalt  }
0x7c: {  	_ =	shalt  }
0x7d: {  	_ =	shalt  }
0x7e: {  	_ =	shalt  }
0x7f: {  	_ =	shalt  }
0x80: {  	_ =	shalt  }
0x81: {  	_ =	shalt  }
0x82: {  	_ =	shalt  }
0x83: {  	_ =	shalt  }
0x84: {  	_ =	shalt  }
0x85: {  	_ =	shalt  }
0x86: {  	_ =	shalt  }
0x87: {  	_ =	shalt  }
.Lfunc_end0:
.L_simem_size_0:
called_computation.1_lowered:
.L_overlay_start_0:
0x88: {  	s2 =	sld [smem:$0x3FD9]  }
0x89: {  	s3 =	sld [smem:$0x3FFE];
	_ =	sdelay $0x1  }
0x8a: {  	s1 =	srdreg.scid  }
0x8b: {  	s0 =	sand.u32 $0x1, s1  }
0x8c: {  	s14 =	sshll.u32 s0, $0xA;
	s2 =	sadd.s32 s3, s2  }
0x8d: {  	s2 =	sadd.s32 s2, s14  }
0x8e: {  	[smem:$0x3FA9] =	sst s2  }
0x8f: {  	_ = 	snop  }
0x90: {  	s2 =	sld [smem:$0x3FD0];
	_ =	sdelay $0x2  }
0x91: {  	s4 =	simm.s32 $0xA;
	s5 =	simm.s32 $0x10;
	s15 =	sld [smem:$0x3FB7]  }
0x92: {  	[smem:s5], [sflag:s4] =	dma.local [hbm:s2], $0x1  }
0x93: {  	_ =	swait.eq [sflag:s4], $0x1  }
0x94: {  	[sflag:s4] =	ssyncset.done $0x0  }
0x95: {  	s16 =	sld [smem:$0x10];
	[sflag:s4] =	ssyncadd.s32 $0xFFFFFFFF  }
0x96: {  	s17 =	sld [smem:$0x12];
	(tm) =	ssettm $0x1  }
0x97: {  	s18 =	sld [smem:$0x3FFB];
	_ =	sdelay $0x3  }
0x98: {  	_ =	strace s18  }
0x99: {  	s5 =	sld [smem:$0x3FFC];
	_ =	sdelay $0x3  }
0x9a: {  	_ =	strace s5  }
0x9b: {  	s5 =	sld [smem:$0x3FFD];
	_ =	sdelay $0x3  }
0x9c: {  	_ =	strace s5  }
0x9d: {  	_ =	strace $0x8FFFFFFF  }
0x9e: {  	s19 =	sld [smem:$0x3FDB];
	_ =	sdelay $0x1  }
0x9f: {  	s6 =	simm.s32 $_scs_section_size  }
0xa0: {  	s7 =	simm.s32 $_size__tile_overlayer_lowered;
	s8 =	simm.s32 $_tile_overlayer_lowered  }
0xa1: {  	s22 =	simm.s32 $0x1BFF;
	s21 =	sshll.u32 s8, $0x1;
	s5 =	sadd.s32 s6, s19  }
0xa2: {  	s9 =	simm.s32 $0x0;
	s20 =	sshll.u32 s7, $0x1;
	s7 =	sadd.s32 s21, s5  }
0xa3: {  	[timem:s9], [sflag:s22] =	dma.local [hbm:s7], s20  }
0xa4: {  	_ =	swait.ge [sflag:s22], s20  }
0xa5: {  	s6 =	ssub.s32 $0x0, s20;
	[sflag:s22] =	ssyncset.done $0x0  }
0xa6: {  	[sflag:s22] =	ssyncadd.s32 s6;
	_ =	sdelay $0x1  }
0xa7: {  	s23 =	simm.s32 $0x1B8B  }
0xa8: {  	_ =	swait.ge [sflag:s23], $0x1  }
0xa9: {  	[sflag:s23] =	ssyncset.done $0x0  }
0xaa: {  	s25 =	simm.s32 $0x1B8E;
	s24 =	sld [smem:$0x3FFE];
	[sflag:s23] =	ssyncadd.s32 $0xFFFFFFFF  }
0xab: {  	s26 =	simm.s32 $execute0_lowered;
	[smem:$0x3FD2] =	sst s25  }
0xac: {  	s7 =	sshll.u32 s26, $0x1;
	_ =	strace $0x80000049;
	[dreg:$0x1] =	wrdreg $0xFFFFFFFF  }
0xad: {  	s28 =	simm.s32 $_size_execute0_lowered;
	s5 =	sadd.s32 s5, s7;
	[dreg:$0x0] =	wrdreg $0x0  }
0xae: {  	s7 =	sshll.u32 s28, $0x1;
	[dreg:$0x2] =	wrdreg s5  }
0xaf: {  	[dreg:$0x3] =	wrdreg s7  }
0xb0: {  	[dreg:$0x4] =	wrdreg $0xC0  }
0xb1: {  	_ =	task [dreg:s9], $0x5FFFF  }
0xb2: {  	[dreg:$0x1] =	wrdreg $0xFFFFFFFF  }
0xb3: {  	[dreg:$0x0] =	wrdreg $0x60  }
0xb4: {  	[dreg:$0x2] =	wrdreg s16  }
0xb5: {  	[dreg:$0x3] =	wrdreg s24  }
0xb6: {  	[dreg:$0x4] =	wrdreg s15  }
0xb7: {  	[dreg:$0x5] =	wrdreg s17  }
0xb8: {  	[dreg:$0x6] =	wrdreg $0x9  }
0xb9: {  	_ =	task.clear_ibuf [dreg:s9], $0x7FFFF;
	_ =	strace $0x90000049  }
0xba: {  	s29 =	simm.s32 $0x9;
	_ =	strace $0x8000004B  }
0xbb: {  	_ =	swait.ge [sflag:s29], $0x1  }
0xbc: {  	[sflag:s29] =	ssyncadd.s32 $0xFFFFFFFF  }
0xbd: {  	_ =	strace $0x9000004B  }
0xbe: {  	_ =	sfence  }
0xbf: {  	s30 =	sld [smem:$0x0];
	_ =	sdelay $0x2  }
0xc0: {  	s31 =	sshll.u32 s1, $0xD;
	s1 =	sshrl.u32 s1, $0x2  }
0xc1: {  	s3 =	sand.u32 $0x4000, s31;
	s1 =	sadd.s32 s1, s30  }
0xc2: {  	s0 =	sor.u32 s3, s0;
	s1 =	sshll.u32 s1, $0x11  }
0xc3: {  	s0 =	sor.u32 s1, s0  }
0xc4: {  	s0 =	sadd.s32 $0x8F2B, s0  }
0xc5: {  	[sflag:s0] =	ssyncadd.remote.s32 $0x1  }
0xc6: {  	_ =	sfence.sel $0xFFFF  }
0xc7: {  	[dreg:$0x0] =	wrdreg $0xFFFFFFFF;
	(pc) =	sbr.abs _section_cstart, $3  }
0xc8: {  	[dreg:$0x1] =	wrdreg $0xFFFFFFFF  }
0xc9: {  	_ =	task.clear_ibuf [dreg:s9], $0x2FFFF;
	_ =	strace $0x9FFFFFFF  }
0xca: {  	(tm) =	ssettm $0x7FFFFFFF  }
0xcb: {  	_ =	shalt  }
tec
execute0_lowered:
.L_overlay_start_1:
0x0: {  	(tag) =	ssettag $0x1  }
0x1: {  	s0 =	srdreg.scid  }
0x2: {  	s18 =	rddreg [dreg:$0x0];
	s28 =	sand.u32 $0x1, s0  }
0x3: {  	s25 =	rddreg [dreg:$0x1];
	s0 =	stileid.u32;
	s2 =	sshll.u32 s28, $0x4  }
0x4: {  	s1 =	rddreg [dreg:$0x2];
	s4 =	sor.u32 s0, s2  }
0x5: {  	s3 =	simm.s32 $0x0;
	[dreg:$0x5] =	wrdreg s1;
	s5 =	smul.u32 $0x55C00, s4  }
0x6: {  	[smem:$0x7FF] =	sst s3;
	s4 =	smul.u32 $0xAB80, s4  }
0x7: {  	s2 =	rddreg [dreg:$0x3];
	s5 =	sshrl.u32 s5, $0x3  }
0x8: {  	_ =	strace $0x8000004A;
	s4 =	sadd.s32 s2, s4;
	s12 =	sadd.s32 s2, s5  }
0x9: {  	[dreg:$0x6] =	wrdreg s4;
	s4 =	sadd.s32 $0x10A00, s25;
	s20 =	sadd.s32 $0x1000, s12  }
0xa: {  	[tilespmem:s3], [sflag:$0x2] =	stream.linear.gather [hbm4b:s4+s3], $0x4000, $0x38;
	[tilespmem:$0x14180] =	vst v63  }
0xb: {  	s21 =	sadd.s32 $0x2000, s12;
	[dreg:$0x7] =	wrdreg s20  }
0xc: {  	s22 =	sadd.s32 $0x3000, s12;
	[dreg:$0x8] =	wrdreg s21  }
0xd: {  	s5 =	sadd.s32 $0x4000, s12;
	[dreg:$0x9] =	wrdreg s22  }
0xe: {  	[dreg:$0xa] =	wrdreg s5;
	s5 =	simm.s32 $0x2  }
0xf: {  	_ =	swait.ge [sflag:s5], $0x4000  }
0x10: {  	[sflag:s5] =	ssyncset.done $0x0  }
0x11: {  	s6 =	simm.s32 $0x4000;
	[sflag:s5] =	ssyncadd.s32 $0xFFFFC000  }
0x12: {  	[tilespmem:s6], [sflag:$0x2] =	stream.linear.gather [hbm4b:s4+s3], $0x4000, $0x38;
	[tilespmem:$0x14180] =	vst v63  }
0x13: {  	_ =	swait.ge [sflag:s5], $0x4000  }
0x14: {  	[sflag:s5] =	ssyncset.done $0x0  }
0x15: {  	s7 =	rddreg [dreg:$0x6];
	[sflag:s5] =	ssyncadd.s32 $0xFFFFC000  }
0x16: {  	[hbm4b:s7+s3] =	stream.linear.scatter [tilespmem:s3], [sflag:$0x1], $0x8000, $0x38;
	[tilespmem:$0x14180] =	vst v63  }
0x17: {  	s8 =	rddreg [dreg:$0x7]  }
0x18: {  	[hbm4b:s8+s3] =	stream.linear.scatter [tilespmem:s3], [sflag:$0x1], $0x8000, $0x38;
	[tilespmem:$0x14180] =	vst v63  }
0x19: {  	s23 =	rddreg [dreg:$0x8]  }
0x1a: {  	[hbm4b:s23+s3] =	stream.linear.scatter [tilespmem:s3], [sflag:$0x1], $0x8000, $0x38;
	[tilespmem:$0x14180] =	vst v63  }
0x1b: {  	s24 =	rddreg [dreg:$0x9]  }
0x1c: {  	[hbm4b:s24+s3] =	stream.linear.scatter [tilespmem:s3], [sflag:$0x1], $0x8000, $0x38;
	[tilespmem:$0x14180] =	vst v63  }
0x1d: {  	s26 =	rddreg [dreg:$0xa]  }
0x1e: {  	[hbm4b:s26+s3] =	stream.linear.scatter [tilespmem:s3], [sflag:$0x1], $0x8000, $0x38;
	[tilespmem:$0x14180] =	vst v63  }
0x1f: {  	s7 =	sadd.s32 $0x5000, s12  }
0x20: {  	[hbm4b:s7+s3] =	stream.linear.scatter [tilespmem:s3], [sflag:$0x1], $0x8000, $0x38;
	[tilespmem:$0x14180] =	vst v63  }
0x21: {  	s8 =	sadd.s32 $0x6000, s12  }
0x22: {  	[hbm4b:s8+s3] =	stream.linear.scatter [tilespmem:s3], [sflag:$0x1], $0x8000, $0x38;
	[tilespmem:$0x14180] =	vst v63  }
0x23: {  	s9 =	sadd.s32 $0x7000, s12  }
0x24: {  	[hbm4b:s9+s3] =	stream.linear.scatter [tilespmem:s3], [sflag:$0x1], $0x8000, $0x38;
	[tilespmem:$0x14180] =	vst v63  }
0x25: {  	s10 =	sadd.s32 $0x8000, s12  }
0x26: {  	[hbm4b:s10+s3] =	stream.linear.scatter [tilespmem:s3], [sflag:$0x1], $0x8000, $0x38;
	[tilespmem:$0x14180] =	vst v63  }
0x27: {  	s11 =	sadd.s32 $0x9000, s12  }
0x28: {  	[hbm4b:s11+s3] =	stream.linear.scatter [tilespmem:s3], [sflag:$0x1], $0x8000, $0x38;
	[tilespmem:$0x14180] =	vst v63  }
0x29: {  	s13 =	simm.s32 $0x1;
	s12 =	sadd.s32 $0xA000, s12  }
0x2a: {  	[hbm4b:s12+s3] =	stream.linear.scatter [tilespmem:s3], [sflag:$0x1], $0x5C00, $0x38;
	[tilespmem:$0x14180] =	vst v63  }
0x2b: {  	_ =	swait.ge [sflag:s13], $0x8000  }
0x2c: {  	[sflag:s13] =	ssyncset.done $0x0  }
0x2d: {  	[sflag:s13] =	ssyncadd.s32 $0xFFFF8000  }
0x2e: {  	_ =	swait.ge [sflag:s13], $0x8000  }
0x2f: {  	[sflag:s13] =	ssyncset.done $0x0  }
0x30: {  	[sflag:s13] =	ssyncadd.s32 $0xFFFF8000  }
0x31: {  	_ =	swait.ge [sflag:s13], $0x8000  }
0x32: {  	[sflag:s13] =	ssyncset.done $0x0  }
0x33: {  	[sflag:s13] =	ssyncadd.s32 $0xFFFF8000  }
0x34: {  	_ =	swait.ge [sflag:s13], $0x8000  }
0x35: {  	[sflag:s13] =	ssyncset.done $0x0  }
0x36: {  	[sflag:s13] =	ssyncadd.s32 $0xFFFF8000  }
0x37: {  	_ =	swait.ge [sflag:s13], $0x8000  }
0x38: {  	[sflag:s13] =	ssyncset.done $0x0  }
0x39: {  	[sflag:s13] =	ssyncadd.s32 $0xFFFF8000  }
0x3a: {  	_ =	swait.ge [sflag:s13], $0x8000  }
0x3b: {  	[sflag:s13] =	ssyncset.done $0x0  }
0x3c: {  	[sflag:s13] =	ssyncadd.s32 $0xFFFF8000  }
0x3d: {  	_ =	swait.ge [sflag:s13], $0x8000  }
0x3e: {  	[sflag:s13] =	ssyncset.done $0x0  }
0x3f: {  	[sflag:s13] =	ssyncadd.s32 $0xFFFF8000  }
0x40: {  	_ =	swait.ge [sflag:s13], $0x8000  }
0x41: {  	[sflag:s13] =	ssyncset.done $0x0  }
0x42: {  	[sflag:s13] =	ssyncadd.s32 $0xFFFF8000  }
0x43: {  	_ =	swait.ge [sflag:s13], $0x8000  }
0x44: {  	[sflag:s13] =	ssyncset.done $0x0  }
0x45: {  	[sflag:s13] =	ssyncadd.s32 $0xFFFF8000  }
0x46: {  	_ =	swait.ge [sflag:s13], $0x8000  }
0x47: {  	[sflag:s13] =	ssyncset.done $0x0  }
0x48: {  	[sflag:s13] =	ssyncadd.s32 $0xFFFF8000  }
0x49: {  	s14 =	sadd.s32 $0x8200, s25;
	_ =	swait.ge [sflag:s13], $0x5C00  }
0x4a: {  	s15 =	sadd.s32 $0x8400, s25;
	p0 =	seq.s32 s28, $0x0;
	[sflag:s13] =	ssyncset.done $0x0  }
0x4b: {  	s16 =	sshll.u32 s0, $0x5;
	s15 =	smov.u32 @p0 s14;
	[sflag:s13] =	ssyncadd.s32 $0xFFFFA400  }
0x4c: {  	s14 =	sadd.s32 s15, s16;
	s15 =	simm.s32 $0x8000;
	[bflag:$0x0] =	sbarrier.arrive $0xFFFF  }
0x4d: {  	[tilespmem:s15], [sflag:$0x2] =	stream.linear.gather [hbm4b:s14+s3], $0x80, $0x38;
	[tilespmem:$0x14180] =	vst v63  }
0x4e: {  	_ =	swait.ge [sflag:s5], $0x80  }
0x4f: {  	[sflag:s5] =	ssyncset.done $0x0  }
0x50: {  	s17 =	simm.s32 $0x8080;
	s16 =	sadd.s32 $0x10, s14;
	[sflag:s5] =	ssyncadd.s32 $0xFFFFFF80  }
0x51: {  	[tilespmem:s17], [sflag:$0x2] =	stream.linear.gather [hbm4b:s16+s3], $0x80, $0x38;
	[tilespmem:$0x14180] =	vst v63  }
0x52: {  	_ =	swait.ge [sflag:s5], $0x80  }
0x53: {  	s19 =	sshll.u32 s0, $0xC;
	[sflag:s5] =	ssyncset.done $0x0  }
0x54: {  	s18 =	sadd.s32 s18, s19;
	s19 =	simm.s32 $0x8100;
	[sflag:s5] =	ssyncadd.s32 $0xFFFFFF80  }
0x55: {  	[tilespmem:s19], [sflag:$0x2] =	stream.linear.gather [hbm4b:s18+s3], $0x4000, $0x38;
	[tilespmem:$0x14180] =	vst v63  }
0x56: {  	_ =	swait.ge [sflag:s5], $0x4000  }
0x57: {  	[sflag:s5] =	ssyncset.done $0x0  }
0x58: {  	s20 =	simm.s32 $0x80;
	[sflag:s5] =	ssyncadd.s32 $0xFFFFC000  }
0x59: {  	[hbm4b:s2+s20] =	stream.indirect.scatter [tilespmem:s19], [sflag:$0x1], $0x80, s15, s20, $0xb8;
	[tilespmem:$0x14180] =	vst v63  }
0x5a: {  	_ =	swait.ge [sflag:s13], $0x4000  }
0x5b: {  	[sflag:s13] =	ssyncset.done $0x0  }
0x5c: {  	s21 =	sadd.s32 $0x800, s18;
	s22 =	simm.s32 $0xC100;
	[sflag:s13] =	ssyncadd.s32 $0xFFFFC000  }
0x5d: {  	[tilespmem:s22], [sflag:$0x2] =	stream.linear.gather [hbm4b:s21+s3], $0x4000, $0x38;
	[tilespmem:$0x14180] =	vst v63  }
0x5e: {  	_ =	swait.ge [sflag:s5], $0x4000  }
0x5f: {  	[sflag:s5] =	ssyncset.done $0x0  }
0x60: {  	[sflag:s5] =	ssyncadd.s32 $0xFFFFC000  }
0x61: {  	[hbm4b:s2+s20] =	stream.indirect.scatter [tilespmem:s22], [sflag:$0x1], $0x80, s17, s20, $0xb8;
	[tilespmem:$0x14180] =	vst v63  }
0x62: {  	_ =	swait.ge [sflag:s13], $0x4000  }
0x63: {  	s23 =	sadd.s32 $0x8600, s25;
	s24 =	sadd.s32 $0x8800, s25;
	[sflag:s13] =	ssyncset.done $0x0  }
0x64: {  	s31 =	sshll.u32 s0, $0x4;
	s24 =	smov.u32 @p0 s23;
	[sflag:s13] =	ssyncadd.s32 $0xFFFFC000  }
0x65: {  	s23 =	sadd.s32 s24, s31;
	s24 =	simm.s32 $0x10100;
	[bflag:$0x0] =	sbarrier.arrive $0xFFFF  }
0x66: {  	[tilespmem:s24], [sflag:$0x2] =	stream.linear.gather [hbm4b:s23+s3], $0x80, $0x38;
	[tilespmem:$0x14180] =	vst v63  }
0x67: {  	s26 =	sshll.u32 s0, $0xB;
	_ =	swait.ge [sflag:s5], $0x80  }
0x68: {  	s25 =	sadd.s32 s26, s25;
	[sflag:s5] =	ssyncset.done $0x0  }
0x69: {  	s26 =	simm.s32 $0x10180;
	s25 =	sadd.s32 $0x8A00, s25;
	[sflag:s5] =	ssyncadd.s32 $0xFFFFFF80  }
0x6a: {  	[tilespmem:s26], [sflag:$0x2] =	stream.linear.gather [hbm4b:s25+s3], $0x4000, $0x38;
	[tilespmem:$0x14180] =	vst v63  }
0x6b: {  	_ =	swait.ge [sflag:s5], $0x4000  }
0x6c: {  	[sflag:s5] =	ssyncset.done $0x0  }
0x6d: {  	[sflag:s5] =	ssyncadd.s32 $0xFFFFC000  }
0x6e: {  	[hbm4b:s2+s20] =	stream.indirect.scatter [tilespmem:s26], [sflag:$0x1], $0x80, s24, s20, $0xb8;
	[tilespmem:$0x14180] =	vst v63  }
0x6f: {  	_ =	swait.ge [sflag:s13], $0x4000  }
0x70: {  	s29 =	sor.u32 s0, s28;
	s28 =	ssub.s32 $0x2, s28;
	[sflag:s13] =	ssyncset.done $0x0  }
0x71: {  	p0 =	sne.s32 s29, $0x0;
	s29 =	sshrl.u32 s28, $0x1;
	[sflag:s13] =	ssyncadd.s32 $0xFFFFC000  }
0x72: {  	s31 =	sshll.u32 @!p0 s0, $0x6;
	s28 =	ssub.s32 s28, s29;
	[bflag:$0x0] =	sbarrier.arrive $0xFFFF  }
0x73: {  	s29 =	sor.u32 @!p0 $0x1C02, s31;
	s28 =	smax.u32 s28, $0x1;
	s30 =	rddreg [dreg:$0x5]  }
0x74: {  	[hbm:s2], [sflag:s29] =	dma.local @!p0 [hbm:s30], $0x10  }
0x75: {  	s30 =	sadd.s32 $0xFFFFFFFF, s28  }
0x76: {  	p1 =	sne.s32 s30, $0x0  }
.Ltmp0:
0x77: {  	_ = 	snop;
	(pc) =	sbr.rel @!p1 .LBB2_2-.Ltmp0, $4  }
0x78: {  	_ = 	snop  }
0x79: {  	s28 =	simm.s32 @!p0 $0x2  }
0x7a: {  	_ =	swait.ge @!p0 [sflag:s28], $0x10  }
0x7b: {  	[sflag:s28] =	ssyncset.done @!p0 $0x0  }
.LBB2_1:
0x7c: {  	[sflag:s28] =	ssyncadd.s32 @!p0 $0xFFFFFFF0  }
0x7d: {  	[tilespmem:s3], [sflag:$0x2] =	stream.linear.gather [hbm4b:s4+s3], $0x4000, $0x38;
	[tilespmem:$0x14180] =	vst v63  }
0x7e: {  	_ =	swait.ge [sflag:s5], $0x4000  }
0x7f: {  	[sflag:s5] =	ssyncset.done $0x0  }
0x80: {  	[sflag:s5] =	ssyncadd.s32 $0xFFFFC000  }
0x81: {  	[tilespmem:s6], [sflag:$0x2] =	stream.linear.gather [hbm4b:s4+s3], $0x4000, $0x38;
	[tilespmem:$0x14180] =	vst v63  }
0x82: {  	_ =	swait.ge [sflag:s5], $0x4000  }
0x83: {  	[sflag:s5] =	ssyncset.done $0x0  }
0x84: {  	s31 =	rddreg [dreg:$0x6];
	[sflag:s5] =	ssyncadd.s32 $0xFFFFC000  }
0x85: {  	[hbm4b:s31+s3] =	stream.linear.scatter [tilespmem:s3], [sflag:$0x1], $0x8000, $0x38;
	[tilespmem:$0x14180] =	vst v63  }
0x86: {  	s1 =	rddreg [dreg:$0x7]  }
0x87: {  	[hbm4b:s1+s3] =	stream.linear.scatter [tilespmem:s3], [sflag:$0x1], $0x8000, $0x38;
	[tilespmem:$0x14180] =	vst v63  }
0x88: {  	s31 =	rddreg [dreg:$0x8]  }
0x89: {  	[hbm4b:s31+s3] =	stream.linear.scatter [tilespmem:s3], [sflag:$0x1], $0x8000, $0x38;
	[tilespmem:$0x14180] =	vst v63  }
0x8a: {  	s1 =	rddreg [dreg:$0x9]  }
0x8b: {  	[hbm4b:s1+s3] =	stream.linear.scatter [tilespmem:s3], [sflag:$0x1], $0x8000, $0x38;
	[tilespmem:$0x14180] =	vst v63  }
0x8c: {  	s31 =	rddreg [dreg:$0xa]  }
0x8d: {  	[hbm4b:s31+s3] =	stream.linear.scatter [tilespmem:s3], [sflag:$0x1], $0x8000, $0x38;
	[tilespmem:$0x14180] =	vst v63  }
0x8e: {  	_ = 	snop  }
0x8f: {  	[hbm4b:s7+s3] =	stream.linear.scatter [tilespmem:s3], [sflag:$0x1], $0x8000, $0x38;
	[tilespmem:$0x14180] =	vst v63  }
0x90: {  	_ = 	snop  }
0x91: {  	[hbm4b:s8+s3] =	stream.linear.scatter [tilespmem:s3], [sflag:$0x1], $0x8000, $0x38;
	[tilespmem:$0x14180] =	vst v63  }
0x92: {  	_ = 	snop  }
0x93: {  	[hbm4b:s9+s3] =	stream.linear.scatter [tilespmem:s3], [sflag:$0x1], $0x8000, $0x38;
	[tilespmem:$0x14180] =	vst v63  }
0x94: {  	_ = 	snop  }
0x95: {  	[hbm4b:s10+s3] =	stream.linear.scatter [tilespmem:s3], [sflag:$0x1], $0x8000, $0x38;
	[tilespmem:$0x14180] =	vst v63  }
0x96: {  	_ = 	snop  }
0x97: {  	[hbm4b:s11+s3] =	stream.linear.scatter [tilespmem:s3], [sflag:$0x1], $0x8000, $0x38;
	[tilespmem:$0x14180] =	vst v63  }
0x98: {  	_ = 	snop  }
0x99: {  	[hbm4b:s12+s3] =	stream.linear.scatter [tilespmem:s3], [sflag:$0x1], $0x5C00, $0x38;
	[tilespmem:$0x14180] =	vst v63  }
0x9a: {  	_ =	swait.ge [sflag:s13], $0x8000  }
0x9b: {  	[sflag:s13] =	ssyncset.done $0x0  }
0x9c: {  	[sflag:s13] =	ssyncadd.s32 $0xFFFF8000  }
0x9d: {  	_ =	swait.ge [sflag:s13], $0x8000  }
0x9e: {  	[sflag:s13] =	ssyncset.done $0x0  }
0x9f: {  	[sflag:s13] =	ssyncadd.s32 $0xFFFF8000  }
0xa0: {  	_ =	swait.ge [sflag:s13], $0x8000  }
0xa1: {  	[sflag:s13] =	ssyncset.done $0x0  }
0xa2: {  	[sflag:s13] =	ssyncadd.s32 $0xFFFF8000  }
0xa3: {  	_ =	swait.ge [sflag:s13], $0x8000  }
0xa4: {  	[sflag:s13] =	ssyncset.done $0x0  }
0xa5: {  	[sflag:s13] =	ssyncadd.s32 $0xFFFF8000  }
0xa6: {  	_ =	swait.ge [sflag:s13], $0x8000  }
0xa7: {  	[sflag:s13] =	ssyncset.done $0x0  }
0xa8: {  	[sflag:s13] =	ssyncadd.s32 $0xFFFF8000  }
0xa9: {  	_ =	swait.ge [sflag:s13], $0x8000  }
0xaa: {  	[sflag:s13] =	ssyncset.done $0x0  }
0xab: {  	[sflag:s13] =	ssyncadd.s32 $0xFFFF8000  }
0xac: {  	_ =	swait.ge [sflag:s13], $0x8000  }
0xad: {  	[sflag:s13] =	ssyncset.done $0x0  }
0xae: {  	[sflag:s13] =	ssyncadd.s32 $0xFFFF8000  }
0xaf: {  	_ =	swait.ge [sflag:s13], $0x8000  }
0xb0: {  	[sflag:s13] =	ssyncset.done $0x0  }
0xb1: {  	[sflag:s13] =	ssyncadd.s32 $0xFFFF8000  }
0xb2: {  	_ =	swait.ge [sflag:s13], $0x8000  }
0xb3: {  	[sflag:s13] =	ssyncset.done $0x0  }
0xb4: {  	[sflag:s13] =	ssyncadd.s32 $0xFFFF8000  }
0xb5: {  	_ =	swait.ge [sflag:s13], $0x8000  }
0xb6: {  	[sflag:s13] =	ssyncset.done $0x0  }
0xb7: {  	[sflag:s13] =	ssyncadd.s32 $0xFFFF8000  }
0xb8: {  	_ =	swait.ge [sflag:s13], $0x5C00  }
0xb9: {  	[sflag:s13] =	ssyncset.done $0x0  }
0xba: {  	[sflag:s13] =	ssyncadd.s32 $0xFFFFA400  }
0xbb: {  	[bflag:$0x0] =	sbarrier.arrive $0xFFFF  }
0xbc: {  	[tilespmem:s15], [sflag:$0x2] =	stream.linear.gather [hbm4b:s14+s3], $0x80, $0x38;
	[tilespmem:$0x14180] =	vst v63  }
0xbd: {  	_ =	swait.ge [sflag:s5], $0x80  }
0xbe: {  	[sflag:s5] =	ssyncset.done $0x0  }
0xbf: {  	[sflag:s5] =	ssyncadd.s32 $0xFFFFFF80  }
0xc0: {  	[tilespmem:s17], [sflag:$0x2] =	stream.linear.gather [hbm4b:s16+s3], $0x80, $0x38;
	[tilespmem:$0x14180] =	vst v63  }
0xc1: {  	_ =	swait.ge [sflag:s5], $0x80  }
0xc2: {  	[sflag:s5] =	ssyncset.done $0x0  }
0xc3: {  	[sflag:s5] =	ssyncadd.s32 $0xFFFFFF80  }
0xc4: {  	[tilespmem:s19], [sflag:$0x2] =	stream.linear.gather [hbm4b:s18+s3], $0x4000, $0x38;
	[tilespmem:$0x14180] =	vst v63  }
0xc5: {  	_ =	swait.ge [sflag:s5], $0x4000  }
0xc6: {  	[sflag:s5] =	ssyncset.done $0x0  }
0xc7: {  	[sflag:s5] =	ssyncadd.s32 $0xFFFFC000  }
0xc8: {  	[hbm4b:s2+s20] =	stream.indirect.scatter [tilespmem:s19], [sflag:$0x1], $0x80, s15, s20, $0xb8;
	[tilespmem:$0x14180] =	vst v63  }
0xc9: {  	_ =	swait.ge [sflag:s13], $0x4000  }
0xca: {  	[sflag:s13] =	ssyncset.done $0x0  }
0xcb: {  	[sflag:s13] =	ssyncadd.s32 $0xFFFFC000  }
0xcc: {  	[tilespmem:s22], [sflag:$0x2] =	stream.linear.gather [hbm4b:s21+s3], $0x4000, $0x38;
	[tilespmem:$0x14180] =	vst v63  }
0xcd: {  	_ =	swait.ge [sflag:s5], $0x4000  }
0xce: {  	[sflag:s5] =	ssyncset.done $0x0  }
0xcf: {  	[sflag:s5] =	ssyncadd.s32 $0xFFFFC000  }
0xd0: {  	[hbm4b:s2+s20] =	stream.indirect.scatter [tilespmem:s22], [sflag:$0x1], $0x80, s17, s20, $0xb8;
	[tilespmem:$0x14180] =	vst v63  }
0xd1: {  	_ =	swait.ge [sflag:s13], $0x4000  }
0xd2: {  	[sflag:s13] =	ssyncset.done $0x0  }
0xd3: {  	[sflag:s13] =	ssyncadd.s32 $0xFFFFC000  }
0xd4: {  	[bflag:$0x0] =	sbarrier.arrive $0xFFFF  }
0xd5: {  	[tilespmem:s24], [sflag:$0x2] =	stream.linear.gather [hbm4b:s23+s3], $0x80, $0x38;
	[tilespmem:$0x14180] =	vst v63  }
0xd6: {  	_ =	swait.ge [sflag:s5], $0x80  }
0xd7: {  	[sflag:s5] =	ssyncset.done $0x0  }
0xd8: {  	[sflag:s5] =	ssyncadd.s32 $0xFFFFFF80  }
0xd9: {  	[tilespmem:s26], [sflag:$0x2] =	stream.linear.gather [hbm4b:s25+s3], $0x4000, $0x38;
	[tilespmem:$0x14180] =	vst v63  }
0xda: {  	_ =	swait.ge [sflag:s5], $0x4000  }
0xdb: {  	[sflag:s5] =	ssyncset.done $0x0  }
0xdc: {  	[sflag:s5] =	ssyncadd.s32 $0xFFFFC000  }
0xdd: {  	[hbm4b:s2+s20] =	stream.indirect.scatter [tilespmem:s26], [sflag:$0x1], $0x80, s24, s20, $0xb8;
	[tilespmem:$0x14180] =	vst v63  }
0xde: {  	_ =	swait.ge [sflag:s13], $0x4000  }
0xdf: {  	s30 =	sadd.s32 $0xFFFFFFFF, s30;
	[sflag:s13] =	ssyncset.done $0x0  }
0xe0: {  	p1 =	sne.s32 s30, $0x0;
	[sflag:s13] =	ssyncadd.s32 $0xFFFFC000  }
.Ltmp1:
0xe1: {  	[bflag:$0x0] =	sbarrier.arrive $0xFFFF;
	(pc) =	sbr.rel @p1 .LBB2_1-.Ltmp1, $4  }
0xe2: {  	s1 =	rddreg [dreg:$0x5]  }
0xe3: {  	[hbm:s2], [sflag:s29] =	dma.local @!p0 [hbm:s1], $0x10  }
0xe4: {  	_ =	swait.ge @!p0 [sflag:s28], $0x10  }
0xe5: {  	[sflag:s28] =	ssyncset.done @!p0 $0x0  }
.LBB2_2:
0xe6: {  	[sflag:s28] =	ssyncadd.s32 @!p0 $0xFFFFFFF0  }
0xe7: {  	_ =	sfence.sel $0x180000  }
0xe8: {  	[bflag:$0x0] =	sbarrier.arrive $0xFFFF  }
0xe9: {  	_ =	strace $0x9000004A  }
0xea: {  	[bflag:$0x2] =	sbarrier.arrive $0xFFFF  }
0xeb: {  	p0 =	sne.s32 s0, $0x0;
	s0 =	rddreg [dreg:$0x4]  }
0xec: {  	s0 =	sadd.s32 @!p0 $0x100000, s0  }
0xed: {  	[sflag:s0] =	ssyncadd.tile.s32 @!p0 $0x1;
	_ =	shalt  }
.Lfunc_end2:
_tile_overlayer_lowered:
.L_overlay_start_2:
0xee: {  	(tag) =	ssettag $0x2  }
0xef: {  	s0 =	rddreg [dreg:$0x0];
	s2 =	stileid.u32  }
0xf0: {  	s1 =	rddreg [dreg:$0x1];
	p0 =	sne.s32 s2, $0x0  }
0xf1: {  	s3 =	rddreg [dreg:$0x2];
	[bflag:$0x3] =	sbarrier.arrive $0xFFFF;
	s2 =	simm.s32 @!p0 $0x1C02  }
0xf2: {  	[timem:s3], [sflag:s2] =	dma.local @!p0 [hbm:s0], s1  }
0xf3: {  	s0 =	simm.s32 @!p0 $0x2  }
0xf4: {  	_ =	swait.ge @!p0 [sflag:s0], s1  }
0xf5: {  	s1 =	ssub.s32 @!p0 $0x0, s1;
	[sflag:s0] =	ssyncset.done @!p0 $0x0  }
0xf6: {  	[sflag:s0] =	ssyncadd.s32 @!p0 s1  }
0xf7: {  	[bflag:$0x3] =	sbarrier.arrive $0xFFFF  }
0xf8: {  	_ =	shalt  }

</sc_bundles>
